<compile_context>
chip_gen: v7x
topology: tpu7x:2x2x1
jax: 0.10.2.dev20260603
libtpu: 0.0.44.dev20260713+nightly
codegen_flags: <defaults>
</compile_context>

<pallas_src>
import functools
import math

import jax
import jax.numpy as jnp
from jax import lax
from jax.experimental import pallas as pl
from jax.experimental.pallas import tpu as pltpu
from jax.experimental.pallas import tpu_sc as plsc

EMB = 32
SCALE = math.sqrt(32.0)

ROWS = 16384
COLS = 50
NW = 32
R_PER_W = ROWS // NW
TR = 16
N_CHUNKS = R_PER_W // TR
LOOK = TR * COLS
OUT_W = 128
PACK = OUT_W // EMB
OUT_ROWS = ROWS * COLS // PACK
OR_PER_CHUNK = LOOK // PACK

_mesh = plsc.VectorSubcoreMesh(core_axis_name="c", subcore_axis_name="s")


@functools.partial(
    pl.kernel,
    mesh=_mesh,
    out_type=jax.ShapeDtypeStruct((OUT_ROWS, OUT_W), jnp.float32),
    scratch_types=[
        pltpu.VMEM((2, TR, COLS), jnp.int32),
        pltpu.VMEM((2, LOOK, EMB), jnp.float32),
        pltpu.VMEM((2, OR_PER_CHUNK, OUT_W), jnp.float32),
        pltpu.SemaphoreType.DMA((2,)),
    ],
    compiler_params=pltpu.CompilerParams(use_tc_tiling_on_sc=False),
)
def _emb_lookup(tok_hbm, table_hbm, out_hbm, idx_v, rows_v, out_v, gsem):
    wid = lax.axis_index("s") * 2 + lax.axis_index("c")
    base = wid * R_PER_W

    def fire(ci, b):
        r0 = base + ci * TR
        pltpu.sync_copy(tok_hbm.at[pl.ds(r0, TR)], idx_v.at[b])
        for r in range(TR):
            pltpu.async_copy(
                table_hbm.at[idx_v.at[b, r]],
                rows_v.at[b, pl.ds(r * COLS, COLS)],
                gsem.at[b],
            )

    def drain(b):
        for r in range(TR):
            pltpu.make_async_copy(
                table_hbm.at[idx_v.at[b, r]],
                rows_v.at[b, pl.ds(r * COLS, COLS)],
                gsem.at[b],
            ).wait()

    fire(0, 0)

    def outer(g, carry):
        for b in (0, 1):
            ci = g * 2 + b
            nb = 1 - b

            @pl.when(ci + 1 < N_CHUNKS)
            def _():
                fire(ci + 1, nb)

            drain(b)

            @plsc.parallel_loop(0, OR_PER_CHUNK, step=1, unroll=4)
            def _(fr):
                for j in range(PACK):
                    for h in (0, 16):
                        out_v[b, fr, pl.ds(j * EMB + h, 16)] = (
                            rows_v[b, fr * PACK + j, pl.ds(h, 16)] * SCALE
                        )

            f0 = wid * (R_PER_W * COLS // PACK) + ci * OR_PER_CHUNK
            pltpu.sync_copy(out_v.at[b], out_hbm.at[pl.ds(f0, OR_PER_CHUNK)])
        return carry

    lax.fori_loop(0, N_CHUNKS // 2, outer, 0)


def kernel(tokens, table):
    out = _emb_lookup(tokens.astype(jnp.int32), table)
    return out.reshape(ROWS, COLS, EMB)

# --- scband reference (transcript-rebuilt; emitter-appended) ---
"""Pipeline reference for scband-token-embedding-549755814171 (READ-ONLY COPY).

The authoritative reference and input builder live on the scoring server;
editing this copy changes nothing except your own understanding.
"""

import jax, jax.numpy as jnp
import numpy as np

VOCAB = 1000000
EMB = 32
PAD_IDX = 0

def setup_inputs(seed: int = 0) -> dict:
    key = jax.random.key(seed)
    k1, k2 = jax.random.split(key)
    tokens = jax.random.randint(k1, (16384, 50), 0, VOCAB, dtype=jnp.int64)
    table = jax.random.normal(k2, (VOCAB, EMB), dtype=jnp.float32)
    # nn.Embedding zeros the padding_idx row at init
    table = table.at[PAD_IDX].set(0.0)
    return {"tokens": tokens, "table": table}

def reference(tokens, table):
    # output = embedding(tokens) * sqrt(emb_size)
    emb = jnp.take(table, tokens, axis=0)
    return emb * np.sqrt(EMB)

if __name__ == "__main__":
    import jax
    _d = setup_inputs()
    print(jax.jit(kernel)(*tuple(_d.values())))

</pallas_src>

<mosaic_0001>
#map = affine_map<(d0, d1) -> (0, 0)>
module attributes {stable_mosaic.version = 14 : i64} {
  func.func @_emb_lookup(%arg0: i32, %arg1: i32, %arg2: memref<16384x50xi32, #tpu.memory_space<hbm>>, %arg3: memref<1000000x32xf32, #tpu.memory_space<hbm>>, %arg4: memref<204800x128xf32, #tpu.memory_space<hbm>>, %arg5: memref<2x16x50xi32, #tpu.memory_space<vmem>>, %arg6: memref<2x800x32xf32, #tpu.memory_space<vmem>>, %arg7: memref<2x200x128xf32, #tpu.memory_space<vmem>>, %arg8: memref<2x!tpu.dma_semaphore, #tpu.memory_space<semaphore_mem>>) attributes {dimension_semantics = [#tpu.dimension_semantics<core_parallel>, #tpu.dimension_semantics<subcore_parallel>], iteration_bounds = array<i64: 2, 16>, scalar_prefetch = 0 : i64, scratch_operands = 4 : i64, tpu.core_type = #tpu.core_type<sc_vector_subcore>, window_params = [{transform_indices = #map}, {transform_indices = #map}, {transform_indices = #map}]} {
    %mul3A = arith.constant 2 : i32
    %mul3A_0 = arith.muli %arg1, %mul3A : i32
    %add3A = arith.addi %mul3A_0, %arg0 : i32
    %mul3A_1 = arith.constant 512 : i32
    %mul3A_2 = arith.muli %add3A, %mul3A_1 : i32
    %add3A_3 = arith.constant 0 : i32
    %add3A_4 = arith.addi %mul3A_2, %add3A_3 : i32
    %run_scoped3A = arith.constant 0 : i32
    "tpu.region"() ({
      %run_scoped3A_265 = tpu.sem_alloc : memref<!tpu.dma_semaphore, #tpu.memory_space<semaphore_mem>>
      %dma_start3A_266 = arith.constant 0 : i32
      %dma_start3A_267 = arith.constant 0 : i32
      %dma_start3A_268 = tpu.memref_slice %arg5[%run_scoped3A, %dma_start3A_266, %dma_start3A_267] : memref<2x16x50xi32, #tpu.memory_space<vmem>> -> memref<1x16x50xi32, #tpu.memory_space<vmem>>
      %dma_start3A_269 = tpu.memref_squeeze %dma_start3A_268 : memref<1x16x50xi32, #tpu.memory_space<vmem>> -> memref<16x50xi32, #tpu.memory_space<vmem>>
      %dma_start3A_270 = arith.constant 0 : i32
      %dma_start3A_271 = tpu.memref_slice %arg2[%add3A_4, %dma_start3A_270] : memref<16384x50xi32, #tpu.memory_space<hbm>> -> memref<16x50xi32, #tpu.memory_space<hbm>>
      %dma_start3A_272 = arith.constant 0 : i32
      %dma_start3A_273 = arith.constant 0 : i32
      %dma_start3A_274 = tpu.memref_slice %arg5[%run_scoped3A, %dma_start3A_272, %dma_start3A_273] : memref<2x16x50xi32, #tpu.memory_space<vmem>> -> memref<1x16x50xi32, #tpu.memory_space<vmem>>
      %dma_start3A_275 = tpu.memref_squeeze %dma_start3A_274 : memref<1x16x50xi32, #tpu.memory_space<vmem>> -> memref<16x50xi32, #tpu.memory_space<vmem>>
      %dma_start3A_276 = arith.constant 0 : i32
      %dma_start3A_277 = tpu.memref_slice %arg2[%add3A_4, %dma_start3A_276] : memref<16384x50xi32, #tpu.memory_space<hbm>> -> memref<16x50xi32, #tpu.memory_space<hbm>>
      tpu.enqueue_dma source(%dma_start3A_277 : memref<16x50xi32, #tpu.memory_space<hbm>>) target(%dma_start3A_275 : memref<16x50xi32, #tpu.memory_space<vmem>>) target_semaphore(%run_scoped3A_265 : memref<!tpu.dma_semaphore, #tpu.memory_space<semaphore_mem>>)
      %dma_wait3A = arith.constant 0 : i32
      %dma_wait3A_278 = arith.constant 0 : i32
      %dma_wait3A_279 = tpu.memref_slice %arg5[%run_scoped3A, %dma_wait3A, %dma_wait3A_278] : memref<2x16x50xi32, #tpu.memory_space<vmem>> -> memref<1x16x50xi32, #tpu.memory_space<vmem>>
      %dma_wait3A_280 = tpu.memref_squeeze %dma_wait3A_279 : memref<1x16x50xi32, #tpu.memory_space<vmem>> -> memref<16x50xi32, #tpu.memory_space<vmem>>
      %dma_wait3A_281 = arith.constant 0 : i32
      %dma_wait3A_282 = tpu.memref_slice %arg2[%add3A_4, %dma_wait3A_281] : memref<16384x50xi32, #tpu.memory_space<hbm>> -> memref<16x50xi32, #tpu.memory_space<hbm>>
      %dma_wait3A_283 = arith.constant 0 : i32
      %dma_wait3A_284 = arith.constant 0 : i32
      %dma_wait3A_285 = tpu.memref_slice %arg5[%run_scoped3A, %dma_wait3A_283, %dma_wait3A_284] : memref<2x16x50xi32, #tpu.memory_space<vmem>> -> memref<1x16x50xi32, #tpu.memory_space<vmem>>
      %dma_wait3A_286 = tpu.memref_squeeze %dma_wait3A_285 : memref<1x16x50xi32, #tpu.memory_space<vmem>> -> memref<16x50xi32, #tpu.memory_space<vmem>>
      %dma_wait3A_287 = arith.constant 0 : i32
      %dma_wait3A_288 = tpu.memref_slice %arg2[%add3A_4, %dma_wait3A_287] : memref<16384x50xi32, #tpu.memory_space<hbm>> -> memref<16x50xi32, #tpu.memory_space<hbm>>
      tpu.wait_dma2 semaphore(%run_scoped3A_265 : memref<!tpu.dma_semaphore, #tpu.memory_space<semaphore_mem>>) src(%dma_wait3A_288 : memref<16x50xi32, #tpu.memory_space<hbm>>) dst(%dma_wait3A_286 : memref<16x50xi32, #tpu.memory_space<vmem>>)
      tpu.yield
    }) : () -> ()
    %dma_start3A = arith.constant 0 : i32
    %dma_start3A_5 = arith.constant 0 : i32
    %dma_start3A_6 = arith.constant 0 : i32
    %dma_start3A_7 = arith.constant 0 : i32
    %dma_start3A_8 = arith.constant 0 : i32
    %dma_start3A_9 = arith.constant 0 : i32
    %dma_start3A_10 = tpu.memref_slice %arg6[%dma_start3A_6, %dma_start3A_8, %dma_start3A_9] : memref<2x800x32xf32, #tpu.memory_space<vmem>> -> memref<1x50x32xf32, #tpu.memory_space<vmem>>
    %dma_start3A_11 = tpu.memref_squeeze %dma_start3A_10 : memref<1x50x32xf32, #tpu.memory_space<vmem>> -> memref<50x32xf32, #tpu.memory_space<vmem>>
    %dma_start3A_12 = arith.constant 0 : i32
    %dma_start3A_13 = tpu.memref_slice %arg5[%dma_start3A, %dma_start3A_5, %dma_start3A_12] : memref<2x16x50xi32, #tpu.memory_space<vmem>> -> memref<1x1x50xi32, #tpu.memory_space<vmem>>
    %dma_start3A_14 = tpu.memref_squeeze %dma_start3A_13 : memref<1x1x50xi32, #tpu.memory_space<vmem>> -> memref<50xi32, #tpu.memory_space<vmem>>
    %dma_start3A_15 = arith.constant 0 : i32
    %dma_start3A_16 = arith.constant 0 : i32
    %dma_start3A_17 = tpu.memref_slice %arg3[%dma_start3A_15, %dma_start3A_16] : memref<1000000x32xf32, #tpu.memory_space<hbm>> -> memref<1000000x32xf32, #tpu.memory_space<hbm>>
    %dma_start3A_18 = tpu.memref_slice %arg8[%dma_start3A_7] : memref<2x!tpu.dma_semaphore, #tpu.memory_space<semaphore_mem>> -> memref<1x!tpu.dma_semaphore, #tpu.memory_space<semaphore_mem>>
    %dma_start3A_19 = tpu.memref_squeeze %dma_start3A_18 : memref<1x!tpu.dma_semaphore, #tpu.memory_space<semaphore_mem>> -> memref<!tpu.dma_semaphore, #tpu.memory_space<semaphore_mem>>
    tpu.enqueue_indirect_dma source(%dma_start3A_17 : memref<1000000x32xf32, #tpu.memory_space<hbm>>) target(%dma_start3A_11 : memref<50x32xf32, #tpu.memory_space<vmem>>) offsets(%dma_start3A_14 : memref<50xi32, #tpu.memory_space<vmem>>) semaphore(%dma_start3A_19 : memref<!tpu.dma_semaphore, #tpu.memory_space<semaphore_mem>>)
    %dma_start3A_20 = arith.constant 0 : i32
    %dma_start3A_21 = arith.constant 1 : i32
    %dma_start3A_22 = arith.constant 0 : i32
    %dma_start3A_23 = arith.constant 0 : i32
    %dma_start3A_24 = arith.constant 50 : i32
    %dma_start3A_25 = arith.constant 0 : i32
    %dma_start3A_26 = tpu.memref_slice %arg6[%dma_start3A_22, %dma_start3A_24, %dma_start3A_25] : memref<2x800x32xf32, #tpu.memory_space<vmem>> -> memref<1x50x32xf32, #tpu.memory_space<vmem>>
    %dma_start3A_27 = tpu.memref_squeeze %dma_start3A_26 : memref<1x50x32xf32, #tpu.memory_space<vmem>> -> memref<50x32xf32, #tpu.memory_space<vmem>>
    %dma_start3A_28 = arith.constant 0 : i32
    %dma_start3A_29 = tpu.memref_slice %arg5[%dma_start3A_20, %dma_start3A_21, %dma_start3A_28] : memref<2x16x50xi32, #tpu.memory_space<vmem>> -> memref<1x1x50xi32, #tpu.memory_space<vmem>>
    %dma_start3A_30 = tpu.memref_squeeze %dma_start3A_29 : memref<1x1x50xi32, #tpu.memory_space<vmem>> -> memref<50xi32, #tpu.memory_space<vmem>>
    %dma_start3A_31 = arith.constant 0 : i32
    %dma_start3A_32 = arith.constant 0 : i32
    %dma_start3A_33 = tpu.memref_slice %arg3[%dma_start3A_31, %dma_start3A_32] : memref<1000000x32xf32, #tpu.memory_space<hbm>> -> memref<1000000x32xf32, #tpu.memory_space<hbm>>
    %dma_start3A_34 = tpu.memref_slice %arg8[%dma_start3A_23] : memref<2x!tpu.dma_semaphore, #tpu.memory_space<semaphore_mem>> -> memref<1x!tpu.dma_semaphore, #tpu.memory_space<semaphore_mem>>
    %dma_start3A_35 = tpu.memref_squeeze %dma_start3A_34 : memref<1x!tpu.dma_semaphore, #tpu.memory_space<semaphore_mem>> -> memref<!tpu.dma_semaphore, #tpu.memory_space<semaphore_mem>>
    tpu.enqueue_indirect_dma source(%dma_start3A_33 : memref<1000000x32xf32, #tpu.memory_space<hbm>>) target(%dma_start3A_27 : memref<50x32xf32, #tpu.memory_space<vmem>>) offsets(%dma_start3A_30 : memref<50xi32, #tpu.memory_space<vmem>>) semaphore(%dma_start3A_35 : memref<!tpu.dma_semaphore, #tpu.memory_space<semaphore_mem>>)
    %dma_start3A_36 = arith.constant 0 : i32
    %dma_start3A_37 = arith.constant 2 : i32
    %dma_start3A_38 = arith.constant 0 : i32
    %dma_start3A_39 = arith.constant 0 : i32
    %dma_start3A_40 = arith.constant 100 : i32
    %dma_start3A_41 = arith.constant 0 : i32
    %dma_start3A_42 = tpu.memref_slice %arg6[%dma_start3A_38, %dma_start3A_40, %dma_start3A_41] : memref<2x800x32xf32, #tpu.memory_space<vmem>> -> memref<1x50x32xf32, #tpu.memory_space<vmem>>
    %dma_start3A_43 = tpu.memref_squeeze %dma_start3A_42 : memref<1x50x32xf32, #tpu.memory_space<vmem>> -> memref<50x32xf32, #tpu.memory_space<vmem>>
    %dma_start3A_44 = arith.constant 0 : i32
    %dma_start3A_45 = tpu.memref_slice %arg5[%dma_start3A_36, %dma_start3A_37, %dma_start3A_44] : memref<2x16x50xi32, #tpu.memory_space<vmem>> -> memref<1x1x50xi32, #tpu.memory_space<vmem>>
    %dma_start3A_46 = tpu.memref_squeeze %dma_start3A_45 : memref<1x1x50xi32, #tpu.memory_space<vmem>> -> memref<50xi32, #tpu.memory_space<vmem>>
    %dma_start3A_47 = arith.constant 0 : i32
    %dma_start3A_48 = arith.constant 0 : i32
    %dma_start3A_49 = tpu.memref_slice %arg3[%dma_start3A_47, %dma_start3A_48] : memref<1000000x32xf32, #tpu.memory_space<hbm>> -> memref<1000000x32xf32, #tpu.memory_space<hbm>>
    %dma_start3A_50 = tpu.memref_slice %arg8[%dma_start3A_39] : memref<2x!tpu.dma_semaphore, #tpu.memory_space<semaphore_mem>> -> memref<1x!tpu.dma_semaphore, #tpu.memory_space<semaphore_mem>>
    %dma_start3A_51 = tpu.memref_squeeze %dma_start3A_50 : memref<1x!tpu.dma_semaphore, #tpu.memory_space<semaphore_mem>> -> memref<!tpu.dma_semaphore, #tpu.memory_space<semaphore_mem>>
    tpu.enqueue_indirect_dma source(%dma_start3A_49 : memref<1000000x32xf32, #tpu.memory_space<hbm>>) target(%dma_start3A_43 : memref<50x32xf32, #tpu.memory_space<vmem>>) offsets(%dma_start3A_46 : memref<50xi32, #tpu.memory_space<vmem>>) semaphore(%dma_start3A_51 : memref<!tpu.dma_semaphore, #tpu.memory_space<semaphore_mem>>)
    %dma_start3A_52 = arith.constant 0 : i32
    %dma_start3A_53 = arith.constant 3 : i32
    %dma_start3A_54 = arith.constant 0 : i32
    %dma_start3A_55 = arith.constant 0 : i32
    %dma_start3A_56 = arith.constant 150 : i32
    %dma_start3A_57 = arith.constant 0 : i32
    %dma_start3A_58 = tpu.memref_slice %arg6[%dma_start3A_54, %dma_start3A_56, %dma_start3A_57] : memref<2x800x32xf32, #tpu.memory_space<vmem>> -> memref<1x50x32xf32, #tpu.memory_space<vmem>>
    %dma_start3A_59 = tpu.memref_squeeze %dma_start3A_58 : memref<1x50x32xf32, #tpu.memory_space<vmem>> -> memref<50x32xf32, #tpu.memory_space<vmem>>
    %dma_start3A_60 = arith.constant 0 : i32
    %dma_start3A_61 = tpu.memref_slice %arg5[%dma_start3A_52, %dma_start3A_53, %dma_start3A_60] : memref<2x16x50xi32, #tpu.memory_space<vmem>> -> memref<1x1x50xi32, #tpu.memory_space<vmem>>
    %dma_start3A_62 = tpu.memref_squeeze %dma_start3A_61 : memref<1x1x50xi32, #tpu.memory_space<vmem>> -> memref<50xi32, #tpu.memory_space<vmem>>
    %dma_start3A_63 = arith.constant 0 : i32
    %dma_start3A_64 = arith.constant 0 : i32
    %dma_start3A_65 = tpu.memref_slice %arg3[%dma_start3A_63, %dma_start3A_64] : memref<1000000x32xf32, #tpu.memory_space<hbm>> -> memref<1000000x32xf32, #tpu.memory_space<hbm>>
    %dma_start3A_66 = tpu.memref_slice %arg8[%dma_start3A_55] : memref<2x!tpu.dma_semaphore, #tpu.memory_space<semaphore_mem>> -> memref<1x!tpu.dma_semaphore, #tpu.memory_space<semaphore_mem>>
    %dma_start3A_67 = tpu.memref_squeeze %dma_start3A_66 : memref<1x!tpu.dma_semaphore, #tpu.memory_space<semaphore_mem>> -> memref<!tpu.dma_semaphore, #tpu.memory_space<semaphore_mem>>
    tpu.enqueue_indirect_dma source(%dma_start3A_65 : memref<1000000x32xf32, #tpu.memory_space<hbm>>) target(%dma_start3A_59 : memref<50x32xf32, #tpu.memory_space<vmem>>) offsets(%dma_start3A_62 : memref<50xi32, #tpu.memory_space<vmem>>) semaphore(%dma_start3A_67 : memref<!tpu.dma_semaphore, #tpu.memory_space<semaphore_mem>>)
    %dma_start3A_68 = arith.constant 0 : i32
    %dma_start3A_69 = arith.constant 4 : i32
    %dma_start3A_70 = arith.constant 0 : i32
    %dma_start3A_71 = arith.constant 0 : i32
    %dma_start3A_72 = arith.constant 200 : i32
    %dma_start3A_73 = arith.constant 0 : i32
    %dma_start3A_74 = tpu.memref_slice %arg6[%dma_start3A_70, %dma_start3A_72, %dma_start3A_73] : memref<2x800x32xf32, #tpu.memory_space<vmem>> -> memref<1x50x32xf32, #tpu.memory_space<vmem>>
    %dma_start3A_75 = tpu.memref_squeeze %dma_start3A_74 : memref<1x50x32xf32, #tpu.memory_space<vmem>> -> memref<50x32xf32, #tpu.memory_space<vmem>>
    %dma_start3A_76 = arith.constant 0 : i32
    %dma_start3A_77 = tpu.memref_slice %arg5[%dma_start3A_68, %dma_start3A_69, %dma_start3A_76] : memref<2x16x50xi32, #tpu.memory_space<vmem>> -> memref<1x1x50xi32, #tpu.memory_space<vmem>>
    %dma_start3A_78 = tpu.memref_squeeze %dma_start3A_77 : memref<1x1x50xi32, #tpu.memory_space<vmem>> -> memref<50xi32, #tpu.memory_space<vmem>>
    %dma_start3A_79 = arith.constant 0 : i32
    %dma_start3A_80 = arith.constant 0 : i32
    %dma_start3A_81 = tpu.memref_slice %arg3[%dma_start3A_79, %dma_start3A_80] : memref<1000000x32xf32, #tpu.memory_space<hbm>> -> memref<1000000x32xf32, #tpu.memory_space<hbm>>
    %dma_start3A_82 = tpu.memref_slice %arg8[%dma_start3A_71] : memref<2x!tpu.dma_semaphore, #tpu.memory_space<semaphore_mem>> -> memref<1x!tpu.dma_semaphore, #tpu.memory_space<semaphore_mem>>
    %dma_start3A_83 = tpu.memref_squeeze %dma_start3A_82 : memref<1x!tpu.dma_semaphore, #tpu.memory_space<semaphore_mem>> -> memref<!tpu.dma_semaphore, #tpu.memory_space<semaphore_mem>>
    tpu.enqueue_indirect_dma source(%dma_start3A_81 : memref<1000000x32xf32, #tpu.memory_space<hbm>>) target(%dma_start3A_75 : memref<50x32xf32, #tpu.memory_space<vmem>>) offsets(%dma_start3A_78 : memref<50xi32, #tpu.memory_space<vmem>>) semaphore(%dma_start3A_83 : memref<!tpu.dma_semaphore, #tpu.memory_space<semaphore_mem>>)
    %dma_start3A_84 = arith.constant 0 : i32
    %dma_start3A_85 = arith.constant 5 : i32
    %dma_start3A_86 = arith.constant 0 : i32
    %dma_start3A_87 = arith.constant 0 : i32
    %dma_start3A_88 = arith.constant 250 : i32
    %dma_start3A_89 = arith.constant 0 : i32
    %dma_start3A_90 = tpu.memref_slice %arg6[%dma_start3A_86, %dma_start3A_88, %dma_start3A_89] : memref<2x800x32xf32, #tpu.memory_space<vmem>> -> memref<1x50x32xf32, #tpu.memory_space<vmem>>
    %dma_start3A_91 = tpu.memref_squeeze %dma_start3A_90 : memref<1x50x32xf32, #tpu.memory_space<vmem>> -> memref<50x32xf32, #tpu.memory_space<vmem>>
    %dma_start3A_92 = arith.constant 0 : i32
    %dma_start3A_93 = tpu.memref_slice %arg5[%dma_start3A_84, %dma_start3A_85, %dma_start3A_92] : memref<2x16x50xi32, #tpu.memory_space<vmem>> -> memref<1x1x50xi32, #tpu.memory_space<vmem>>
    %dma_start3A_94 = tpu.memref_squeeze %dma_start3A_93 : memref<1x1x50xi32, #tpu.memory_space<vmem>> -> memref<50xi32, #tpu.memory_space<vmem>>
    %dma_start3A_95 = arith.constant 0 : i32
    %dma_start3A_96 = arith.constant 0 : i32
    %dma_start3A_97 = tpu.memref_slice %arg3[%dma_start3A_95, %dma_start3A_96] : memref<1000000x32xf32, #tpu.memory_space<hbm>> -> memref<1000000x32xf32, #tpu.memory_space<hbm>>
    %dma_start3A_98 = tpu.memref_slice %arg8[%dma_start3A_87] : memref<2x!tpu.dma_semaphore, #tpu.memory_space<semaphore_mem>> -> memref<1x!tpu.dma_semaphore, #tpu.memory_space<semaphore_mem>>
    %dma_start3A_99 = tpu.memref_squeeze %dma_start3A_98 : memref<1x!tpu.dma_semaphore, #tpu.memory_space<semaphore_mem>> -> memref<!tpu.dma_semaphore, #tpu.memory_space<semaphore_mem>>
    tpu.enqueue_indirect_dma source(%dma_start3A_97 : memref<1000000x32xf32, #tpu.memory_space<hbm>>) target(%dma_start3A_91 : memref<50x32xf32, #tpu.memory_space<vmem>>) offsets(%dma_start3A_94 : memref<50xi32, #tpu.memory_space<vmem>>) semaphore(%dma_start3A_99 : memref<!tpu.dma_semaphore, #tpu.memory_space<semaphore_mem>>)
    %dma_start3A_100 = arith.constant 0 : i32
    %dma_start3A_101 = arith.constant 6 : i32
    %dma_start3A_102 = arith.constant 0 : i32
    %dma_start3A_103 = arith.constant 0 : i32
    %dma_start3A_104 = arith.constant 300 : i32
    %dma_start3A_105 = arith.constant 0 : i32
    %dma_start3A_106 = tpu.memref_slice %arg6[%dma_start3A_102, %dma_start3A_104, %dma_start3A_105] : memref<2x800x32xf32, #tpu.memory_space<vmem>> -> memref<1x50x32xf32, #tpu.memory_space<vmem>>
    %dma_start3A_107 = tpu.memref_squeeze %dma_start3A_106 : memref<1x50x32xf32, #tpu.memory_space<vmem>> -> memref<50x32xf32, #tpu.memory_space<vmem>>
    %dma_start3A_108 = arith.constant 0 : i32
    %dma_start3A_109 = tpu.memref_slice %arg5[%dma_start3A_100, %dma_start3A_101, %dma_start3A_108] : memref<2x16x50xi32, #tpu.memory_space<vmem>> -> memref<1x1x50xi32, #tpu.memory_space<vmem>>
    %dma_start3A_110 = tpu.memref_squeeze %dma_start3A_109 : memref<1x1x50xi32, #tpu.memory_space<vmem>> -> memref<50xi32, #tpu.memory_space<vmem>>
    %dma_start3A_111 = arith.constant 0 : i32
    %dma_start3A_112 = arith.constant 0 : i32
    %dma_start3A_113 = tpu.memref_slice %arg3[%dma_start3A_111, %dma_start3A_112] : memref<1000000x32xf32, #tpu.memory_space<hbm>> -> memref<1000000x32xf32, #tpu.memory_space<hbm>>
    %dma_start3A_114 = tpu.memref_slice %arg8[%dma_start3A_103] : memref<2x!tpu.dma_semaphore, #tpu.memory_space<semaphore_mem>> -> memref<1x!tpu.dma_semaphore, #tpu.memory_space<semaphore_mem>>
    %dma_start3A_115 = tpu.memref_squeeze %dma_start3A_114 : memref<1x!tpu.dma_semaphore, #tpu.memory_space<semaphore_mem>> -> memref<!tpu.dma_semaphore, #tpu.memory_space<semaphore_mem>>
    tpu.enqueue_indirect_dma source(%dma_start3A_113 : memref<1000000x32xf32, #tpu.memory_space<hbm>>) target(%dma_start3A_107 : memref<50x32xf32, #tpu.memory_space<vmem>>) offsets(%dma_start3A_110 : memref<50xi32, #tpu.memory_space<vmem>>) semaphore(%dma_start3A_115 : memref<!tpu.dma_semaphore, #tpu.memory_space<semaphore_mem>>)
    %dma_start3A_116 = arith.constant 0 : i32
    %dma_start3A_117 = arith.constant 7 : i32
    %dma_start3A_118 = arith.constant 0 : i32
    %dma_start3A_119 = arith.constant 0 : i32
    %dma_start3A_120 = arith.constant 350 : i32
    %dma_start3A_121 = arith.constant 0 : i32
    %dma_start3A_122 = tpu.memref_slice %arg6[%dma_start3A_118, %dma_start3A_120, %dma_start3A_121] : memref<2x800x32xf32, #tpu.memory_space<vmem>> -> memref<1x50x32xf32, #tpu.memory_space<vmem>>
    %dma_start3A_123 = tpu.memref_squeeze %dma_start3A_122 : memref<1x50x32xf32, #tpu.memory_space<vmem>> -> memref<50x32xf32, #tpu.memory_space<vmem>>
    %dma_start3A_124 = arith.constant 0 : i32
    %dma_start3A_125 = tpu.memref_slice %arg5[%dma_start3A_116, %dma_start3A_117, %dma_start3A_124] : memref<2x16x50xi32, #tpu.memory_space<vmem>> -> memref<1x1x50xi32, #tpu.memory_space<vmem>>
    %dma_start3A_126 = tpu.memref_squeeze %dma_start3A_125 : memref<1x1x50xi32, #tpu.memory_space<vmem>> -> memref<50xi32, #tpu.memory_space<vmem>>
    %dma_start3A_127 = arith.constant 0 : i32
    %dma_start3A_128 = arith.constant 0 : i32
    %dma_start3A_129 = tpu.memref_slice %arg3[%dma_start3A_127, %dma_start3A_128] : memref<1000000x32xf32, #tpu.memory_space<hbm>> -> memref<1000000x32xf32, #tpu.memory_space<hbm>>
    %dma_start3A_130 = tpu.memref_slice %arg8[%dma_start3A_119] : memref<2x!tpu.dma_semaphore, #tpu.memory_space<semaphore_mem>> -> memref<1x!tpu.dma_semaphore, #tpu.memory_space<semaphore_mem>>
    %dma_start3A_131 = tpu.memref_squeeze %dma_start3A_130 : memref<1x!tpu.dma_semaphore, #tpu.memory_space<semaphore_mem>> -> memref<!tpu.dma_semaphore, #tpu.memory_space<semaphore_mem>>
    tpu.enqueue_indirect_dma source(%dma_start3A_129 : memref<1000000x32xf32, #tpu.memory_space<hbm>>) target(%dma_start3A_123 : memref<50x32xf32, #tpu.memory_space<vmem>>) offsets(%dma_start3A_126 : memref<50xi32, #tpu.memory_space<vmem>>) semaphore(%dma_start3A_131 : memref<!tpu.dma_semaphore, #tpu.memory_space<semaphore_mem>>)
    %dma_start3A_132 = arith.constant 0 : i32
    %dma_start3A_133 = arith.constant 8 : i32
    %dma_start3A_134 = arith.constant 0 : i32
    %dma_start3A_135 = arith.constant 0 : i32
    %dma_start3A_136 = arith.constant 400 : i32
    %dma_start3A_137 = arith.constant 0 : i32
    %dma_start3A_138 = tpu.memref_slice %arg6[%dma_start3A_134, %dma_start3A_136, %dma_start3A_137] : memref<2x800x32xf32, #tpu.memory_space<vmem>> -> memref<1x50x32xf32, #tpu.memory_space<vmem>>
    %dma_start3A_139 = tpu.memref_squeeze %dma_start3A_138 : memref<1x50x32xf32, #tpu.memory_space<vmem>> -> memref<50x32xf32, #tpu.memory_space<vmem>>
    %dma_start3A_140 = arith.constant 0 : i32
    %dma_start3A_141 = tpu.memref_slice %arg5[%dma_start3A_132, %dma_start3A_133, %dma_start3A_140] : memref<2x16x50xi32, #tpu.memory_space<vmem>> -> memref<1x1x50xi32, #tpu.memory_space<vmem>>
    %dma_start3A_142 = tpu.memref_squeeze %dma_start3A_141 : memref<1x1x50xi32, #tpu.memory_space<vmem>> -> memref<50xi32, #tpu.memory_space<vmem>>
    %dma_start3A_143 = arith.constant 0 : i32
    %dma_start3A_144 = arith.constant 0 : i32
    %dma_start3A_145 = tpu.memref_slice %arg3[%dma_start3A_143, %dma_start3A_144] : memref<1000000x32xf32, #tpu.memory_space<hbm>> -> memref<1000000x32xf32, #tpu.memory_space<hbm>>
    %dma_start3A_146 = tpu.memref_slice %arg8[%dma_start3A_135] : memref<2x!tpu.dma_semaphore, #tpu.memory_space<semaphore_mem>> -> memref<1x!tpu.dma_semaphore, #tpu.memory_space<semaphore_mem>>
    %dma_start3A_147 = tpu.memref_squeeze %dma_start3A_146 : memref<1x!tpu.dma_semaphore, #tpu.memory_space<semaphore_mem>> -> memref<!tpu.dma_semaphore, #tpu.memory_space<semaphore_mem>>
    tpu.enqueue_indirect_dma source(%dma_start3A_145 : memref<1000000x32xf32, #tpu.memory_space<hbm>>) target(%dma_start3A_139 : memref<50x32xf32, #tpu.memory_space<vmem>>) offsets(%dma_start3A_142 : memref<50xi32, #tpu.memory_space<vmem>>) semaphore(%dma_start3A_147 : memref<!tpu.dma_semaphore, #tpu.memory_space<semaphore_mem>>)
    %dma_start3A_148 = arith.constant 0 : i32
    %dma_start3A_149 = arith.constant 9 : i32
    %dma_start3A_150 = arith.constant 0 : i32
    %dma_start3A_151 = arith.constant 0 : i32
    %dma_start3A_152 = arith.constant 450 : i32
    %dma_start3A_153 = arith.constant 0 : i32
    %dma_start3A_154 = tpu.memref_slice %arg6[%dma_start3A_150, %dma_start3A_152, %dma_start3A_153] : memref<2x800x32xf32, #tpu.memory_space<vmem>> -> memref<1x50x32xf32, #tpu.memory_space<vmem>>
    %dma_start3A_155 = tpu.memref_squeeze %dma_start3A_154 : memref<1x50x32xf32, #tpu.memory_space<vmem>> -> memref<50x32xf32, #tpu.memory_space<vmem>>
    %dma_start3A_156 = arith.constant 0 : i32
    %dma_start3A_157 = tpu.memref_slice %arg5[%dma_start3A_148, %dma_start3A_149, %dma_start3A_156] : memref<2x16x50xi32, #tpu.memory_space<vmem>> -> memref<1x1x50xi32, #tpu.memory_space<vmem>>
    %dma_start3A_158 = tpu.memref_squeeze %dma_start3A_157 : memref<1x1x50xi32, #tpu.memory_space<vmem>> -> memref<50xi32, #tpu.memory_space<vmem>>
    %dma_start3A_159 = arith.constant 0 : i32
    %dma_start3A_160 = arith.constant 0 : i32
    %dma_start3A_161 = tpu.memref_slice %arg3[%dma_start3A_159, %dma_start3A_160] : memref<1000000x32xf32, #tpu.memory_space<hbm>> -> memref<1000000x32xf32, #tpu.memory_space<hbm>>
    %dma_start3A_162 = tpu.memref_slice %arg8[%dma_start3A_151] : memref<2x!tpu.dma_semaphore, #tpu.memory_space<semaphore_mem>> -> memref<1x!tpu.dma_semaphore, #tpu.memory_space<semaphore_mem>>
    %dma_start3A_163 = tpu.memref_squeeze %dma_start3A_162 : memref<1x!tpu.dma_semaphore, #tpu.memory_space<semaphore_mem>> -> memref<!tpu.dma_semaphore, #tpu.memory_space<semaphore_mem>>
    tpu.enqueue_indirect_dma source(%dma_start3A_161 : memref<1000000x32xf32, #tpu.memory_space<hbm>>) target(%dma_start3A_155 : memref<50x32xf32, #tpu.memory_space<vmem>>) offsets(%dma_start3A_158 : memref<50xi32, #tpu.memory_space<vmem>>) semaphore(%dma_start3A_163 : memref<!tpu.dma_semaphore, #tpu.memory_space<semaphore_mem>>)
    %dma_start3A_164 = arith.constant 0 : i32
    %dma_start3A_165 = arith.constant 10 : i32
    %dma_start3A_166 = arith.constant 0 : i32
    %dma_start3A_167 = arith.constant 0 : i32
    %dma_start3A_168 = arith.constant 500 : i32
    %dma_start3A_169 = arith.constant 0 : i32
    %dma_start3A_170 = tpu.memref_slice %arg6[%dma_start3A_166, %dma_start3A_168, %dma_start3A_169] : memref<2x800x32xf32, #tpu.memory_space<vmem>> -> memref<1x50x32xf32, #tpu.memory_space<vmem>>
    %dma_start3A_171 = tpu.memref_squeeze %dma_start3A_170 : memref<1x50x32xf32, #tpu.memory_space<vmem>> -> memref<50x32xf32, #tpu.memory_space<vmem>>
    %dma_start3A_172 = arith.constant 0 : i32
    %dma_start3A_173 = tpu.memref_slice %arg5[%dma_start3A_164, %dma_start3A_165, %dma_start3A_172] : memref<2x16x50xi32, #tpu.memory_space<vmem>> -> memref<1x1x50xi32, #tpu.memory_space<vmem>>
    %dma_start3A_174 = tpu.memref_squeeze %dma_start3A_173 : memref<1x1x50xi32, #tpu.memory_space<vmem>> -> memref<50xi32, #tpu.memory_space<vmem>>
    %dma_start3A_175 = arith.constant 0 : i32
    %dma_start3A_176 = arith.constant 0 : i32
    %dma_start3A_177 = tpu.memref_slice %arg3[%dma_start3A_175, %dma_start3A_176] : memref<1000000x32xf32, #tpu.memory_space<hbm>> -> memref<1000000x32xf32, #tpu.memory_space<hbm>>
    %dma_start3A_178 = tpu.memref_slice %arg8[%dma_start3A_167] : memref<2x!tpu.dma_semaphore, #tpu.memory_space<semaphore_mem>> -> memref<1x!tpu.dma_semaphore, #tpu.memory_space<semaphore_mem>>
    %dma_start3A_179 = tpu.memref_squeeze %dma_start3A_178 : memref<1x!tpu.dma_semaphore, #tpu.memory_space<semaphore_mem>> -> memref<!tpu.dma_semaphore, #tpu.memory_space<semaphore_mem>>
    tpu.enqueue_indirect_dma source(%dma_start3A_177 : memref<1000000x32xf32, #tpu.memory_space<hbm>>) target(%dma_start3A_171 : memref<50x32xf32, #tpu.memory_space<vmem>>) offsets(%dma_start3A_174 : memref<50xi32, #tpu.memory_space<vmem>>) semaphore(%dma_start3A_179 : memref<!tpu.dma_semaphore, #tpu.memory_space<semaphore_mem>>)
    %dma_start3A_180 = arith.constant 0 : i32
    %dma_start3A_181 = arith.constant 11 : i32
    %dma_start3A_182 = arith.constant 0 : i32
    %dma_start3A_183 = arith.constant 0 : i32
    %dma_start3A_184 = arith.constant 550 : i32
    %dma_start3A_185 = arith.constant 0 : i32
    %dma_start3A_186 = tpu.memref_slice %arg6[%dma_start3A_182, %dma_start3A_184, %dma_start3A_185] : memref<2x800x32xf32, #tpu.memory_space<vmem>> -> memref<1x50x32xf32, #tpu.memory_space<vmem>>
    %dma_start3A_187 = tpu.memref_squeeze %dma_start3A_186 : memref<1x50x32xf32, #tpu.memory_space<vmem>> -> memref<50x32xf32, #tpu.memory_space<vmem>>
    %dma_start3A_188 = arith.constant 0 : i32
    %dma_start3A_189 = tpu.memref_slice %arg5[%dma_start3A_180, %dma_start3A_181, %dma_start3A_188] : memref<2x16x50xi32, #tpu.memory_space<vmem>> -> memref<1x1x50xi32, #tpu.memory_space<vmem>>
    %dma_start3A_190 = tpu.memref_squeeze %dma_start3A_189 : memref<1x1x50xi32, #tpu.memory_space<vmem>> -> memref<50xi32, #tpu.memory_space<vmem>>
    %dma_start3A_191 = arith.constant 0 : i32
    %dma_start3A_192 = arith.constant 0 : i32
    %dma_start3A_193 = tpu.memref_slice %arg3[%dma_start3A_191, %dma_start3A_192] : memref<1000000x32xf32, #tpu.memory_space<hbm>> -> memref<1000000x32xf32, #tpu.memory_space<hbm>>
    %dma_start3A_194 = tpu.memref_slice %arg8[%dma_start3A_183] : memref<2x!tpu.dma_semaphore, #tpu.memory_space<semaphore_mem>> -> memref<1x!tpu.dma_semaphore, #tpu.memory_space<semaphore_mem>>
    %dma_start3A_195 = tpu.memref_squeeze %dma_start3A_194 : memref<1x!tpu.dma_semaphore, #tpu.memory_space<semaphore_mem>> -> memref<!tpu.dma_semaphore, #tpu.memory_space<semaphore_mem>>
    tpu.enqueue_indirect_dma source(%dma_start3A_193 : memref<1000000x32xf32, #tpu.memory_space<hbm>>) target(%dma_start3A_187 : memref<50x32xf32, #tpu.memory_space<vmem>>) offsets(%dma_start3A_190 : memref<50xi32, #tpu.memory_space<vmem>>) semaphore(%dma_start3A_195 : memref<!tpu.dma_semaphore, #tpu.memory_space<semaphore_mem>>)
    %dma_start3A_196 = arith.constant 0 : i32
    %dma_start3A_197 = arith.constant 12 : i32
    %dma_start3A_198 = arith.constant 0 : i32
    %dma_start3A_199 = arith.constant 0 : i32
    %dma_start3A_200 = arith.constant 600 : i32
    %dma_start3A_201 = arith.constant 0 : i32
    %dma_start3A_202 = tpu.memref_slice %arg6[%dma_start3A_198, %dma_start3A_200, %dma_start3A_201] : memref<2x800x32xf32, #tpu.memory_space<vmem>> -> memref<1x50x32xf32, #tpu.memory_space<vmem>>
    %dma_start3A_203 = tpu.memref_squeeze %dma_start3A_202 : memref<1x50x32xf32, #tpu.memory_space<vmem>> -> memref<50x32xf32, #tpu.memory_space<vmem>>
    %dma_start3A_204 = arith.constant 0 : i32
    %dma_start3A_205 = tpu.memref_slice %arg5[%dma_start3A_196, %dma_start3A_197, %dma_start3A_204] : memref<2x16x50xi32, #tpu.memory_space<vmem>> -> memref<1x1x50xi32, #tpu.memory_space<vmem>>
    %dma_start3A_206 = tpu.memref_squeeze %dma_start3A_205 : memref<1x1x50xi32, #tpu.memory_space<vmem>> -> memref<50xi32, #tpu.memory_space<vmem>>
    %dma_start3A_207 = arith.constant 0 : i32
    %dma_start3A_208 = arith.constant 0 : i32
    %dma_start3A_209 = tpu.memref_slice %arg3[%dma_start3A_207, %dma_start3A_208] : memref<1000000x32xf32, #tpu.memory_space<hbm>> -> memref<1000000x32xf32, #tpu.memory_space<hbm>>
    %dma_start3A_210 = tpu.memref_slice %arg8[%dma_start3A_199] : memref<2x!tpu.dma_semaphore, #tpu.memory_space<semaphore_mem>> -> memref<1x!tpu.dma_semaphore, #tpu.memory_space<semaphore_mem>>
    %dma_start3A_211 = tpu.memref_squeeze %dma_start3A_210 : memref<1x!tpu.dma_semaphore, #tpu.memory_space<semaphore_mem>> -> memref<!tpu.dma_semaphore, #tpu.memory_space<semaphore_mem>>
    tpu.enqueue_indirect_dma source(%dma_start3A_209 : memref<1000000x32xf32, #tpu.memory_space<hbm>>) target(%dma_start3A_203 : memref<50x32xf32, #tpu.memory_space<vmem>>) offsets(%dma_start3A_206 : memref<50xi32, #tpu.memory_space<vmem>>) semaphore(%dma_start3A_211 : memref<!tpu.dma_semaphore, #tpu.memory_space<semaphore_mem>>)
    %dma_start3A_212 = arith.constant 0 : i32
    %dma_start3A_213 = arith.constant 13 : i32
    %dma_start3A_214 = arith.constant 0 : i32
    %dma_start3A_215 = arith.constant 0 : i32
    %dma_start3A_216 = arith.constant 650 : i32
    %dma_start3A_217 = arith.constant 0 : i32
    %dma_start3A_218 = tpu.memref_slice %arg6[%dma_start3A_214, %dma_start3A_216, %dma_start3A_217] : memref<2x800x32xf32, #tpu.memory_space<vmem>> -> memref<1x50x32xf32, #tpu.memory_space<vmem>>
    %dma_start3A_219 = tpu.memref_squeeze %dma_start3A_218 : memref<1x50x32xf32, #tpu.memory_space<vmem>> -> memref<50x32xf32, #tpu.memory_space<vmem>>
    %dma_start3A_220 = arith.constant 0 : i32
    %dma_start3A_221 = tpu.memref_slice %arg5[%dma_start3A_212, %dma_start3A_213, %dma_start3A_220] : memref<2x16x50xi32, #tpu.memory_space<vmem>> -> memref<1x1x50xi32, #tpu.memory_space<vmem>>
    %dma_start3A_222 = tpu.memref_squeeze %dma_start3A_221 : memref<1x1x50xi32, #tpu.memory_space<vmem>> -> memref<50xi32, #tpu.memory_space<vmem>>
    %dma_start3A_223 = arith.constant 0 : i32
    %dma_start3A_224 = arith.constant 0 : i32
    %dma_start3A_225 = tpu.memref_slice %arg3[%dma_start3A_223, %dma_start3A_224] : memref<1000000x32xf32, #tpu.memory_space<hbm>> -> memref<1000000x32xf32, #tpu.memory_space<hbm>>
    %dma_start3A_226 = tpu.memref_slice %arg8[%dma_start3A_215] : memref<2x!tpu.dma_semaphore, #tpu.memory_space<semaphore_mem>> -> memref<1x!tpu.dma_semaphore, #tpu.memory_space<semaphore_mem>>
    %dma_start3A_227 = tpu.memref_squeeze %dma_start3A_226 : memref<1x!tpu.dma_semaphore, #tpu.memory_space<semaphore_mem>> -> memref<!tpu.dma_semaphore, #tpu.memory_space<semaphore_mem>>
    tpu.enqueue_indirect_dma source(%dma_start3A_225 : memref<1000000x32xf32, #tpu.memory_space<hbm>>) target(%dma_start3A_219 : memref<50x32xf32, #tpu.memory_space<vmem>>) offsets(%dma_start3A_222 : memref<50xi32, #tpu.memory_space<vmem>>) semaphore(%dma_start3A_227 : memref<!tpu.dma_semaphore, #tpu.memory_space<semaphore_mem>>)
    %dma_start3A_228 = arith.constant 0 : i32
    %dma_start3A_229 = arith.constant 14 : i32
    %dma_start3A_230 = arith.constant 0 : i32
    %dma_start3A_231 = arith.constant 0 : i32
    %dma_start3A_232 = arith.constant 700 : i32
    %dma_start3A_233 = arith.constant 0 : i32
    %dma_start3A_234 = tpu.memref_slice %arg6[%dma_start3A_230, %dma_start3A_232, %dma_start3A_233] : memref<2x800x32xf32, #tpu.memory_space<vmem>> -> memref<1x50x32xf32, #tpu.memory_space<vmem>>
    %dma_start3A_235 = tpu.memref_squeeze %dma_start3A_234 : memref<1x50x32xf32, #tpu.memory_space<vmem>> -> memref<50x32xf32, #tpu.memory_space<vmem>>
    %dma_start3A_236 = arith.constant 0 : i32
    %dma_start3A_237 = tpu.memref_slice %arg5[%dma_start3A_228, %dma_start3A_229, %dma_start3A_236] : memref<2x16x50xi32, #tpu.memory_space<vmem>> -> memref<1x1x50xi32, #tpu.memory_space<vmem>>
    %dma_start3A_238 = tpu.memref_squeeze %dma_start3A_237 : memref<1x1x50xi32, #tpu.memory_space<vmem>> -> memref<50xi32, #tpu.memory_space<vmem>>
    %dma_start3A_239 = arith.constant 0 : i32
    %dma_start3A_240 = arith.constant 0 : i32
    %dma_start3A_241 = tpu.memref_slice %arg3[%dma_start3A_239, %dma_start3A_240] : memref<1000000x32xf32, #tpu.memory_space<hbm>> -> memref<1000000x32xf32, #tpu.memory_space<hbm>>
    %dma_start3A_242 = tpu.memref_slice %arg8[%dma_start3A_231] : memref<2x!tpu.dma_semaphore, #tpu.memory_space<semaphore_mem>> -> memref<1x!tpu.dma_semaphore, #tpu.memory_space<semaphore_mem>>
    %dma_start3A_243 = tpu.memref_squeeze %dma_start3A_242 : memref<1x!tpu.dma_semaphore, #tpu.memory_space<semaphore_mem>> -> memref<!tpu.dma_semaphore, #tpu.memory_space<semaphore_mem>>
    tpu.enqueue_indirect_dma source(%dma_start3A_241 : memref<1000000x32xf32, #tpu.memory_space<hbm>>) target(%dma_start3A_235 : memref<50x32xf32, #tpu.memory_space<vmem>>) offsets(%dma_start3A_238 : memref<50xi32, #tpu.memory_space<vmem>>) semaphore(%dma_start3A_243 : memref<!tpu.dma_semaphore, #tpu.memory_space<semaphore_mem>>)
    %dma_start3A_244 = arith.constant 0 : i32
    %dma_start3A_245 = arith.constant 15 : i32
    %dma_start3A_246 = arith.constant 0 : i32
    %dma_start3A_247 = arith.constant 0 : i32
    %dma_start3A_248 = arith.constant 750 : i32
    %dma_start3A_249 = arith.constant 0 : i32
    %dma_start3A_250 = tpu.memref_slice %arg6[%dma_start3A_246, %dma_start3A_248, %dma_start3A_249] : memref<2x800x32xf32, #tpu.memory_space<vmem>> -> memref<1x50x32xf32, #tpu.memory_space<vmem>>
    %dma_start3A_251 = tpu.memref_squeeze %dma_start3A_250 : memref<1x50x32xf32, #tpu.memory_space<vmem>> -> memref<50x32xf32, #tpu.memory_space<vmem>>
    %dma_start3A_252 = arith.constant 0 : i32
    %dma_start3A_253 = tpu.memref_slice %arg5[%dma_start3A_244, %dma_start3A_245, %dma_start3A_252] : memref<2x16x50xi32, #tpu.memory_space<vmem>> -> memref<1x1x50xi32, #tpu.memory_space<vmem>>
    %dma_start3A_254 = tpu.memref_squeeze %dma_start3A_253 : memref<1x1x50xi32, #tpu.memory_space<vmem>> -> memref<50xi32, #tpu.memory_space<vmem>>
    %dma_start3A_255 = arith.constant 0 : i32
    %dma_start3A_256 = arith.constant 0 : i32
    %dma_start3A_257 = tpu.memref_slice %arg3[%dma_start3A_255, %dma_start3A_256] : memref<1000000x32xf32, #tpu.memory_space<hbm>> -> memref<1000000x32xf32, #tpu.memory_space<hbm>>
    %dma_start3A_258 = tpu.memref_slice %arg8[%dma_start3A_247] : memref<2x!tpu.dma_semaphore, #tpu.memory_space<semaphore_mem>> -> memref<1x!tpu.dma_semaphore, #tpu.memory_space<semaphore_mem>>
    %dma_start3A_259 = tpu.memref_squeeze %dma_start3A_258 : memref<1x!tpu.dma_semaphore, #tpu.memory_space<semaphore_mem>> -> memref<!tpu.dma_semaphore, #tpu.memory_space<semaphore_mem>>
    tpu.enqueue_indirect_dma source(%dma_start3A_257 : memref<1000000x32xf32, #tpu.memory_space<hbm>>) target(%dma_start3A_251 : memref<50x32xf32, #tpu.memory_space<vmem>>) offsets(%dma_start3A_254 : memref<50xi32, #tpu.memory_space<vmem>>) semaphore(%dma_start3A_259 : memref<!tpu.dma_semaphore, #tpu.memory_space<semaphore_mem>>)
    %scan3A = arith.constant 0 : i32
    %scan3A_260 = arith.constant 0 : i32
    %scan3A_261 = arith.constant 16 : i32
    %scan3A_262 = arith.addi %scan3A_260, %scan3A_261 : i32
    %scan3A_263 = arith.constant 1 : i32
    scf.for %scan3A_265 = %scan3A_260 to %scan3A_262 step %scan3A_263  : i32 {
      %mul3A_266 = arith.constant 2 : i32
      %mul3A_267 = arith.muli %scan3A_265, %mul3A_266 : i32
      %add3A_268 = arith.constant 0 : i32
      %add3A_269 = arith.addi %mul3A_267, %add3A_268 : i32
      %add3A_270 = arith.constant 1 : i32
      %add3A_271 = arith.addi %add3A_269, %add3A_270 : i32
      %lt3A = arith.constant 32 : i32
      %lt3A_272 = arith.cmpi slt, %add3A_271, %lt3A : i32
      %convert_element_type3A = arith.extui %lt3A_272 : i1 to i32
      %cond3A = arith.constant 0 : i32
      %cond3A_273 = arith.cmpi ne, %convert_element_type3A, %cond3A : i32
      scf.if %cond3A_273 {
        %add3A_813 = arith.constant 1 : i32
        %add3A_814 = arith.addi %add3A_269, %add3A_813 : i32
        %mul3A_815 = arith.constant 16 : i32
        %mul3A_816 = arith.muli %add3A_814, %mul3A_815 : i32
        %add3A_817 = arith.addi %mul3A_2, %mul3A_816 : i32
        %run_scoped3A_818 = arith.constant 1 : i32
        "tpu.region"() ({
          %run_scoped3A_1075 = tpu.sem_alloc : memref<!tpu.dma_semaphore, #tpu.memory_space<semaphore_mem>>
          %dma_start3A_1076 = arith.constant 0 : i32
          %dma_start3A_1077 = arith.constant 0 : i32
          %dma_start3A_1078 = tpu.memref_slice %arg5[%run_scoped3A_818, %dma_start3A_1076, %dma_start3A_1077] : memref<2x16x50xi32, #tpu.memory_space<vmem>> -> memref<1x16x50xi32, #tpu.memory_space<vmem>>
          %dma_start3A_1079 = tpu.memref_squeeze %dma_start3A_1078 : memref<1x16x50xi32, #tpu.memory_space<vmem>> -> memref<16x50xi32, #tpu.memory_space<vmem>>
          %dma_start3A_1080 = arith.constant 0 : i32
          %dma_start3A_1081 = tpu.memref_slice %arg2[%add3A_817, %dma_start3A_1080] : memref<16384x50xi32, #tpu.memory_space<hbm>> -> memref<16x50xi32, #tpu.memory_space<hbm>>
          %dma_start3A_1082 = arith.constant 0 : i32
          %dma_start3A_1083 = arith.constant 0 : i32
          %dma_start3A_1084 = tpu.memref_slice %arg5[%run_scoped3A_818, %dma_start3A_1082, %dma_start3A_1083] : memref<2x16x50xi32, #tpu.memory_space<vmem>> -> memref<1x16x50xi32, #tpu.memory_space<vmem>>
          %dma_start3A_1085 = tpu.memref_squeeze %dma_start3A_1084 : memref<1x16x50xi32, #tpu.memory_space<vmem>> -> memref<16x50xi32, #tpu.memory_space<vmem>>
          %dma_start3A_1086 = arith.constant 0 : i32
          %dma_start3A_1087 = tpu.memref_slice %arg2[%add3A_817, %dma_start3A_1086] : memref<16384x50xi32, #tpu.memory_space<hbm>> -> memref<16x50xi32, #tpu.memory_space<hbm>>
          tpu.enqueue_dma source(%dma_start3A_1087 : memref<16x50xi32, #tpu.memory_space<hbm>>) target(%dma_start3A_1085 : memref<16x50xi32, #tpu.memory_space<vmem>>) target_semaphore(%run_scoped3A_1075 : memref<!tpu.dma_semaphore, #tpu.memory_space<semaphore_mem>>)
          %dma_wait3A_1088 = arith.constant 0 : i32
          %dma_wait3A_1089 = arith.constant 0 : i32
          %dma_wait3A_1090 = tpu.memref_slice %arg5[%run_scoped3A_818, %dma_wait3A_1088, %dma_wait3A_1089] : memref<2x16x50xi32, #tpu.memory_space<vmem>> -> memref<1x16x50xi32, #tpu.memory_space<vmem>>
          %dma_wait3A_1091 = tpu.memref_squeeze %dma_wait3A_1090 : memref<1x16x50xi32, #tpu.memory_space<vmem>> -> memref<16x50xi32, #tpu.memory_space<vmem>>
          %dma_wait3A_1092 = arith.constant 0 : i32
          %dma_wait3A_1093 = tpu.memref_slice %arg2[%add3A_817, %dma_wait3A_1092] : memref<16384x50xi32, #tpu.memory_space<hbm>> -> memref<16x50xi32, #tpu.memory_space<hbm>>
          %dma_wait3A_1094 = arith.constant 0 : i32
          %dma_wait3A_1095 = arith.constant 0 : i32
          %dma_wait3A_1096 = tpu.memref_slice %arg5[%run_scoped3A_818, %dma_wait3A_1094, %dma_wait3A_1095] : memref<2x16x50xi32, #tpu.memory_space<vmem>> -> memref<1x16x50xi32, #tpu.memory_space<vmem>>
          %dma_wait3A_1097 = tpu.memref_squeeze %dma_wait3A_1096 : memref<1x16x50xi32, #tpu.memory_space<vmem>> -> memref<16x50xi32, #tpu.memory_space<vmem>>
          %dma_wait3A_1098 = arith.constant 0 : i32
          %dma_wait3A_1099 = tpu.memref_slice %arg2[%add3A_817, %dma_wait3A_1098] : memref<16384x50xi32, #tpu.memory_space<hbm>> -> memref<16x50xi32, #tpu.memory_space<hbm>>
          tpu.wait_dma2 semaphore(%run_scoped3A_1075 : memref<!tpu.dma_semaphore, #tpu.memory_space<semaphore_mem>>) src(%dma_wait3A_1099 : memref<16x50xi32, #tpu.memory_space<hbm>>) dst(%dma_wait3A_1097 : memref<16x50xi32, #tpu.memory_space<vmem>>)
          tpu.yield
        }) : () -> ()
        %dma_start3A_819 = arith.constant 1 : i32
        %dma_start3A_820 = arith.constant 0 : i32
        %dma_start3A_821 = arith.constant 1 : i32
        %dma_start3A_822 = arith.constant 1 : i32
        %dma_start3A_823 = arith.constant 0 : i32
        %dma_start3A_824 = arith.constant 0 : i32
        %dma_start3A_825 = tpu.memref_slice %arg6[%dma_start3A_821, %dma_start3A_823, %dma_start3A_824] : memref<2x800x32xf32, #tpu.memory_space<vmem>> -> memref<1x50x32xf32, #tpu.memory_space<vmem>>
        %dma_start3A_826 = tpu.memref_squeeze %dma_start3A_825 : memref<1x50x32xf32, #tpu.memory_space<vmem>> -> memref<50x32xf32, #tpu.memory_space<vmem>>
        %dma_start3A_827 = arith.constant 0 : i32
        %dma_start3A_828 = tpu.memref_slice %arg5[%dma_start3A_819, %dma_start3A_820, %dma_start3A_827] : memref<2x16x50xi32, #tpu.memory_space<vmem>> -> memref<1x1x50xi32, #tpu.memory_space<vmem>>
        %dma_start3A_829 = tpu.memref_squeeze %dma_start3A_828 : memref<1x1x50xi32, #tpu.memory_space<vmem>> -> memref<50xi32, #tpu.memory_space<vmem>>
        %dma_start3A_830 = arith.constant 0 : i32
        %dma_start3A_831 = arith.constant 0 : i32
        %dma_start3A_832 = tpu.memref_slice %arg3[%dma_start3A_830, %dma_start3A_831] : memref<1000000x32xf32, #tpu.memory_space<hbm>> -> memref<1000000x32xf32, #tpu.memory_space<hbm>>
        %dma_start3A_833 = tpu.memref_slice %arg8[%dma_start3A_822] : memref<2x!tpu.dma_semaphore, #tpu.memory_space<semaphore_mem>> -> memref<1x!tpu.dma_semaphore, #tpu.memory_space<semaphore_mem>>
        %dma_start3A_834 = tpu.memref_squeeze %dma_start3A_833 : memref<1x!tpu.dma_semaphore, #tpu.memory_space<semaphore_mem>> -> memref<!tpu.dma_semaphore, #tpu.memory_space<semaphore_mem>>
        tpu.enqueue_indirect_dma source(%dma_start3A_832 : memref<1000000x32xf32, #tpu.memory_space<hbm>>) target(%dma_start3A_826 : memref<50x32xf32, #tpu.memory_space<vmem>>) offsets(%dma_start3A_829 : memref<50xi32, #tpu.memory_space<vmem>>) semaphore(%dma_start3A_834 : memref<!tpu.dma_semaphore, #tpu.memory_space<semaphore_mem>>)
        %dma_start3A_835 = arith.constant 1 : i32
        %dma_start3A_836 = arith.constant 1 : i32
        %dma_start3A_837 = arith.constant 1 : i32
        %dma_start3A_838 = arith.constant 1 : i32
        %dma_start3A_839 = arith.constant 50 : i32
        %dma_start3A_840 = arith.constant 0 : i32
        %dma_start3A_841 = tpu.memref_slice %arg6[%dma_start3A_837, %dma_start3A_839, %dma_start3A_840] : memref<2x800x32xf32, #tpu.memory_space<vmem>> -> memref<1x50x32xf32, #tpu.memory_space<vmem>>
        %dma_start3A_842 = tpu.memref_squeeze %dma_start3A_841 : memref<1x50x32xf32, #tpu.memory_space<vmem>> -> memref<50x32xf32, #tpu.memory_space<vmem>>
        %dma_start3A_843 = arith.constant 0 : i32
        %dma_start3A_844 = tpu.memref_slice %arg5[%dma_start3A_835, %dma_start3A_836, %dma_start3A_843] : memref<2x16x50xi32, #tpu.memory_space<vmem>> -> memref<1x1x50xi32, #tpu.memory_space<vmem>>
        %dma_start3A_845 = tpu.memref_squeeze %dma_start3A_844 : memref<1x1x50xi32, #tpu.memory_space<vmem>> -> memref<50xi32, #tpu.memory_space<vmem>>
        %dma_start3A_846 = arith.constant 0 : i32
        %dma_start3A_847 = arith.constant 0 : i32
        %dma_start3A_848 = tpu.memref_slice %arg3[%dma_start3A_846, %dma_start3A_847] : memref<1000000x32xf32, #tpu.memory_space<hbm>> -> memref<1000000x32xf32, #tpu.memory_space<hbm>>
        %dma_start3A_849 = tpu.memref_slice %arg8[%dma_start3A_838] : memref<2x!tpu.dma_semaphore, #tpu.memory_space<semaphore_mem>> -> memref<1x!tpu.dma_semaphore, #tpu.memory_space<semaphore_mem>>
        %dma_start3A_850 = tpu.memref_squeeze %dma_start3A_849 : memref<1x!tpu.dma_semaphore, #tpu.memory_space<semaphore_mem>> -> memref<!tpu.dma_semaphore, #tpu.memory_space<semaphore_mem>>
        tpu.enqueue_indirect_dma source(%dma_start3A_848 : memref<1000000x32xf32, #tpu.memory_space<hbm>>) target(%dma_start3A_842 : memref<50x32xf32, #tpu.memory_space<vmem>>) offsets(%dma_start3A_845 : memref<50xi32, #tpu.memory_space<vmem>>) semaphore(%dma_start3A_850 : memref<!tpu.dma_semaphore, #tpu.memory_space<semaphore_mem>>)
        %dma_start3A_851 = arith.constant 1 : i32
        %dma_start3A_852 = arith.constant 2 : i32
        %dma_start3A_853 = arith.constant 1 : i32
        %dma_start3A_854 = arith.constant 1 : i32
        %dma_start3A_855 = arith.constant 100 : i32
        %dma_start3A_856 = arith.constant 0 : i32
        %dma_start3A_857 = tpu.memref_slice %arg6[%dma_start3A_853, %dma_start3A_855, %dma_start3A_856] : memref<2x800x32xf32, #tpu.memory_space<vmem>> -> memref<1x50x32xf32, #tpu.memory_space<vmem>>
        %dma_start3A_858 = tpu.memref_squeeze %dma_start3A_857 : memref<1x50x32xf32, #tpu.memory_space<vmem>> -> memref<50x32xf32, #tpu.memory_space<vmem>>
        %dma_start3A_859 = arith.constant 0 : i32
        %dma_start3A_860 = tpu.memref_slice %arg5[%dma_start3A_851, %dma_start3A_852, %dma_start3A_859] : memref<2x16x50xi32, #tpu.memory_space<vmem>> -> memref<1x1x50xi32, #tpu.memory_space<vmem>>
        %dma_start3A_861 = tpu.memref_squeeze %dma_start3A_860 : memref<1x1x50xi32, #tpu.memory_space<vmem>> -> memref<50xi32, #tpu.memory_space<vmem>>
        %dma_start3A_862 = arith.constant 0 : i32
        %dma_start3A_863 = arith.constant 0 : i32
        %dma_start3A_864 = tpu.memref_slice %arg3[%dma_start3A_862, %dma_start3A_863] : memref<1000000x32xf32, #tpu.memory_space<hbm>> -> memref<1000000x32xf32, #tpu.memory_space<hbm>>
        %dma_start3A_865 = tpu.memref_slice %arg8[%dma_start3A_854] : memref<2x!tpu.dma_semaphore, #tpu.memory_space<semaphore_mem>> -> memref<1x!tpu.dma_semaphore, #tpu.memory_space<semaphore_mem>>
        %dma_start3A_866 = tpu.memref_squeeze %dma_start3A_865 : memref<1x!tpu.dma_semaphore, #tpu.memory_space<semaphore_mem>> -> memref<!tpu.dma_semaphore, #tpu.memory_space<semaphore_mem>>
        tpu.enqueue_indirect_dma source(%dma_start3A_864 : memref<1000000x32xf32, #tpu.memory_space<hbm>>) target(%dma_start3A_858 : memref<50x32xf32, #tpu.memory_space<vmem>>) offsets(%dma_start3A_861 : memref<50xi32, #tpu.memory_space<vmem>>) semaphore(%dma_start3A_866 : memref<!tpu.dma_semaphore, #tpu.memory_space<semaphore_mem>>)
        %dma_start3A_867 = arith.constant 1 : i32
        %dma_start3A_868 = arith.constant 3 : i32
        %dma_start3A_869 = arith.constant 1 : i32
        %dma_start3A_870 = arith.constant 1 : i32
        %dma_start3A_871 = arith.constant 150 : i32
        %dma_start3A_872 = arith.constant 0 : i32
        %dma_start3A_873 = tpu.memref_slice %arg6[%dma_start3A_869, %dma_start3A_871, %dma_start3A_872] : memref<2x800x32xf32, #tpu.memory_space<vmem>> -> memref<1x50x32xf32, #tpu.memory_space<vmem>>
        %dma_start3A_874 = tpu.memref_squeeze %dma_start3A_873 : memref<1x50x32xf32, #tpu.memory_space<vmem>> -> memref<50x32xf32, #tpu.memory_space<vmem>>
        %dma_start3A_875 = arith.constant 0 : i32
        %dma_start3A_876 = tpu.memref_slice %arg5[%dma_start3A_867, %dma_start3A_868, %dma_start3A_875] : memref<2x16x50xi32, #tpu.memory_space<vmem>> -> memref<1x1x50xi32, #tpu.memory_space<vmem>>
        %dma_start3A_877 = tpu.memref_squeeze %dma_start3A_876 : memref<1x1x50xi32, #tpu.memory_space<vmem>> -> memref<50xi32, #tpu.memory_space<vmem>>
        %dma_start3A_878 = arith.constant 0 : i32
        %dma_start3A_879 = arith.constant 0 : i32
        %dma_start3A_880 = tpu.memref_slice %arg3[%dma_start3A_878, %dma_start3A_879] : memref<1000000x32xf32, #tpu.memory_space<hbm>> -> memref<1000000x32xf32, #tpu.memory_space<hbm>>
        %dma_start3A_881 = tpu.memref_slice %arg8[%dma_start3A_870] : memref<2x!tpu.dma_semaphore, #tpu.memory_space<semaphore_mem>> -> memref<1x!tpu.dma_semaphore, #tpu.memory_space<semaphore_mem>>
        %dma_start3A_882 = tpu.memref_squeeze %dma_start3A_881 : memref<1x!tpu.dma_semaphore, #tpu.memory_space<semaphore_mem>> -> memref<!tpu.dma_semaphore, #tpu.memory_space<semaphore_mem>>
        tpu.enqueue_indirect_dma source(%dma_start3A_880 : memref<1000000x32xf32, #tpu.memory_space<hbm>>) target(%dma_start3A_874 : memref<50x32xf32, #tpu.memory_space<vmem>>) offsets(%dma_start3A_877 : memref<50xi32, #tpu.memory_space<vmem>>) semaphore(%dma_start3A_882 : memref<!tpu.dma_semaphore, #tpu.memory_space<semaphore_mem>>)
        %dma_start3A_883 = arith.constant 1 : i32
        %dma_start3A_884 = arith.constant 4 : i32
        %dma_start3A_885 = arith.constant 1 : i32
        %dma_start3A_886 = arith.constant 1 : i32
        %dma_start3A_887 = arith.constant 200 : i32
        %dma_start3A_888 = arith.constant 0 : i32
        %dma_start3A_889 = tpu.memref_slice %arg6[%dma_start3A_885, %dma_start3A_887, %dma_start3A_888] : memref<2x800x32xf32, #tpu.memory_space<vmem>> -> memref<1x50x32xf32, #tpu.memory_space<vmem>>
        %dma_start3A_890 = tpu.memref_squeeze %dma_start3A_889 : memref<1x50x32xf32, #tpu.memory_space<vmem>> -> memref<50x32xf32, #tpu.memory_space<vmem>>
        %dma_start3A_891 = arith.constant 0 : i32
        %dma_start3A_892 = tpu.memref_slice %arg5[%dma_start3A_883, %dma_start3A_884, %dma_start3A_891] : memref<2x16x50xi32, #tpu.memory_space<vmem>> -> memref<1x1x50xi32, #tpu.memory_space<vmem>>
        %dma_start3A_893 = tpu.memref_squeeze %dma_start3A_892 : memref<1x1x50xi32, #tpu.memory_space<vmem>> -> memref<50xi32, #tpu.memory_space<vmem>>
        %dma_start3A_894 = arith.constant 0 : i32
        %dma_start3A_895 = arith.constant 0 : i32
        %dma_start3A_896 = tpu.memref_slice %arg3[%dma_start3A_894, %dma_start3A_895] : memref<1000000x32xf32, #tpu.memory_space<hbm>> -> memref<1000000x32xf32, #tpu.memory_space<hbm>>
        %dma_start3A_897 = tpu.memref_slice %arg8[%dma_start3A_886] : memref<2x!tpu.dma_semaphore, #tpu.memory_space<semaphore_mem>> -> memref<1x!tpu.dma_semaphore, #tpu.memory_space<semaphore_mem>>
        %dma_start3A_898 = tpu.memref_squeeze %dma_start3A_897 : memref<1x!tpu.dma_semaphore, #tpu.memory_space<semaphore_mem>> -> memref<!tpu.dma_semaphore, #tpu.memory_space<semaphore_mem>>
        tpu.enqueue_indirect_dma source(%dma_start3A_896 : memref<1000000x32xf32, #tpu.memory_space<hbm>>) target(%dma_start3A_890 : memref<50x32xf32, #tpu.memory_space<vmem>>) offsets(%dma_start3A_893 : memref<50xi32, #tpu.memory_space<vmem>>) semaphore(%dma_start3A_898 : memref<!tpu.dma_semaphore, #tpu.memory_space<semaphore_mem>>)
        %dma_start3A_899 = arith.constant 1 : i32
        %dma_start3A_900 = arith.constant 5 : i32
        %dma_start3A_901 = arith.constant 1 : i32
        %dma_start3A_902 = arith.constant 1 : i32
        %dma_start3A_903 = arith.constant 250 : i32
        %dma_start3A_904 = arith.constant 0 : i32
        %dma_start3A_905 = tpu.memref_slice %arg6[%dma_start3A_901, %dma_start3A_903, %dma_start3A_904] : memref<2x800x32xf32, #tpu.memory_space<vmem>> -> memref<1x50x32xf32, #tpu.memory_space<vmem>>
        %dma_start3A_906 = tpu.memref_squeeze %dma_start3A_905 : memref<1x50x32xf32, #tpu.memory_space<vmem>> -> memref<50x32xf32, #tpu.memory_space<vmem>>
        %dma_start3A_907 = arith.constant 0 : i32
        %dma_start3A_908 = tpu.memref_slice %arg5[%dma_start3A_899, %dma_start3A_900, %dma_start3A_907] : memref<2x16x50xi32, #tpu.memory_space<vmem>> -> memref<1x1x50xi32, #tpu.memory_space<vmem>>
        %dma_start3A_909 = tpu.memref_squeeze %dma_start3A_908 : memref<1x1x50xi32, #tpu.memory_space<vmem>> -> memref<50xi32, #tpu.memory_space<vmem>>
        %dma_start3A_910 = arith.constant 0 : i32
        %dma_start3A_911 = arith.constant 0 : i32
        %dma_start3A_912 = tpu.memref_slice %arg3[%dma_start3A_910, %dma_start3A_911] : memref<1000000x32xf32, #tpu.memory_space<hbm>> -> memref<1000000x32xf32, #tpu.memory_space<hbm>>
        %dma_start3A_913 = tpu.memref_slice %arg8[%dma_start3A_902] : memref<2x!tpu.dma_semaphore, #tpu.memory_space<semaphore_mem>> -> memref<1x!tpu.dma_semaphore, #tpu.memory_space<semaphore_mem>>
        %dma_start3A_914 = tpu.memref_squeeze %dma_start3A_913 : memref<1x!tpu.dma_semaphore, #tpu.memory_space<semaphore_mem>> -> memref<!tpu.dma_semaphore, #tpu.memory_space<semaphore_mem>>
        tpu.enqueue_indirect_dma source(%dma_start3A_912 : memref<1000000x32xf32, #tpu.memory_space<hbm>>) target(%dma_start3A_906 : memref<50x32xf32, #tpu.memory_space<vmem>>) offsets(%dma_start3A_909 : memref<50xi32, #tpu.memory_space<vmem>>) semaphore(%dma_start3A_914 : memref<!tpu.dma_semaphore, #tpu.memory_space<semaphore_mem>>)
        %dma_start3A_915 = arith.constant 1 : i32
        %dma_start3A_916 = arith.constant 6 : i32
        %dma_start3A_917 = arith.constant 1 : i32
        %dma_start3A_918 = arith.constant 1 : i32
        %dma_start3A_919 = arith.constant 300 : i32
        %dma_start3A_920 = arith.constant 0 : i32
        %dma_start3A_921 = tpu.memref_slice %arg6[%dma_start3A_917, %dma_start3A_919, %dma_start3A_920] : memref<2x800x32xf32, #tpu.memory_space<vmem>> -> memref<1x50x32xf32, #tpu.memory_space<vmem>>
        %dma_start3A_922 = tpu.memref_squeeze %dma_start3A_921 : memref<1x50x32xf32, #tpu.memory_space<vmem>> -> memref<50x32xf32, #tpu.memory_space<vmem>>
        %dma_start3A_923 = arith.constant 0 : i32
        %dma_start3A_924 = tpu.memref_slice %arg5[%dma_start3A_915, %dma_start3A_916, %dma_start3A_923] : memref<2x16x50xi32, #tpu.memory_space<vmem>> -> memref<1x1x50xi32, #tpu.memory_space<vmem>>
        %dma_start3A_925 = tpu.memref_squeeze %dma_start3A_924 : memref<1x1x50xi32, #tpu.memory_space<vmem>> -> memref<50xi32, #tpu.memory_space<vmem>>
        %dma_start3A_926 = arith.constant 0 : i32
        %dma_start3A_927 = arith.constant 0 : i32
        %dma_start3A_928 = tpu.memref_slice %arg3[%dma_start3A_926, %dma_start3A_927] : memref<1000000x32xf32, #tpu.memory_space<hbm>> -> memref<1000000x32xf32, #tpu.memory_space<hbm>>
        %dma_start3A_929 = tpu.memref_slice %arg8[%dma_start3A_918] : memref<2x!tpu.dma_semaphore, #tpu.memory_space<semaphore_mem>> -> memref<1x!tpu.dma_semaphore, #tpu.memory_space<semaphore_mem>>
        %dma_start3A_930 = tpu.memref_squeeze %dma_start3A_929 : memref<1x!tpu.dma_semaphore, #tpu.memory_space<semaphore_mem>> -> memref<!tpu.dma_semaphore, #tpu.memory_space<semaphore_mem>>
        tpu.enqueue_indirect_dma source(%dma_start3A_928 : memref<1000000x32xf32, #tpu.memory_space<hbm>>) target(%dma_start3A_922 : memref<50x32xf32, #tpu.memory_space<vmem>>) offsets(%dma_start3A_925 : memref<50xi32, #tpu.memory_space<vmem>>) semaphore(%dma_start3A_930 : memref<!tpu.dma_semaphore, #tpu.memory_space<semaphore_mem>>)
        %dma_start3A_931 = arith.constant 1 : i32
        %dma_start3A_932 = arith.constant 7 : i32
        %dma_start3A_933 = arith.constant 1 : i32
        %dma_start3A_934 = arith.constant 1 : i32
        %dma_start3A_935 = arith.constant 350 : i32
        %dma_start3A_936 = arith.constant 0 : i32
        %dma_start3A_937 = tpu.memref_slice %arg6[%dma_start3A_933, %dma_start3A_935, %dma_start3A_936] : memref<2x800x32xf32, #tpu.memory_space<vmem>> -> memref<1x50x32xf32, #tpu.memory_space<vmem>>
        %dma_start3A_938 = tpu.memref_squeeze %dma_start3A_937 : memref<1x50x32xf32, #tpu.memory_space<vmem>> -> memref<50x32xf32, #tpu.memory_space<vmem>>
        %dma_start3A_939 = arith.constant 0 : i32
        %dma_start3A_940 = tpu.memref_slice %arg5[%dma_start3A_931, %dma_start3A_932, %dma_start3A_939] : memref<2x16x50xi32, #tpu.memory_space<vmem>> -> memref<1x1x50xi32, #tpu.memory_space<vmem>>
        %dma_start3A_941 = tpu.memref_squeeze %dma_start3A_940 : memref<1x1x50xi32, #tpu.memory_space<vmem>> -> memref<50xi32, #tpu.memory_space<vmem>>
        %dma_start3A_942 = arith.constant 0 : i32
        %dma_start3A_943 = arith.constant 0 : i32
        %dma_start3A_944 = tpu.memref_slice %arg3[%dma_start3A_942, %dma_start3A_943] : memref<1000000x32xf32, #tpu.memory_space<hbm>> -> memref<1000000x32xf32, #tpu.memory_space<hbm>>
        %dma_start3A_945 = tpu.memref_slice %arg8[%dma_start3A_934] : memref<2x!tpu.dma_semaphore, #tpu.memory_space<semaphore_mem>> -> memref<1x!tpu.dma_semaphore, #tpu.memory_space<semaphore_mem>>
        %dma_start3A_946 = tpu.memref_squeeze %dma_start3A_945 : memref<1x!tpu.dma_semaphore, #tpu.memory_space<semaphore_mem>> -> memref<!tpu.dma_semaphore, #tpu.memory_space<semaphore_mem>>
        tpu.enqueue_indirect_dma source(%dma_start3A_944 : memref<1000000x32xf32, #tpu.memory_space<hbm>>) target(%dma_start3A_938 : memref<50x32xf32, #tpu.memory_space<vmem>>) offsets(%dma_start3A_941 : memref<50xi32, #tpu.memory_space<vmem>>) semaphore(%dma_start3A_946 : memref<!tpu.dma_semaphore, #tpu.memory_space<semaphore_mem>>)
        %dma_start3A_947 = arith.constant 1 : i32
        %dma_start3A_948 = arith.constant 8 : i32
        %dma_start3A_949 = arith.constant 1 : i32
        %dma_start3A_950 = arith.constant 1 : i32
        %dma_start3A_951 = arith.constant 400 : i32
        %dma_start3A_952 = arith.constant 0 : i32
        %dma_start3A_953 = tpu.memref_slice %arg6[%dma_start3A_949, %dma_start3A_951, %dma_start3A_952] : memref<2x800x32xf32, #tpu.memory_space<vmem>> -> memref<1x50x32xf32, #tpu.memory_space<vmem>>
        %dma_start3A_954 = tpu.memref_squeeze %dma_start3A_953 : memref<1x50x32xf32, #tpu.memory_space<vmem>> -> memref<50x32xf32, #tpu.memory_space<vmem>>
        %dma_start3A_955 = arith.constant 0 : i32
        %dma_start3A_956 = tpu.memref_slice %arg5[%dma_start3A_947, %dma_start3A_948, %dma_start3A_955] : memref<2x16x50xi32, #tpu.memory_space<vmem>> -> memref<1x1x50xi32, #tpu.memory_space<vmem>>
        %dma_start3A_957 = tpu.memref_squeeze %dma_start3A_956 : memref<1x1x50xi32, #tpu.memory_space<vmem>> -> memref<50xi32, #tpu.memory_space<vmem>>
        %dma_start3A_958 = arith.constant 0 : i32
        %dma_start3A_959 = arith.constant 0 : i32
        %dma_start3A_960 = tpu.memref_slice %arg3[%dma_start3A_958, %dma_start3A_959] : memref<1000000x32xf32, #tpu.memory_space<hbm>> -> memref<1000000x32xf32, #tpu.memory_space<hbm>>
        %dma_start3A_961 = tpu.memref_slice %arg8[%dma_start3A_950] : memref<2x!tpu.dma_semaphore, #tpu.memory_space<semaphore_mem>> -> memref<1x!tpu.dma_semaphore, #tpu.memory_space<semaphore_mem>>
        %dma_start3A_962 = tpu.memref_squeeze %dma_start3A_961 : memref<1x!tpu.dma_semaphore, #tpu.memory_space<semaphore_mem>> -> memref<!tpu.dma_semaphore, #tpu.memory_space<semaphore_mem>>
        tpu.enqueue_indirect_dma source(%dma_start3A_960 : memref<1000000x32xf32, #tpu.memory_space<hbm>>) target(%dma_start3A_954 : memref<50x32xf32, #tpu.memory_space<vmem>>) offsets(%dma_start3A_957 : memref<50xi32, #tpu.memory_space<vmem>>) semaphore(%dma_start3A_962 : memref<!tpu.dma_semaphore, #tpu.memory_space<semaphore_mem>>)
        %dma_start3A_963 = arith.constant 1 : i32
        %dma_start3A_964 = arith.constant 9 : i32
        %dma_start3A_965 = arith.constant 1 : i32
        %dma_start3A_966 = arith.constant 1 : i32
        %dma_start3A_967 = arith.constant 450 : i32
        %dma_start3A_968 = arith.constant 0 : i32
        %dma_start3A_969 = tpu.memref_slice %arg6[%dma_start3A_965, %dma_start3A_967, %dma_start3A_968] : memref<2x800x32xf32, #tpu.memory_space<vmem>> -> memref<1x50x32xf32, #tpu.memory_space<vmem>>
        %dma_start3A_970 = tpu.memref_squeeze %dma_start3A_969 : memref<1x50x32xf32, #tpu.memory_space<vmem>> -> memref<50x32xf32, #tpu.memory_space<vmem>>
        %dma_start3A_971 = arith.constant 0 : i32
        %dma_start3A_972 = tpu.memref_slice %arg5[%dma_start3A_963, %dma_start3A_964, %dma_start3A_971] : memref<2x16x50xi32, #tpu.memory_space<vmem>> -> memref<1x1x50xi32, #tpu.memory_space<vmem>>
        %dma_start3A_973 = tpu.memref_squeeze %dma_start3A_972 : memref<1x1x50xi32, #tpu.memory_space<vmem>> -> memref<50xi32, #tpu.memory_space<vmem>>
        %dma_start3A_974 = arith.constant 0 : i32
        %dma_start3A_975 = arith.constant 0 : i32
        %dma_start3A_976 = tpu.memref_slice %arg3[%dma_start3A_974, %dma_start3A_975] : memref<1000000x32xf32, #tpu.memory_space<hbm>> -> memref<1000000x32xf32, #tpu.memory_space<hbm>>
        %dma_start3A_977 = tpu.memref_slice %arg8[%dma_start3A_966] : memref<2x!tpu.dma_semaphore, #tpu.memory_space<semaphore_mem>> -> memref<1x!tpu.dma_semaphore, #tpu.memory_space<semaphore_mem>>
        %dma_start3A_978 = tpu.memref_squeeze %dma_start3A_977 : memref<1x!tpu.dma_semaphore, #tpu.memory_space<semaphore_mem>> -> memref<!tpu.dma_semaphore, #tpu.memory_space<semaphore_mem>>
        tpu.enqueue_indirect_dma source(%dma_start3A_976 : memref<1000000x32xf32, #tpu.memory_space<hbm>>) target(%dma_start3A_970 : memref<50x32xf32, #tpu.memory_space<vmem>>) offsets(%dma_start3A_973 : memref<50xi32, #tpu.memory_space<vmem>>) semaphore(%dma_start3A_978 : memref<!tpu.dma_semaphore, #tpu.memory_space<semaphore_mem>>)
        %dma_start3A_979 = arith.constant 1 : i32
        %dma_start3A_980 = arith.constant 10 : i32
        %dma_start3A_981 = arith.constant 1 : i32
        %dma_start3A_982 = arith.constant 1 : i32
        %dma_start3A_983 = arith.constant 500 : i32
        %dma_start3A_984 = arith.constant 0 : i32
        %dma_start3A_985 = tpu.memref_slice %arg6[%dma_start3A_981, %dma_start3A_983, %dma_start3A_984] : memref<2x800x32xf32, #tpu.memory_space<vmem>> -> memref<1x50x32xf32, #tpu.memory_space<vmem>>
        %dma_start3A_986 = tpu.memref_squeeze %dma_start3A_985 : memref<1x50x32xf32, #tpu.memory_space<vmem>> -> memref<50x32xf32, #tpu.memory_space<vmem>>
        %dma_start3A_987 = arith.constant 0 : i32
        %dma_start3A_988 = tpu.memref_slice %arg5[%dma_start3A_979, %dma_start3A_980, %dma_start3A_987] : memref<2x16x50xi32, #tpu.memory_space<vmem>> -> memref<1x1x50xi32, #tpu.memory_space<vmem>>
        %dma_start3A_989 = tpu.memref_squeeze %dma_start3A_988 : memref<1x1x50xi32, #tpu.memory_space<vmem>> -> memref<50xi32, #tpu.memory_space<vmem>>
        %dma_start3A_990 = arith.constant 0 : i32
        %dma_start3A_991 = arith.constant 0 : i32
        %dma_start3A_992 = tpu.memref_slice %arg3[%dma_start3A_990, %dma_start3A_991] : memref<1000000x32xf32, #tpu.memory_space<hbm>> -> memref<1000000x32xf32, #tpu.memory_space<hbm>>
        %dma_start3A_993 = tpu.memref_slice %arg8[%dma_start3A_982] : memref<2x!tpu.dma_semaphore, #tpu.memory_space<semaphore_mem>> -> memref<1x!tpu.dma_semaphore, #tpu.memory_space<semaphore_mem>>
        %dma_start3A_994 = tpu.memref_squeeze %dma_start3A_993 : memref<1x!tpu.dma_semaphore, #tpu.memory_space<semaphore_mem>> -> memref<!tpu.dma_semaphore, #tpu.memory_space<semaphore_mem>>
        tpu.enqueue_indirect_dma source(%dma_start3A_992 : memref<1000000x32xf32, #tpu.memory_space<hbm>>) target(%dma_start3A_986 : memref<50x32xf32, #tpu.memory_space<vmem>>) offsets(%dma_start3A_989 : memref<50xi32, #tpu.memory_space<vmem>>) semaphore(%dma_start3A_994 : memref<!tpu.dma_semaphore, #tpu.memory_space<semaphore_mem>>)
        %dma_start3A_995 = arith.constant 1 : i32
        %dma_start3A_996 = arith.constant 11 : i32
        %dma_start3A_997 = arith.constant 1 : i32
        %dma_start3A_998 = arith.constant 1 : i32
        %dma_start3A_999 = arith.constant 550 : i32
        %dma_start3A_1000 = arith.constant 0 : i32
        %dma_start3A_1001 = tpu.memref_slice %arg6[%dma_start3A_997, %dma_start3A_999, %dma_start3A_1000] : memref<2x800x32xf32, #tpu.memory_space<vmem>> -> memref<1x50x32xf32, #tpu.memory_space<vmem>>
        %dma_start3A_1002 = tpu.memref_squeeze %dma_start3A_1001 : memref<1x50x32xf32, #tpu.memory_space<vmem>> -> memref<50x32xf32, #tpu.memory_space<vmem>>
        %dma_start3A_1003 = arith.constant 0 : i32
        %dma_start3A_1004 = tpu.memref_slice %arg5[%dma_start3A_995, %dma_start3A_996, %dma_start3A_1003] : memref<2x16x50xi32, #tpu.memory_space<vmem>> -> memref<1x1x50xi32, #tpu.memory_space<vmem>>
        %dma_start3A_1005 = tpu.memref_squeeze %dma_start3A_1004 : memref<1x1x50xi32, #tpu.memory_space<vmem>> -> memref<50xi32, #tpu.memory_space<vmem>>
        %dma_start3A_1006 = arith.constant 0 : i32
        %dma_start3A_1007 = arith.constant 0 : i32
        %dma_start3A_1008 = tpu.memref_slice %arg3[%dma_start3A_1006, %dma_start3A_1007] : memref<1000000x32xf32, #tpu.memory_space<hbm>> -> memref<1000000x32xf32, #tpu.memory_space<hbm>>
        %dma_start3A_1009 = tpu.memref_slice %arg8[%dma_start3A_998] : memref<2x!tpu.dma_semaphore, #tpu.memory_space<semaphore_mem>> -> memref<1x!tpu.dma_semaphore, #tpu.memory_space<semaphore_mem>>
        %dma_start3A_1010 = tpu.memref_squeeze %dma_start3A_1009 : memref<1x!tpu.dma_semaphore, #tpu.memory_space<semaphore_mem>> -> memref<!tpu.dma_semaphore, #tpu.memory_space<semaphore_mem>>
        tpu.enqueue_indirect_dma source(%dma_start3A_1008 : memref<1000000x32xf32, #tpu.memory_space<hbm>>) target(%dma_start3A_1002 : memref<50x32xf32, #tpu.memory_space<vmem>>) offsets(%dma_start3A_1005 : memref<50xi32, #tpu.memory_space<vmem>>) semaphore(%dma_start3A_1010 : memref<!tpu.dma_semaphore, #tpu.memory_space<semaphore_mem>>)
        %dma_start3A_1011 = arith.constant 1 : i32
        %dma_start3A_1012 = arith.constant 12 : i32
        %dma_start3A_1013 = arith.constant 1 : i32
        %dma_start3A_1014 = arith.constant 1 : i32
        %dma_start3A_1015 = arith.constant 600 : i32
        %dma_start3A_1016 = arith.constant 0 : i32
        %dma_start3A_1017 = tpu.memref_slice %arg6[%dma_start3A_1013, %dma_start3A_1015, %dma_start3A_1016] : memref<2x800x32xf32, #tpu.memory_space<vmem>> -> memref<1x50x32xf32, #tpu.memory_space<vmem>>
        %dma_start3A_1018 = tpu.memref_squeeze %dma_start3A_1017 : memref<1x50x32xf32, #tpu.memory_space<vmem>> -> memref<50x32xf32, #tpu.memory_space<vmem>>
        %dma_start3A_1019 = arith.constant 0 : i32
        %dma_start3A_1020 = tpu.memref_slice %arg5[%dma_start3A_1011, %dma_start3A_1012, %dma_start3A_1019] : memref<2x16x50xi32, #tpu.memory_space<vmem>> -> memref<1x1x50xi32, #tpu.memory_space<vmem>>
        %dma_start3A_1021 = tpu.memref_squeeze %dma_start3A_1020 : memref<1x1x50xi32, #tpu.memory_space<vmem>> -> memref<50xi32, #tpu.memory_space<vmem>>
        %dma_start3A_1022 = arith.constant 0 : i32
        %dma_start3A_1023 = arith.constant 0 : i32
        %dma_start3A_1024 = tpu.memref_slice %arg3[%dma_start3A_1022, %dma_start3A_1023] : memref<1000000x32xf32, #tpu.memory_space<hbm>> -> memref<1000000x32xf32, #tpu.memory_space<hbm>>
        %dma_start3A_1025 = tpu.memref_slice %arg8[%dma_start3A_1014] : memref<2x!tpu.dma_semaphore, #tpu.memory_space<semaphore_mem>> -> memref<1x!tpu.dma_semaphore, #tpu.memory_space<semaphore_mem>>
        %dma_start3A_1026 = tpu.memref_squeeze %dma_start3A_1025 : memref<1x!tpu.dma_semaphore, #tpu.memory_space<semaphore_mem>> -> memref<!tpu.dma_semaphore, #tpu.memory_space<semaphore_mem>>
        tpu.enqueue_indirect_dma source(%dma_start3A_1024 : memref<1000000x32xf32, #tpu.memory_space<hbm>>) target(%dma_start3A_1018 : memref<50x32xf32, #tpu.memory_space<vmem>>) offsets(%dma_start3A_1021 : memref<50xi32, #tpu.memory_space<vmem>>) semaphore(%dma_start3A_1026 : memref<!tpu.dma_semaphore, #tpu.memory_space<semaphore_mem>>)
        %dma_start3A_1027 = arith.constant 1 : i32
        %dma_start3A_1028 = arith.constant 13 : i32
        %dma_start3A_1029 = arith.constant 1 : i32
        %dma_start3A_1030 = arith.constant 1 : i32
        %dma_start3A_1031 = arith.constant 650 : i32
        %dma_start3A_1032 = arith.constant 0 : i32
        %dma_start3A_1033 = tpu.memref_slice %arg6[%dma_start3A_1029, %dma_start3A_1031, %dma_start3A_1032] : memref<2x800x32xf32, #tpu.memory_space<vmem>> -> memref<1x50x32xf32, #tpu.memory_space<vmem>>
        %dma_start3A_1034 = tpu.memref_squeeze %dma_start3A_1033 : memref<1x50x32xf32, #tpu.memory_space<vmem>> -> memref<50x32xf32, #tpu.memory_space<vmem>>
        %dma_start3A_1035 = arith.constant 0 : i32
        %dma_start3A_1036 = tpu.memref_slice %arg5[%dma_start3A_1027, %dma_start3A_1028, %dma_start3A_1035] : memref<2x16x50xi32, #tpu.memory_space<vmem>> -> memref<1x1x50xi32, #tpu.memory_space<vmem>>
        %dma_start3A_1037 = tpu.memref_squeeze %dma_start3A_1036 : memref<1x1x50xi32, #tpu.memory_space<vmem>> -> memref<50xi32, #tpu.memory_space<vmem>>
        %dma_start3A_1038 = arith.constant 0 : i32
        %dma_start3A_1039 = arith.constant 0 : i32
        %dma_start3A_1040 = tpu.memref_slice %arg3[%dma_start3A_1038, %dma_start3A_1039] : memref<1000000x32xf32, #tpu.memory_space<hbm>> -> memref<1000000x32xf32, #tpu.memory_space<hbm>>
        %dma_start3A_1041 = tpu.memref_slice %arg8[%dma_start3A_1030] : memref<2x!tpu.dma_semaphore, #tpu.memory_space<semaphore_mem>> -> memref<1x!tpu.dma_semaphore, #tpu.memory_space<semaphore_mem>>
        %dma_start3A_1042 = tpu.memref_squeeze %dma_start3A_1041 : memref<1x!tpu.dma_semaphore, #tpu.memory_space<semaphore_mem>> -> memref<!tpu.dma_semaphore, #tpu.memory_space<semaphore_mem>>
        tpu.enqueue_indirect_dma source(%dma_start3A_1040 : memref<1000000x32xf32, #tpu.memory_space<hbm>>) target(%dma_start3A_1034 : memref<50x32xf32, #tpu.memory_space<vmem>>) offsets(%dma_start3A_1037 : memref<50xi32, #tpu.memory_space<vmem>>) semaphore(%dma_start3A_1042 : memref<!tpu.dma_semaphore, #tpu.memory_space<semaphore_mem>>)
        %dma_start3A_1043 = arith.constant 1 : i32
        %dma_start3A_1044 = arith.constant 14 : i32
        %dma_start3A_1045 = arith.constant 1 : i32
        %dma_start3A_1046 = arith.constant 1 : i32
        %dma_start3A_1047 = arith.constant 700 : i32
        %dma_start3A_1048 = arith.constant 0 : i32
        %dma_start3A_1049 = tpu.memref_slice %arg6[%dma_start3A_1045, %dma_start3A_1047, %dma_start3A_1048] : memref<2x800x32xf32, #tpu.memory_space<vmem>> -> memref<1x50x32xf32, #tpu.memory_space<vmem>>
        %dma_start3A_1050 = tpu.memref_squeeze %dma_start3A_1049 : memref<1x50x32xf32, #tpu.memory_space<vmem>> -> memref<50x32xf32, #tpu.memory_space<vmem>>
        %dma_start3A_1051 = arith.constant 0 : i32
        %dma_start3A_1052 = tpu.memref_slice %arg5[%dma_start3A_1043, %dma_start3A_1044, %dma_start3A_1051] : memref<2x16x50xi32, #tpu.memory_space<vmem>> -> memref<1x1x50xi32, #tpu.memory_space<vmem>>
        %dma_start3A_1053 = tpu.memref_squeeze %dma_start3A_1052 : memref<1x1x50xi32, #tpu.memory_space<vmem>> -> memref<50xi32, #tpu.memory_space<vmem>>
        %dma_start3A_1054 = arith.constant 0 : i32
        %dma_start3A_1055 = arith.constant 0 : i32
        %dma_start3A_1056 = tpu.memref_slice %arg3[%dma_start3A_1054, %dma_start3A_1055] : memref<1000000x32xf32, #tpu.memory_space<hbm>> -> memref<1000000x32xf32, #tpu.memory_space<hbm>>
        %dma_start3A_1057 = tpu.memref_slice %arg8[%dma_start3A_1046] : memref<2x!tpu.dma_semaphore, #tpu.memory_space<semaphore_mem>> -> memref<1x!tpu.dma_semaphore, #tpu.memory_space<semaphore_mem>>
        %dma_start3A_1058 = tpu.memref_squeeze %dma_start3A_1057 : memref<1x!tpu.dma_semaphore, #tpu.memory_space<semaphore_mem>> -> memref<!tpu.dma_semaphore, #tpu.memory_space<semaphore_mem>>
        tpu.enqueue_indirect_dma source(%dma_start3A_1056 : memref<1000000x32xf32, #tpu.memory_space<hbm>>) target(%dma_start3A_1050 : memref<50x32xf32, #tpu.memory_space<vmem>>) offsets(%dma_start3A_1053 : memref<50xi32, #tpu.memory_space<vmem>>) semaphore(%dma_start3A_1058 : memref<!tpu.dma_semaphore, #tpu.memory_space<semaphore_mem>>)
        %dma_start3A_1059 = arith.constant 1 : i32
        %dma_start3A_1060 = arith.constant 15 : i32
        %dma_start3A_1061 = arith.constant 1 : i32
        %dma_start3A_1062 = arith.constant 1 : i32
        %dma_start3A_1063 = arith.constant 750 : i32
        %dma_start3A_1064 = arith.constant 0 : i32
        %dma_start3A_1065 = tpu.memref_slice %arg6[%dma_start3A_1061, %dma_start3A_1063, %dma_start3A_1064] : memref<2x800x32xf32, #tpu.memory_space<vmem>> -> memref<1x50x32xf32, #tpu.memory_space<vmem>>
        %dma_start3A_1066 = tpu.memref_squeeze %dma_start3A_1065 : memref<1x50x32xf32, #tpu.memory_space<vmem>> -> memref<50x32xf32, #tpu.memory_space<vmem>>
        %dma_start3A_1067 = arith.constant 0 : i32
        %dma_start3A_1068 = tpu.memref_slice %arg5[%dma_start3A_1059, %dma_start3A_1060, %dma_start3A_1067] : memref<2x16x50xi32, #tpu.memory_space<vmem>> -> memref<1x1x50xi32, #tpu.memory_space<vmem>>
        %dma_start3A_1069 = tpu.memref_squeeze %dma_start3A_1068 : memref<1x1x50xi32, #tpu.memory_space<vmem>> -> memref<50xi32, #tpu.memory_space<vmem>>
        %dma_start3A_1070 = arith.constant 0 : i32
        %dma_start3A_1071 = arith.constant 0 : i32
        %dma_start3A_1072 = tpu.memref_slice %arg3[%dma_start3A_1070, %dma_start3A_1071] : memref<1000000x32xf32, #tpu.memory_space<hbm>> -> memref<1000000x32xf32, #tpu.memory_space<hbm>>
        %dma_start3A_1073 = tpu.memref_slice %arg8[%dma_start3A_1062] : memref<2x!tpu.dma_semaphore, #tpu.memory_space<semaphore_mem>> -> memref<1x!tpu.dma_semaphore, #tpu.memory_space<semaphore_mem>>
        %dma_start3A_1074 = tpu.memref_squeeze %dma_start3A_1073 : memref<1x!tpu.dma_semaphore, #tpu.memory_space<semaphore_mem>> -> memref<!tpu.dma_semaphore, #tpu.memory_space<semaphore_mem>>
        tpu.enqueue_indirect_dma source(%dma_start3A_1072 : memref<1000000x32xf32, #tpu.memory_space<hbm>>) target(%dma_start3A_1066 : memref<50x32xf32, #tpu.memory_space<vmem>>) offsets(%dma_start3A_1069 : memref<50xi32, #tpu.memory_space<vmem>>) semaphore(%dma_start3A_1074 : memref<!tpu.dma_semaphore, #tpu.memory_space<semaphore_mem>>)
      } else {
      }
      %dma_wait3A = arith.constant 0 : i32
      %dma_wait3A_274 = arith.constant 0 : i32
      %dma_wait3A_275 = arith.constant 0 : i32
      %dma_wait3A_276 = arith.constant 0 : i32
      %dma_wait3A_277 = arith.constant 0 : i32
      %dma_wait3A_278 = arith.constant 0 : i32
      %dma_wait3A_279 = tpu.memref_slice %arg6[%dma_wait3A_275, %dma_wait3A_277, %dma_wait3A_278] : memref<2x800x32xf32, #tpu.memory_space<vmem>> -> memref<1x50x32xf32, #tpu.memory_space<vmem>>
      %dma_wait3A_280 = tpu.memref_squeeze %dma_wait3A_279 : memref<1x50x32xf32, #tpu.memory_space<vmem>> -> memref<50x32xf32, #tpu.memory_space<vmem>>
      %dma_wait3A_281 = arith.constant 0 : i32
      %dma_wait3A_282 = tpu.memref_slice %arg5[%dma_wait3A, %dma_wait3A_274, %dma_wait3A_281] : memref<2x16x50xi32, #tpu.memory_space<vmem>> -> memref<1x1x50xi32, #tpu.memory_space<vmem>>
      %dma_wait3A_283 = tpu.memref_squeeze %dma_wait3A_282 : memref<1x1x50xi32, #tpu.memory_space<vmem>> -> memref<50xi32, #tpu.memory_space<vmem>>
      %dma_wait3A_284 = arith.constant 0 : i32
      %dma_wait3A_285 = arith.constant 0 : i32
      %dma_wait3A_286 = tpu.memref_slice %arg3[%dma_wait3A_284, %dma_wait3A_285] : memref<1000000x32xf32, #tpu.memory_space<hbm>> -> memref<1000000x32xf32, #tpu.memory_space<hbm>>
      %dma_wait3A_287 = tpu.memref_slice %arg8[%dma_wait3A_276] : memref<2x!tpu.dma_semaphore, #tpu.memory_space<semaphore_mem>> -> memref<1x!tpu.dma_semaphore, #tpu.memory_space<semaphore_mem>>
      %dma_wait3A_288 = tpu.memref_squeeze %dma_wait3A_287 : memref<1x!tpu.dma_semaphore, #tpu.memory_space<semaphore_mem>> -> memref<!tpu.dma_semaphore, #tpu.memory_space<semaphore_mem>>
      tpu.wait_indirect_dma semaphore(%dma_wait3A_288 : memref<!tpu.dma_semaphore, #tpu.memory_space<semaphore_mem>>) src(%dma_wait3A_286 : memref<1000000x32xf32, #tpu.memory_space<hbm>>) dst(%dma_wait3A_280 : memref<50x32xf32, #tpu.memory_space<vmem>>)
      %dma_wait3A_289 = arith.constant 0 : i32
      %dma_wait3A_290 = arith.constant 1 : i32
      %dma_wait3A_291 = arith.constant 0 : i32
      %dma_wait3A_292 = arith.constant 0 : i32
      %dma_wait3A_293 = arith.constant 50 : i32
      %dma_wait3A_294 = arith.constant 0 : i32
      %dma_wait3A_295 = tpu.memref_slice %arg6[%dma_wait3A_291, %dma_wait3A_293, %dma_wait3A_294] : memref<2x800x32xf32, #tpu.memory_space<vmem>> -> memref<1x50x32xf32, #tpu.memory_space<vmem>>
      %dma_wait3A_296 = tpu.memref_squeeze %dma_wait3A_295 : memref<1x50x32xf32, #tpu.memory_space<vmem>> -> memref<50x32xf32, #tpu.memory_space<vmem>>
      %dma_wait3A_297 = arith.constant 0 : i32
      %dma_wait3A_298 = tpu.memref_slice %arg5[%dma_wait3A_289, %dma_wait3A_290, %dma_wait3A_297] : memref<2x16x50xi32, #tpu.memory_space<vmem>> -> memref<1x1x50xi32, #tpu.memory_space<vmem>>
      %dma_wait3A_299 = tpu.memref_squeeze %dma_wait3A_298 : memref<1x1x50xi32, #tpu.memory_space<vmem>> -> memref<50xi32, #tpu.memory_space<vmem>>
      %dma_wait3A_300 = arith.constant 0 : i32
      %dma_wait3A_301 = arith.constant 0 : i32
      %dma_wait3A_302 = tpu.memref_slice %arg3[%dma_wait3A_300, %dma_wait3A_301] : memref<1000000x32xf32, #tpu.memory_space<hbm>> -> memref<1000000x32xf32, #tpu.memory_space<hbm>>
      %dma_wait3A_303 = tpu.memref_slice %arg8[%dma_wait3A_292] : memref<2x!tpu.dma_semaphore, #tpu.memory_space<semaphore_mem>> -> memref<1x!tpu.dma_semaphore, #tpu.memory_space<semaphore_mem>>
      %dma_wait3A_304 = tpu.memref_squeeze %dma_wait3A_303 : memref<1x!tpu.dma_semaphore, #tpu.memory_space<semaphore_mem>> -> memref<!tpu.dma_semaphore, #tpu.memory_space<semaphore_mem>>
      tpu.wait_indirect_dma semaphore(%dma_wait3A_304 : memref<!tpu.dma_semaphore, #tpu.memory_space<semaphore_mem>>) src(%dma_wait3A_302 : memref<1000000x32xf32, #tpu.memory_space<hbm>>) dst(%dma_wait3A_296 : memref<50x32xf32, #tpu.memory_space<vmem>>)
      %dma_wait3A_305 = arith.constant 0 : i32
      %dma_wait3A_306 = arith.constant 2 : i32
      %dma_wait3A_307 = arith.constant 0 : i32
      %dma_wait3A_308 = arith.constant 0 : i32
      %dma_wait3A_309 = arith.constant 100 : i32
      %dma_wait3A_310 = arith.constant 0 : i32
      %dma_wait3A_311 = tpu.memref_slice %arg6[%dma_wait3A_307, %dma_wait3A_309, %dma_wait3A_310] : memref<2x800x32xf32, #tpu.memory_space<vmem>> -> memref<1x50x32xf32, #tpu.memory_space<vmem>>
      %dma_wait3A_312 = tpu.memref_squeeze %dma_wait3A_311 : memref<1x50x32xf32, #tpu.memory_space<vmem>> -> memref<50x32xf32, #tpu.memory_space<vmem>>
      %dma_wait3A_313 = arith.constant 0 : i32
      %dma_wait3A_314 = tpu.memref_slice %arg5[%dma_wait3A_305, %dma_wait3A_306, %dma_wait3A_313] : memref<2x16x50xi32, #tpu.memory_space<vmem>> -> memref<1x1x50xi32, #tpu.memory_space<vmem>>
      %dma_wait3A_315 = tpu.memref_squeeze %dma_wait3A_314 : memref<1x1x50xi32, #tpu.memory_space<vmem>> -> memref<50xi32, #tpu.memory_space<vmem>>
      %dma_wait3A_316 = arith.constant 0 : i32
      %dma_wait3A_317 = arith.constant 0 : i32
      %dma_wait3A_318 = tpu.memref_slice %arg3[%dma_wait3A_316, %dma_wait3A_317] : memref<1000000x32xf32, #tpu.memory_space<hbm>> -> memref<1000000x32xf32, #tpu.memory_space<hbm>>
      %dma_wait3A_319 = tpu.memref_slice %arg8[%dma_wait3A_308] : memref<2x!tpu.dma_semaphore, #tpu.memory_space<semaphore_mem>> -> memref<1x!tpu.dma_semaphore, #tpu.memory_space<semaphore_mem>>
      %dma_wait3A_320 = tpu.memref_squeeze %dma_wait3A_319 : memref<1x!tpu.dma_semaphore, #tpu.memory_space<semaphore_mem>> -> memref<!tpu.dma_semaphore, #tpu.memory_space<semaphore_mem>>
      tpu.wait_indirect_dma semaphore(%dma_wait3A_320 : memref<!tpu.dma_semaphore, #tpu.memory_space<semaphore_mem>>) src(%dma_wait3A_318 : memref<1000000x32xf32, #tpu.memory_space<hbm>>) dst(%dma_wait3A_312 : memref<50x32xf32, #tpu.memory_space<vmem>>)
      %dma_wait3A_321 = arith.constant 0 : i32
      %dma_wait3A_322 = arith.constant 3 : i32
      %dma_wait3A_323 = arith.constant 0 : i32
      %dma_wait3A_324 = arith.constant 0 : i32
      %dma_wait3A_325 = arith.constant 150 : i32
      %dma_wait3A_326 = arith.constant 0 : i32
      %dma_wait3A_327 = tpu.memref_slice %arg6[%dma_wait3A_323, %dma_wait3A_325, %dma_wait3A_326] : memref<2x800x32xf32, #tpu.memory_space<vmem>> -> memref<1x50x32xf32, #tpu.memory_space<vmem>>
      %dma_wait3A_328 = tpu.memref_squeeze %dma_wait3A_327 : memref<1x50x32xf32, #tpu.memory_space<vmem>> -> memref<50x32xf32, #tpu.memory_space<vmem>>
      %dma_wait3A_329 = arith.constant 0 : i32
      %dma_wait3A_330 = tpu.memref_slice %arg5[%dma_wait3A_321, %dma_wait3A_322, %dma_wait3A_329] : memref<2x16x50xi32, #tpu.memory_space<vmem>> -> memref<1x1x50xi32, #tpu.memory_space<vmem>>
      %dma_wait3A_331 = tpu.memref_squeeze %dma_wait3A_330 : memref<1x1x50xi32, #tpu.memory_space<vmem>> -> memref<50xi32, #tpu.memory_space<vmem>>
      %dma_wait3A_332 = arith.constant 0 : i32
      %dma_wait3A_333 = arith.constant 0 : i32
      %dma_wait3A_334 = tpu.memref_slice %arg3[%dma_wait3A_332, %dma_wait3A_333] : memref<1000000x32xf32, #tpu.memory_space<hbm>> -> memref<1000000x32xf32, #tpu.memory_space<hbm>>
      %dma_wait3A_335 = tpu.memref_slice %arg8[%dma_wait3A_324] : memref<2x!tpu.dma_semaphore, #tpu.memory_space<semaphore_mem>> -> memref<1x!tpu.dma_semaphore, #tpu.memory_space<semaphore_mem>>
      %dma_wait3A_336 = tpu.memref_squeeze %dma_wait3A_335 : memref<1x!tpu.dma_semaphore, #tpu.memory_space<semaphore_mem>> -> memref<!tpu.dma_semaphore, #tpu.memory_space<semaphore_mem>>
      tpu.wait_indirect_dma semaphore(%dma_wait3A_336 : memref<!tpu.dma_semaphore, #tpu.memory_space<semaphore_mem>>) src(%dma_wait3A_334 : memref<1000000x32xf32, #tpu.memory_space<hbm>>) dst(%dma_wait3A_328 : memref<50x32xf32, #tpu.memory_space<vmem>>)
      %dma_wait3A_337 = arith.constant 0 : i32
      %dma_wait3A_338 = arith.constant 4 : i32
      %dma_wait3A_339 = arith.constant 0 : i32
      %dma_wait3A_340 = arith.constant 0 : i32
      %dma_wait3A_341 = arith.constant 200 : i32
      %dma_wait3A_342 = arith.constant 0 : i32
      %dma_wait3A_343 = tpu.memref_slice %arg6[%dma_wait3A_339, %dma_wait3A_341, %dma_wait3A_342] : memref<2x800x32xf32, #tpu.memory_space<vmem>> -> memref<1x50x32xf32, #tpu.memory_space<vmem>>
      %dma_wait3A_344 = tpu.memref_squeeze %dma_wait3A_343 : memref<1x50x32xf32, #tpu.memory_space<vmem>> -> memref<50x32xf32, #tpu.memory_space<vmem>>
      %dma_wait3A_345 = arith.constant 0 : i32
      %dma_wait3A_346 = tpu.memref_slice %arg5[%dma_wait3A_337, %dma_wait3A_338, %dma_wait3A_345] : memref<2x16x50xi32, #tpu.memory_space<vmem>> -> memref<1x1x50xi32, #tpu.memory_space<vmem>>
      %dma_wait3A_347 = tpu.memref_squeeze %dma_wait3A_346 : memref<1x1x50xi32, #tpu.memory_space<vmem>> -> memref<50xi32, #tpu.memory_space<vmem>>
      %dma_wait3A_348 = arith.constant 0 : i32
      %dma_wait3A_349 = arith.constant 0 : i32
      %dma_wait3A_350 = tpu.memref_slice %arg3[%dma_wait3A_348, %dma_wait3A_349] : memref<1000000x32xf32, #tpu.memory_space<hbm>> -> memref<1000000x32xf32, #tpu.memory_space<hbm>>
      %dma_wait3A_351 = tpu.memref_slice %arg8[%dma_wait3A_340] : memref<2x!tpu.dma_semaphore, #tpu.memory_space<semaphore_mem>> -> memref<1x!tpu.dma_semaphore, #tpu.memory_space<semaphore_mem>>
      %dma_wait3A_352 = tpu.memref_squeeze %dma_wait3A_351 : memref<1x!tpu.dma_semaphore, #tpu.memory_space<semaphore_mem>> -> memref<!tpu.dma_semaphore, #tpu.memory_space<semaphore_mem>>
      tpu.wait_indirect_dma semaphore(%dma_wait3A_352 : memref<!tpu.dma_semaphore, #tpu.memory_space<semaphore_mem>>) src(%dma_wait3A_350 : memref<1000000x32xf32, #tpu.memory_space<hbm>>) dst(%dma_wait3A_344 : memref<50x32xf32, #tpu.memory_space<vmem>>)
      %dma_wait3A_353 = arith.constant 0 : i32
      %dma_wait3A_354 = arith.constant 5 : i32
      %dma_wait3A_355 = arith.constant 0 : i32
      %dma_wait3A_356 = arith.constant 0 : i32
      %dma_wait3A_357 = arith.constant 250 : i32
      %dma_wait3A_358 = arith.constant 0 : i32
      %dma_wait3A_359 = tpu.memref_slice %arg6[%dma_wait3A_355, %dma_wait3A_357, %dma_wait3A_358] : memref<2x800x32xf32, #tpu.memory_space<vmem>> -> memref<1x50x32xf32, #tpu.memory_space<vmem>>
      %dma_wait3A_360 = tpu.memref_squeeze %dma_wait3A_359 : memref<1x50x32xf32, #tpu.memory_space<vmem>> -> memref<50x32xf32, #tpu.memory_space<vmem>>
      %dma_wait3A_361 = arith.constant 0 : i32
      %dma_wait3A_362 = tpu.memref_slice %arg5[%dma_wait3A_353, %dma_wait3A_354, %dma_wait3A_361] : memref<2x16x50xi32, #tpu.memory_space<vmem>> -> memref<1x1x50xi32, #tpu.memory_space<vmem>>
      %dma_wait3A_363 = tpu.memref_squeeze %dma_wait3A_362 : memref<1x1x50xi32, #tpu.memory_space<vmem>> -> memref<50xi32, #tpu.memory_space<vmem>>
      %dma_wait3A_364 = arith.constant 0 : i32
      %dma_wait3A_365 = arith.constant 0 : i32
      %dma_wait3A_366 = tpu.memref_slice %arg3[%dma_wait3A_364, %dma_wait3A_365] : memref<1000000x32xf32, #tpu.memory_space<hbm>> -> memref<1000000x32xf32, #tpu.memory_space<hbm>>
      %dma_wait3A_367 = tpu.memref_slice %arg8[%dma_wait3A_356] : memref<2x!tpu.dma_semaphore, #tpu.memory_space<semaphore_mem>> -> memref<1x!tpu.dma_semaphore, #tpu.memory_space<semaphore_mem>>
      %dma_wait3A_368 = tpu.memref_squeeze %dma_wait3A_367 : memref<1x!tpu.dma_semaphore, #tpu.memory_space<semaphore_mem>> -> memref<!tpu.dma_semaphore, #tpu.memory_space<semaphore_mem>>
      tpu.wait_indirect_dma semaphore(%dma_wait3A_368 : memref<!tpu.dma_semaphore, #tpu.memory_space<semaphore_mem>>) src(%dma_wait3A_366 : memref<1000000x32xf32, #tpu.memory_space<hbm>>) dst(%dma_wait3A_360 : memref<50x32xf32, #tpu.memory_space<vmem>>)
      %dma_wait3A_369 = arith.constant 0 : i32
      %dma_wait3A_370 = arith.constant 6 : i32
      %dma_wait3A_371 = arith.constant 0 : i32
      %dma_wait3A_372 = arith.constant 0 : i32
      %dma_wait3A_373 = arith.constant 300 : i32
      %dma_wait3A_374 = arith.constant 0 : i32
      %dma_wait3A_375 = tpu.memref_slice %arg6[%dma_wait3A_371, %dma_wait3A_373, %dma_wait3A_374] : memref<2x800x32xf32, #tpu.memory_space<vmem>> -> memref<1x50x32xf32, #tpu.memory_space<vmem>>
      %dma_wait3A_376 = tpu.memref_squeeze %dma_wait3A_375 : memref<1x50x32xf32, #tpu.memory_space<vmem>> -> memref<50x32xf32, #tpu.memory_space<vmem>>
      %dma_wait3A_377 = arith.constant 0 : i32
      %dma_wait3A_378 = tpu.memref_slice %arg5[%dma_wait3A_369, %dma_wait3A_370, %dma_wait3A_377] : memref<2x16x50xi32, #tpu.memory_space<vmem>> -> memref<1x1x50xi32, #tpu.memory_space<vmem>>
      %dma_wait3A_379 = tpu.memref_squeeze %dma_wait3A_378 : memref<1x1x50xi32, #tpu.memory_space<vmem>> -> memref<50xi32, #tpu.memory_space<vmem>>
      %dma_wait3A_380 = arith.constant 0 : i32
      %dma_wait3A_381 = arith.constant 0 : i32
      %dma_wait3A_382 = tpu.memref_slice %arg3[%dma_wait3A_380, %dma_wait3A_381] : memref<1000000x32xf32, #tpu.memory_space<hbm>> -> memref<1000000x32xf32, #tpu.memory_space<hbm>>
      %dma_wait3A_383 = tpu.memref_slice %arg8[%dma_wait3A_372] : memref<2x!tpu.dma_semaphore, #tpu.memory_space<semaphore_mem>> -> memref<1x!tpu.dma_semaphore, #tpu.memory_space<semaphore_mem>>
      %dma_wait3A_384 = tpu.memref_squeeze %dma_wait3A_383 : memref<1x!tpu.dma_semaphore, #tpu.memory_space<semaphore_mem>> -> memref<!tpu.dma_semaphore, #tpu.memory_space<semaphore_mem>>
      tpu.wait_indirect_dma semaphore(%dma_wait3A_384 : memref<!tpu.dma_semaphore, #tpu.memory_space<semaphore_mem>>) src(%dma_wait3A_382 : memref<1000000x32xf32, #tpu.memory_space<hbm>>) dst(%dma_wait3A_376 : memref<50x32xf32, #tpu.memory_space<vmem>>)
      %dma_wait3A_385 = arith.constant 0 : i32
      %dma_wait3A_386 = arith.constant 7 : i32
      %dma_wait3A_387 = arith.constant 0 : i32
      %dma_wait3A_388 = arith.constant 0 : i32
      %dma_wait3A_389 = arith.constant 350 : i32
      %dma_wait3A_390 = arith.constant 0 : i32
      %dma_wait3A_391 = tpu.memref_slice %arg6[%dma_wait3A_387, %dma_wait3A_389, %dma_wait3A_390] : memref<2x800x32xf32, #tpu.memory_space<vmem>> -> memref<1x50x32xf32, #tpu.memory_space<vmem>>
      %dma_wait3A_392 = tpu.memref_squeeze %dma_wait3A_391 : memref<1x50x32xf32, #tpu.memory_space<vmem>> -> memref<50x32xf32, #tpu.memory_space<vmem>>
      %dma_wait3A_393 = arith.constant 0 : i32
      %dma_wait3A_394 = tpu.memref_slice %arg5[%dma_wait3A_385, %dma_wait3A_386, %dma_wait3A_393] : memref<2x16x50xi32, #tpu.memory_space<vmem>> -> memref<1x1x50xi32, #tpu.memory_space<vmem>>
      %dma_wait3A_395 = tpu.memref_squeeze %dma_wait3A_394 : memref<1x1x50xi32, #tpu.memory_space<vmem>> -> memref<50xi32, #tpu.memory_space<vmem>>
      %dma_wait3A_396 = arith.constant 0 : i32
      %dma_wait3A_397 = arith.constant 0 : i32
      %dma_wait3A_398 = tpu.memref_slice %arg3[%dma_wait3A_396, %dma_wait3A_397] : memref<1000000x32xf32, #tpu.memory_space<hbm>> -> memref<1000000x32xf32, #tpu.memory_space<hbm>>
      %dma_wait3A_399 = tpu.memref_slice %arg8[%dma_wait3A_388] : memref<2x!tpu.dma_semaphore, #tpu.memory_space<semaphore_mem>> -> memref<1x!tpu.dma_semaphore, #tpu.memory_space<semaphore_mem>>
      %dma_wait3A_400 = tpu.memref_squeeze %dma_wait3A_399 : memref<1x!tpu.dma_semaphore, #tpu.memory_space<semaphore_mem>> -> memref<!tpu.dma_semaphore, #tpu.memory_space<semaphore_mem>>
      tpu.wait_indirect_dma semaphore(%dma_wait3A_400 : memref<!tpu.dma_semaphore, #tpu.memory_space<semaphore_mem>>) src(%dma_wait3A_398 : memref<1000000x32xf32, #tpu.memory_space<hbm>>) dst(%dma_wait3A_392 : memref<50x32xf32, #tpu.memory_space<vmem>>)
      %dma_wait3A_401 = arith.constant 0 : i32
      %dma_wait3A_402 = arith.constant 8 : i32
      %dma_wait3A_403 = arith.constant 0 : i32
      %dma_wait3A_404 = arith.constant 0 : i32
      %dma_wait3A_405 = arith.constant 400 : i32
      %dma_wait3A_406 = arith.constant 0 : i32
      %dma_wait3A_407 = tpu.memref_slice %arg6[%dma_wait3A_403, %dma_wait3A_405, %dma_wait3A_406] : memref<2x800x32xf32, #tpu.memory_space<vmem>> -> memref<1x50x32xf32, #tpu.memory_space<vmem>>
      %dma_wait3A_408 = tpu.memref_squeeze %dma_wait3A_407 : memref<1x50x32xf32, #tpu.memory_space<vmem>> -> memref<50x32xf32, #tpu.memory_space<vmem>>
      %dma_wait3A_409 = arith.constant 0 : i32
      %dma_wait3A_410 = tpu.memref_slice %arg5[%dma_wait3A_401, %dma_wait3A_402, %dma_wait3A_409] : memref<2x16x50xi32, #tpu.memory_space<vmem>> -> memref<1x1x50xi32, #tpu.memory_space<vmem>>
      %dma_wait3A_411 = tpu.memref_squeeze %dma_wait3A_410 : memref<1x1x50xi32, #tpu.memory_space<vmem>> -> memref<50xi32, #tpu.memory_space<vmem>>
      %dma_wait3A_412 = arith.constant 0 : i32
      %dma_wait3A_413 = arith.constant 0 : i32
      %dma_wait3A_414 = tpu.memref_slice %arg3[%dma_wait3A_412, %dma_wait3A_413] : memref<1000000x32xf32, #tpu.memory_space<hbm>> -> memref<1000000x32xf32, #tpu.memory_space<hbm>>
      %dma_wait3A_415 = tpu.memref_slice %arg8[%dma_wait3A_404] : memref<2x!tpu.dma_semaphore, #tpu.memory_space<semaphore_mem>> -> memref<1x!tpu.dma_semaphore, #tpu.memory_space<semaphore_mem>>
      %dma_wait3A_416 = tpu.memref_squeeze %dma_wait3A_415 : memref<1x!tpu.dma_semaphore, #tpu.memory_space<semaphore_mem>> -> memref<!tpu.dma_semaphore, #tpu.memory_space<semaphore_mem>>
      tpu.wait_indirect_dma semaphore(%dma_wait3A_416 : memref<!tpu.dma_semaphore, #tpu.memory_space<semaphore_mem>>) src(%dma_wait3A_414 : memref<1000000x32xf32, #tpu.memory_space<hbm>>) dst(%dma_wait3A_408 : memref<50x32xf32, #tpu.memory_space<vmem>>)
      %dma_wait3A_417 = arith.constant 0 : i32
      %dma_wait3A_418 = arith.constant 9 : i32
      %dma_wait3A_419 = arith.constant 0 : i32
      %dma_wait3A_420 = arith.constant 0 : i32
      %dma_wait3A_421 = arith.constant 450 : i32
      %dma_wait3A_422 = arith.constant 0 : i32
      %dma_wait3A_423 = tpu.memref_slice %arg6[%dma_wait3A_419, %dma_wait3A_421, %dma_wait3A_422] : memref<2x800x32xf32, #tpu.memory_space<vmem>> -> memref<1x50x32xf32, #tpu.memory_space<vmem>>
      %dma_wait3A_424 = tpu.memref_squeeze %dma_wait3A_423 : memref<1x50x32xf32, #tpu.memory_space<vmem>> -> memref<50x32xf32, #tpu.memory_space<vmem>>
      %dma_wait3A_425 = arith.constant 0 : i32
      %dma_wait3A_426 = tpu.memref_slice %arg5[%dma_wait3A_417, %dma_wait3A_418, %dma_wait3A_425] : memref<2x16x50xi32, #tpu.memory_space<vmem>> -> memref<1x1x50xi32, #tpu.memory_space<vmem>>
      %dma_wait3A_427 = tpu.memref_squeeze %dma_wait3A_426 : memref<1x1x50xi32, #tpu.memory_space<vmem>> -> memref<50xi32, #tpu.memory_space<vmem>>
      %dma_wait3A_428 = arith.constant 0 : i32
      %dma_wait3A_429 = arith.constant 0 : i32
      %dma_wait3A_430 = tpu.memref_slice %arg3[%dma_wait3A_428, %dma_wait3A_429] : memref<1000000x32xf32, #tpu.memory_space<hbm>> -> memref<1000000x32xf32, #tpu.memory_space<hbm>>
      %dma_wait3A_431 = tpu.memref_slice %arg8[%dma_wait3A_420] : memref<2x!tpu.dma_semaphore, #tpu.memory_space<semaphore_mem>> -> memref<1x!tpu.dma_semaphore, #tpu.memory_space<semaphore_mem>>
      %dma_wait3A_432 = tpu.memref_squeeze %dma_wait3A_431 : memref<1x!tpu.dma_semaphore, #tpu.memory_space<semaphore_mem>> -> memref<!tpu.dma_semaphore, #tpu.memory_space<semaphore_mem>>
      tpu.wait_indirect_dma semaphore(%dma_wait3A_432 : memref<!tpu.dma_semaphore, #tpu.memory_space<semaphore_mem>>) src(%dma_wait3A_430 : memref<1000000x32xf32, #tpu.memory_space<hbm>>) dst(%dma_wait3A_424 : memref<50x32xf32, #tpu.memory_space<vmem>>)
      %dma_wait3A_433 = arith.constant 0 : i32
      %dma_wait3A_434 = arith.constant 10 : i32
      %dma_wait3A_435 = arith.constant 0 : i32
      %dma_wait3A_436 = arith.constant 0 : i32
      %dma_wait3A_437 = arith.constant 500 : i32
      %dma_wait3A_438 = arith.constant 0 : i32
      %dma_wait3A_439 = tpu.memref_slice %arg6[%dma_wait3A_435, %dma_wait3A_437, %dma_wait3A_438] : memref<2x800x32xf32, #tpu.memory_space<vmem>> -> memref<1x50x32xf32, #tpu.memory_space<vmem>>
      %dma_wait3A_440 = tpu.memref_squeeze %dma_wait3A_439 : memref<1x50x32xf32, #tpu.memory_space<vmem>> -> memref<50x32xf32, #tpu.memory_space<vmem>>
      %dma_wait3A_441 = arith.constant 0 : i32
      %dma_wait3A_442 = tpu.memref_slice %arg5[%dma_wait3A_433, %dma_wait3A_434, %dma_wait3A_441] : memref<2x16x50xi32, #tpu.memory_space<vmem>> -> memref<1x1x50xi32, #tpu.memory_space<vmem>>
      %dma_wait3A_443 = tpu.memref_squeeze %dma_wait3A_442 : memref<1x1x50xi32, #tpu.memory_space<vmem>> -> memref<50xi32, #tpu.memory_space<vmem>>
      %dma_wait3A_444 = arith.constant 0 : i32
      %dma_wait3A_445 = arith.constant 0 : i32
      %dma_wait3A_446 = tpu.memref_slice %arg3[%dma_wait3A_444, %dma_wait3A_445] : memref<1000000x32xf32, #tpu.memory_space<hbm>> -> memref<1000000x32xf32, #tpu.memory_space<hbm>>
      %dma_wait3A_447 = tpu.memref_slice %arg8[%dma_wait3A_436] : memref<2x!tpu.dma_semaphore, #tpu.memory_space<semaphore_mem>> -> memref<1x!tpu.dma_semaphore, #tpu.memory_space<semaphore_mem>>
      %dma_wait3A_448 = tpu.memref_squeeze %dma_wait3A_447 : memref<1x!tpu.dma_semaphore, #tpu.memory_space<semaphore_mem>> -> memref<!tpu.dma_semaphore, #tpu.memory_space<semaphore_mem>>
      tpu.wait_indirect_dma semaphore(%dma_wait3A_448 : memref<!tpu.dma_semaphore, #tpu.memory_space<semaphore_mem>>) src(%dma_wait3A_446 : memref<1000000x32xf32, #tpu.memory_space<hbm>>) dst(%dma_wait3A_440 : memref<50x32xf32, #tpu.memory_space<vmem>>)
      %dma_wait3A_449 = arith.constant 0 : i32
      %dma_wait3A_450 = arith.constant 11 : i32
      %dma_wait3A_451 = arith.constant 0 : i32
      %dma_wait3A_452 = arith.constant 0 : i32
      %dma_wait3A_453 = arith.constant 550 : i32
      %dma_wait3A_454 = arith.constant 0 : i32
      %dma_wait3A_455 = tpu.memref_slice %arg6[%dma_wait3A_451, %dma_wait3A_453, %dma_wait3A_454] : memref<2x800x32xf32, #tpu.memory_space<vmem>> -> memref<1x50x32xf32, #tpu.memory_space<vmem>>
      %dma_wait3A_456 = tpu.memref_squeeze %dma_wait3A_455 : memref<1x50x32xf32, #tpu.memory_space<vmem>> -> memref<50x32xf32, #tpu.memory_space<vmem>>
      %dma_wait3A_457 = arith.constant 0 : i32
      %dma_wait3A_458 = tpu.memref_slice %arg5[%dma_wait3A_449, %dma_wait3A_450, %dma_wait3A_457] : memref<2x16x50xi32, #tpu.memory_space<vmem>> -> memref<1x1x50xi32, #tpu.memory_space<vmem>>
      %dma_wait3A_459 = tpu.memref_squeeze %dma_wait3A_458 : memref<1x1x50xi32, #tpu.memory_space<vmem>> -> memref<50xi32, #tpu.memory_space<vmem>>
      %dma_wait3A_460 = arith.constant 0 : i32
      %dma_wait3A_461 = arith.constant 0 : i32
      %dma_wait3A_462 = tpu.memref_slice %arg3[%dma_wait3A_460, %dma_wait3A_461] : memref<1000000x32xf32, #tpu.memory_space<hbm>> -> memref<1000000x32xf32, #tpu.memory_space<hbm>>
      %dma_wait3A_463 = tpu.memref_slice %arg8[%dma_wait3A_452] : memref<2x!tpu.dma_semaphore, #tpu.memory_space<semaphore_mem>> -> memref<1x!tpu.dma_semaphore, #tpu.memory_space<semaphore_mem>>
      %dma_wait3A_464 = tpu.memref_squeeze %dma_wait3A_463 : memref<1x!tpu.dma_semaphore, #tpu.memory_space<semaphore_mem>> -> memref<!tpu.dma_semaphore, #tpu.memory_space<semaphore_mem>>
      tpu.wait_indirect_dma semaphore(%dma_wait3A_464 : memref<!tpu.dma_semaphore, #tpu.memory_space<semaphore_mem>>) src(%dma_wait3A_462 : memref<1000000x32xf32, #tpu.memory_space<hbm>>) dst(%dma_wait3A_456 : memref<50x32xf32, #tpu.memory_space<vmem>>)
      %dma_wait3A_465 = arith.constant 0 : i32
      %dma_wait3A_466 = arith.constant 12 : i32
      %dma_wait3A_467 = arith.constant 0 : i32
      %dma_wait3A_468 = arith.constant 0 : i32
      %dma_wait3A_469 = arith.constant 600 : i32
      %dma_wait3A_470 = arith.constant 0 : i32
      %dma_wait3A_471 = tpu.memref_slice %arg6[%dma_wait3A_467, %dma_wait3A_469, %dma_wait3A_470] : memref<2x800x32xf32, #tpu.memory_space<vmem>> -> memref<1x50x32xf32, #tpu.memory_space<vmem>>
      %dma_wait3A_472 = tpu.memref_squeeze %dma_wait3A_471 : memref<1x50x32xf32, #tpu.memory_space<vmem>> -> memref<50x32xf32, #tpu.memory_space<vmem>>
      %dma_wait3A_473 = arith.constant 0 : i32
      %dma_wait3A_474 = tpu.memref_slice %arg5[%dma_wait3A_465, %dma_wait3A_466, %dma_wait3A_473] : memref<2x16x50xi32, #tpu.memory_space<vmem>> -> memref<1x1x50xi32, #tpu.memory_space<vmem>>
      %dma_wait3A_475 = tpu.memref_squeeze %dma_wait3A_474 : memref<1x1x50xi32, #tpu.memory_space<vmem>> -> memref<50xi32, #tpu.memory_space<vmem>>
      %dma_wait3A_476 = arith.constant 0 : i32
      %dma_wait3A_477 = arith.constant 0 : i32
      %dma_wait3A_478 = tpu.memref_slice %arg3[%dma_wait3A_476, %dma_wait3A_477] : memref<1000000x32xf32, #tpu.memory_space<hbm>> -> memref<1000000x32xf32, #tpu.memory_space<hbm>>
      %dma_wait3A_479 = tpu.memref_slice %arg8[%dma_wait3A_468] : memref<2x!tpu.dma_semaphore, #tpu.memory_space<semaphore_mem>> -> memref<1x!tpu.dma_semaphore, #tpu.memory_space<semaphore_mem>>
      %dma_wait3A_480 = tpu.memref_squeeze %dma_wait3A_479 : memref<1x!tpu.dma_semaphore, #tpu.memory_space<semaphore_mem>> -> memref<!tpu.dma_semaphore, #tpu.memory_space<semaphore_mem>>
      tpu.wait_indirect_dma semaphore(%dma_wait3A_480 : memref<!tpu.dma_semaphore, #tpu.memory_space<semaphore_mem>>) src(%dma_wait3A_478 : memref<1000000x32xf32, #tpu.memory_space<hbm>>) dst(%dma_wait3A_472 : memref<50x32xf32, #tpu.memory_space<vmem>>)
      %dma_wait3A_481 = arith.constant 0 : i32
      %dma_wait3A_482 = arith.constant 13 : i32
      %dma_wait3A_483 = arith.constant 0 : i32
      %dma_wait3A_484 = arith.constant 0 : i32
      %dma_wait3A_485 = arith.constant 650 : i32
      %dma_wait3A_486 = arith.constant 0 : i32
      %dma_wait3A_487 = tpu.memref_slice %arg6[%dma_wait3A_483, %dma_wait3A_485, %dma_wait3A_486] : memref<2x800x32xf32, #tpu.memory_space<vmem>> -> memref<1x50x32xf32, #tpu.memory_space<vmem>>
      %dma_wait3A_488 = tpu.memref_squeeze %dma_wait3A_487 : memref<1x50x32xf32, #tpu.memory_space<vmem>> -> memref<50x32xf32, #tpu.memory_space<vmem>>
      %dma_wait3A_489 = arith.constant 0 : i32
      %dma_wait3A_490 = tpu.memref_slice %arg5[%dma_wait3A_481, %dma_wait3A_482, %dma_wait3A_489] : memref<2x16x50xi32, #tpu.memory_space<vmem>> -> memref<1x1x50xi32, #tpu.memory_space<vmem>>
      %dma_wait3A_491 = tpu.memref_squeeze %dma_wait3A_490 : memref<1x1x50xi32, #tpu.memory_space<vmem>> -> memref<50xi32, #tpu.memory_space<vmem>>
      %dma_wait3A_492 = arith.constant 0 : i32
      %dma_wait3A_493 = arith.constant 0 : i32
      %dma_wait3A_494 = tpu.memref_slice %arg3[%dma_wait3A_492, %dma_wait3A_493] : memref<1000000x32xf32, #tpu.memory_space<hbm>> -> memref<1000000x32xf32, #tpu.memory_space<hbm>>
      %dma_wait3A_495 = tpu.memref_slice %arg8[%dma_wait3A_484] : memref<2x!tpu.dma_semaphore, #tpu.memory_space<semaphore_mem>> -> memref<1x!tpu.dma_semaphore, #tpu.memory_space<semaphore_mem>>
      %dma_wait3A_496 = tpu.memref_squeeze %dma_wait3A_495 : memref<1x!tpu.dma_semaphore, #tpu.memory_space<semaphore_mem>> -> memref<!tpu.dma_semaphore, #tpu.memory_space<semaphore_mem>>
      tpu.wait_indirect_dma semaphore(%dma_wait3A_496 : memref<!tpu.dma_semaphore, #tpu.memory_space<semaphore_mem>>) src(%dma_wait3A_494 : memref<1000000x32xf32, #tpu.memory_space<hbm>>) dst(%dma_wait3A_488 : memref<50x32xf32, #tpu.memory_space<vmem>>)
      %dma_wait3A_497 = arith.constant 0 : i32
      %dma_wait3A_498 = arith.constant 14 : i32
      %dma_wait3A_499 = arith.constant 0 : i32
      %dma_wait3A_500 = arith.constant 0 : i32
      %dma_wait3A_501 = arith.constant 700 : i32
      %dma_wait3A_502 = arith.constant 0 : i32
      %dma_wait3A_503 = tpu.memref_slice %arg6[%dma_wait3A_499, %dma_wait3A_501, %dma_wait3A_502] : memref<2x800x32xf32, #tpu.memory_space<vmem>> -> memref<1x50x32xf32, #tpu.memory_space<vmem>>
      %dma_wait3A_504 = tpu.memref_squeeze %dma_wait3A_503 : memref<1x50x32xf32, #tpu.memory_space<vmem>> -> memref<50x32xf32, #tpu.memory_space<vmem>>
      %dma_wait3A_505 = arith.constant 0 : i32
      %dma_wait3A_506 = tpu.memref_slice %arg5[%dma_wait3A_497, %dma_wait3A_498, %dma_wait3A_505] : memref<2x16x50xi32, #tpu.memory_space<vmem>> -> memref<1x1x50xi32, #tpu.memory_space<vmem>>
      %dma_wait3A_507 = tpu.memref_squeeze %dma_wait3A_506 : memref<1x1x50xi32, #tpu.memory_space<vmem>> -> memref<50xi32, #tpu.memory_space<vmem>>
      %dma_wait3A_508 = arith.constant 0 : i32
      %dma_wait3A_509 = arith.constant 0 : i32
      %dma_wait3A_510 = tpu.memref_slice %arg3[%dma_wait3A_508, %dma_wait3A_509] : memref<1000000x32xf32, #tpu.memory_space<hbm>> -> memref<1000000x32xf32, #tpu.memory_space<hbm>>
      %dma_wait3A_511 = tpu.memref_slice %arg8[%dma_wait3A_500] : memref<2x!tpu.dma_semaphore, #tpu.memory_space<semaphore_mem>> -> memref<1x!tpu.dma_semaphore, #tpu.memory_space<semaphore_mem>>
      %dma_wait3A_512 = tpu.memref_squeeze %dma_wait3A_511 : memref<1x!tpu.dma_semaphore, #tpu.memory_space<semaphore_mem>> -> memref<!tpu.dma_semaphore, #tpu.memory_space<semaphore_mem>>
      tpu.wait_indirect_dma semaphore(%dma_wait3A_512 : memref<!tpu.dma_semaphore, #tpu.memory_space<semaphore_mem>>) src(%dma_wait3A_510 : memref<1000000x32xf32, #tpu.memory_space<hbm>>) dst(%dma_wait3A_504 : memref<50x32xf32, #tpu.memory_space<vmem>>)
      %dma_wait3A_513 = arith.constant 0 : i32
      %dma_wait3A_514 = arith.constant 15 : i32
      %dma_wait3A_515 = arith.constant 0 : i32
      %dma_wait3A_516 = arith.constant 0 : i32
      %dma_wait3A_517 = arith.constant 750 : i32
      %dma_wait3A_518 = arith.constant 0 : i32
      %dma_wait3A_519 = tpu.memref_slice %arg6[%dma_wait3A_515, %dma_wait3A_517, %dma_wait3A_518] : memref<2x800x32xf32, #tpu.memory_space<vmem>> -> memref<1x50x32xf32, #tpu.memory_space<vmem>>
      %dma_wait3A_520 = tpu.memref_squeeze %dma_wait3A_519 : memref<1x50x32xf32, #tpu.memory_space<vmem>> -> memref<50x32xf32, #tpu.memory_space<vmem>>
      %dma_wait3A_521 = arith.constant 0 : i32
      %dma_wait3A_522 = tpu.memref_slice %arg5[%dma_wait3A_513, %dma_wait3A_514, %dma_wait3A_521] : memref<2x16x50xi32, #tpu.memory_space<vmem>> -> memref<1x1x50xi32, #tpu.memory_space<vmem>>
      %dma_wait3A_523 = tpu.memref_squeeze %dma_wait3A_522 : memref<1x1x50xi32, #tpu.memory_space<vmem>> -> memref<50xi32, #tpu.memory_space<vmem>>
      %dma_wait3A_524 = arith.constant 0 : i32
      %dma_wait3A_525 = arith.constant 0 : i32
      %dma_wait3A_526 = tpu.memref_slice %arg3[%dma_wait3A_524, %dma_wait3A_525] : memref<1000000x32xf32, #tpu.memory_space<hbm>> -> memref<1000000x32xf32, #tpu.memory_space<hbm>>
      %dma_wait3A_527 = tpu.memref_slice %arg8[%dma_wait3A_516] : memref<2x!tpu.dma_semaphore, #tpu.memory_space<semaphore_mem>> -> memref<1x!tpu.dma_semaphore, #tpu.memory_space<semaphore_mem>>
      %dma_wait3A_528 = tpu.memref_squeeze %dma_wait3A_527 : memref<1x!tpu.dma_semaphore, #tpu.memory_space<semaphore_mem>> -> memref<!tpu.dma_semaphore, #tpu.memory_space<semaphore_mem>>
      tpu.wait_indirect_dma semaphore(%dma_wait3A_528 : memref<!tpu.dma_semaphore, #tpu.memory_space<semaphore_mem>>) src(%dma_wait3A_526 : memref<1000000x32xf32, #tpu.memory_space<hbm>>) dst(%dma_wait3A_520 : memref<50x32xf32, #tpu.memory_space<vmem>>)
      %parallel_loop3A = arith.constant 0 : i32
      %parallel_loop3A_529 = arith.constant 200 : i32
      %parallel_loop3A_530 = arith.constant 1 : i32
      scf.for %parallel_loop3A_813 = %parallel_loop3A to %parallel_loop3A_529 step %parallel_loop3A_530  : i32 {
        %parallel_loop3A_814 = arith.constant 4 : i32
        %parallel_loop3A_815 = arith.muli %parallel_loop3A_813, %parallel_loop3A_814 : i32
        %parallel_loop3A_816 = arith.constant 0 : i32
        %parallel_loop3A_817 = arith.addi %parallel_loop3A_815, %parallel_loop3A_816 : i32
        %parallel_loop3A_818 = arith.constant 0 : i32
        %parallel_loop3A_819 = arith.index_cast %parallel_loop3A_818 : i32 to index
        %parallel_loop3A_820 = arith.index_cast %parallel_loop3A_817 : i32 to index
        %parallel_loop3A_821 = arith.constant 0 : index
        %parallel_loop3A_822 = tpu.vector_load %arg6[%parallel_loop3A_819, %parallel_loop3A_820, %parallel_loop3A_821] {strides = array<i32>} : memref<2x800x32xf32, #tpu.memory_space<vmem>>, vector<1x1x16xf32>,
        %parallel_loop3A_823 = vector.shape_cast %parallel_loop3A_822 : vector<1x1x16xf32> to vector<16xf32>
        %parallel_loop3A_824 = arith.constant 5.65685415 : f32
        %parallel_loop3A_825 = vector.broadcast %parallel_loop3A_824 : f32 to vector<16xf32>
        %parallel_loop3A_826 = arith.mulf %parallel_loop3A_823, %parallel_loop3A_825 : vector<16xf32>
        %parallel_loop3A_827 = arith.constant 0 : i32
        %parallel_loop3A_828 = arith.index_cast %parallel_loop3A_827 : i32 to index
        %parallel_loop3A_829 = arith.index_cast %parallel_loop3A_813 : i32 to index
        %parallel_loop3A_830 = arith.constant 0 : index
        %parallel_loop3A_831 = tpu.vector_load %arg7[%parallel_loop3A_828, %parallel_loop3A_829, %parallel_loop3A_830] {strides = array<i32>} : memref<2x200x128xf32, #tpu.memory_space<vmem>>, vector<1x1x16xf32>,
        %parallel_loop3A_832 = vector.shape_cast %parallel_loop3A_831 : vector<1x1x16xf32> to vector<16xf32>
        %parallel_loop3A_833 = vector.shape_cast %parallel_loop3A_826 : vector<16xf32> to vector<1x1x16xf32>
        tpu.vector_store %arg7[%parallel_loop3A_828, %parallel_loop3A_829, %parallel_loop3A_830], %parallel_loop3A_833 {strides = array<i32>} : memref<2x200x128xf32, #tpu.memory_space<vmem>>, vector<1x1x16xf32>,
        %parallel_loop3A_834 = arith.constant 4 : i32
        %parallel_loop3A_835 = arith.muli %parallel_loop3A_813, %parallel_loop3A_834 : i32
        %parallel_loop3A_836 = arith.constant 0 : i32
        %parallel_loop3A_837 = arith.addi %parallel_loop3A_835, %parallel_loop3A_836 : i32
        %parallel_loop3A_838 = arith.constant 0 : i32
        %parallel_loop3A_839 = arith.index_cast %parallel_loop3A_838 : i32 to index
        %parallel_loop3A_840 = arith.index_cast %parallel_loop3A_837 : i32 to index
        %parallel_loop3A_841 = arith.constant 16 : index
        %parallel_loop3A_842 = tpu.vector_load %arg6[%parallel_loop3A_839, %parallel_loop3A_840, %parallel_loop3A_841] {strides = array<i32>} : memref<2x800x32xf32, #tpu.memory_space<vmem>>, vector<1x1x16xf32>,
        %parallel_loop3A_843 = vector.shape_cast %parallel_loop3A_842 : vector<1x1x16xf32> to vector<16xf32>
        %parallel_loop3A_844 = arith.constant 5.65685415 : f32
        %parallel_loop3A_845 = vector.broadcast %parallel_loop3A_844 : f32 to vector<16xf32>
        %parallel_loop3A_846 = arith.mulf %parallel_loop3A_843, %parallel_loop3A_845 : vector<16xf32>
        %parallel_loop3A_847 = arith.constant 0 : i32
        %parallel_loop3A_848 = arith.index_cast %parallel_loop3A_847 : i32 to index
        %parallel_loop3A_849 = arith.index_cast %parallel_loop3A_813 : i32 to index
        %parallel_loop3A_850 = arith.constant 16 : index
        %parallel_loop3A_851 = tpu.vector_load %arg7[%parallel_loop3A_848, %parallel_loop3A_849, %parallel_loop3A_850] {strides = array<i32>} : memref<2x200x128xf32, #tpu.memory_space<vmem>>, vector<1x1x16xf32>,
        %parallel_loop3A_852 = vector.shape_cast %parallel_loop3A_851 : vector<1x1x16xf32> to vector<16xf32>
        %parallel_loop3A_853 = vector.shape_cast %parallel_loop3A_846 : vector<16xf32> to vector<1x1x16xf32>
        tpu.vector_store %arg7[%parallel_loop3A_848, %parallel_loop3A_849, %parallel_loop3A_850], %parallel_loop3A_853 {strides = array<i32>} : memref<2x200x128xf32, #tpu.memory_space<vmem>>, vector<1x1x16xf32>,
        %parallel_loop3A_854 = arith.constant 4 : i32
        %parallel_loop3A_855 = arith.muli %parallel_loop3A_813, %parallel_loop3A_854 : i32
        %parallel_loop3A_856 = arith.constant 1 : i32
        %parallel_loop3A_857 = arith.addi %parallel_loop3A_855, %parallel_loop3A_856 : i32
        %parallel_loop3A_858 = arith.constant 0 : i32
        %parallel_loop3A_859 = arith.index_cast %parallel_loop3A_858 : i32 to index
        %parallel_loop3A_860 = arith.index_cast %parallel_loop3A_857 : i32 to index
        %parallel_loop3A_861 = arith.constant 0 : index
        %parallel_loop3A_862 = tpu.vector_load %arg6[%parallel_loop3A_859, %parallel_loop3A_860, %parallel_loop3A_861] {strides = array<i32>} : memref<2x800x32xf32, #tpu.memory_space<vmem>>, vector<1x1x16xf32>,
        %parallel_loop3A_863 = vector.shape_cast %parallel_loop3A_862 : vector<1x1x16xf32> to vector<16xf32>
        %parallel_loop3A_864 = arith.constant 5.65685415 : f32
        %parallel_loop3A_865 = vector.broadcast %parallel_loop3A_864 : f32 to vector<16xf32>
        %parallel_loop3A_866 = arith.mulf %parallel_loop3A_863, %parallel_loop3A_865 : vector<16xf32>
        %parallel_loop3A_867 = arith.constant 0 : i32
        %parallel_loop3A_868 = arith.index_cast %parallel_loop3A_867 : i32 to index
        %parallel_loop3A_869 = arith.index_cast %parallel_loop3A_813 : i32 to index
        %parallel_loop3A_870 = arith.constant 32 : index
        %parallel_loop3A_871 = tpu.vector_load %arg7[%parallel_loop3A_868, %parallel_loop3A_869, %parallel_loop3A_870] {strides = array<i32>} : memref<2x200x128xf32, #tpu.memory_space<vmem>>, vector<1x1x16xf32>,
        %parallel_loop3A_872 = vector.shape_cast %parallel_loop3A_871 : vector<1x1x16xf32> to vector<16xf32>
        %parallel_loop3A_873 = vector.shape_cast %parallel_loop3A_866 : vector<16xf32> to vector<1x1x16xf32>
        tpu.vector_store %arg7[%parallel_loop3A_868, %parallel_loop3A_869, %parallel_loop3A_870], %parallel_loop3A_873 {strides = array<i32>} : memref<2x200x128xf32, #tpu.memory_space<vmem>>, vector<1x1x16xf32>,
        %parallel_loop3A_874 = arith.constant 4 : i32
        %parallel_loop3A_875 = arith.muli %parallel_loop3A_813, %parallel_loop3A_874 : i32
        %parallel_loop3A_876 = arith.constant 1 : i32
        %parallel_loop3A_877 = arith.addi %parallel_loop3A_875, %parallel_loop3A_876 : i32
        %parallel_loop3A_878 = arith.constant 0 : i32
        %parallel_loop3A_879 = arith.index_cast %parallel_loop3A_878 : i32 to index
        %parallel_loop3A_880 = arith.index_cast %parallel_loop3A_877 : i32 to index
        %parallel_loop3A_881 = arith.constant 16 : index
        %parallel_loop3A_882 = tpu.vector_load %arg6[%parallel_loop3A_879, %parallel_loop3A_880, %parallel_loop3A_881] {strides = array<i32>} : memref<2x800x32xf32, #tpu.memory_space<vmem>>, vector<1x1x16xf32>,
        %parallel_loop3A_883 = vector.shape_cast %parallel_loop3A_882 : vector<1x1x16xf32> to vector<16xf32>
        %parallel_loop3A_884 = arith.constant 5.65685415 : f32
        %parallel_loop3A_885 = vector.broadcast %parallel_loop3A_884 : f32 to vector<16xf32>
        %parallel_loop3A_886 = arith.mulf %parallel_loop3A_883, %parallel_loop3A_885 : vector<16xf32>
        %parallel_loop3A_887 = arith.constant 0 : i32
        %parallel_loop3A_888 = arith.index_cast %parallel_loop3A_887 : i32 to index
        %parallel_loop3A_889 = arith.index_cast %parallel_loop3A_813 : i32 to index
        %parallel_loop3A_890 = arith.constant 48 : index
        %parallel_loop3A_891 = tpu.vector_load %arg7[%parallel_loop3A_888, %parallel_loop3A_889, %parallel_loop3A_890] {strides = array<i32>} : memref<2x200x128xf32, #tpu.memory_space<vmem>>, vector<1x1x16xf32>,
        %parallel_loop3A_892 = vector.shape_cast %parallel_loop3A_891 : vector<1x1x16xf32> to vector<16xf32>
        %parallel_loop3A_893 = vector.shape_cast %parallel_loop3A_886 : vector<16xf32> to vector<1x1x16xf32>
        tpu.vector_store %arg7[%parallel_loop3A_888, %parallel_loop3A_889, %parallel_loop3A_890], %parallel_loop3A_893 {strides = array<i32>} : memref<2x200x128xf32, #tpu.memory_space<vmem>>, vector<1x1x16xf32>,
        %parallel_loop3A_894 = arith.constant 4 : i32
        %parallel_loop3A_895 = arith.muli %parallel_loop3A_813, %parallel_loop3A_894 : i32
        %parallel_loop3A_896 = arith.constant 2 : i32
        %parallel_loop3A_897 = arith.addi %parallel_loop3A_895, %parallel_loop3A_896 : i32
        %parallel_loop3A_898 = arith.constant 0 : i32
        %parallel_loop3A_899 = arith.index_cast %parallel_loop3A_898 : i32 to index
        %parallel_loop3A_900 = arith.index_cast %parallel_loop3A_897 : i32 to index
        %parallel_loop3A_901 = arith.constant 0 : index
        %parallel_loop3A_902 = tpu.vector_load %arg6[%parallel_loop3A_899, %parallel_loop3A_900, %parallel_loop3A_901] {strides = array<i32>} : memref<2x800x32xf32, #tpu.memory_space<vmem>>, vector<1x1x16xf32>,
        %parallel_loop3A_903 = vector.shape_cast %parallel_loop3A_902 : vector<1x1x16xf32> to vector<16xf32>
        %parallel_loop3A_904 = arith.constant 5.65685415 : f32
        %parallel_loop3A_905 = vector.broadcast %parallel_loop3A_904 : f32 to vector<16xf32>
        %parallel_loop3A_906 = arith.mulf %parallel_loop3A_903, %parallel_loop3A_905 : vector<16xf32>
        %parallel_loop3A_907 = arith.constant 0 : i32
        %parallel_loop3A_908 = arith.index_cast %parallel_loop3A_907 : i32 to index
        %parallel_loop3A_909 = arith.index_cast %parallel_loop3A_813 : i32 to index
        %parallel_loop3A_910 = arith.constant 64 : index
        %parallel_loop3A_911 = tpu.vector_load %arg7[%parallel_loop3A_908, %parallel_loop3A_909, %parallel_loop3A_910] {strides = array<i32>} : memref<2x200x128xf32, #tpu.memory_space<vmem>>, vector<1x1x16xf32>,
        %parallel_loop3A_912 = vector.shape_cast %parallel_loop3A_911 : vector<1x1x16xf32> to vector<16xf32>
        %parallel_loop3A_913 = vector.shape_cast %parallel_loop3A_906 : vector<16xf32> to vector<1x1x16xf32>
        tpu.vector_store %arg7[%parallel_loop3A_908, %parallel_loop3A_909, %parallel_loop3A_910], %parallel_loop3A_913 {strides = array<i32>} : memref<2x200x128xf32, #tpu.memory_space<vmem>>, vector<1x1x16xf32>,
        %parallel_loop3A_914 = arith.constant 4 : i32
        %parallel_loop3A_915 = arith.muli %parallel_loop3A_813, %parallel_loop3A_914 : i32
        %parallel_loop3A_916 = arith.constant 2 : i32
        %parallel_loop3A_917 = arith.addi %parallel_loop3A_915, %parallel_loop3A_916 : i32
        %parallel_loop3A_918 = arith.constant 0 : i32
        %parallel_loop3A_919 = arith.index_cast %parallel_loop3A_918 : i32 to index
        %parallel_loop3A_920 = arith.index_cast %parallel_loop3A_917 : i32 to index
        %parallel_loop3A_921 = arith.constant 16 : index
        %parallel_loop3A_922 = tpu.vector_load %arg6[%parallel_loop3A_919, %parallel_loop3A_920, %parallel_loop3A_921] {strides = array<i32>} : memref<2x800x32xf32, #tpu.memory_space<vmem>>, vector<1x1x16xf32>,
        %parallel_loop3A_923 = vector.shape_cast %parallel_loop3A_922 : vector<1x1x16xf32> to vector<16xf32>
        %parallel_loop3A_924 = arith.constant 5.65685415 : f32
        %parallel_loop3A_925 = vector.broadcast %parallel_loop3A_924 : f32 to vector<16xf32>
        %parallel_loop3A_926 = arith.mulf %parallel_loop3A_923, %parallel_loop3A_925 : vector<16xf32>
        %parallel_loop3A_927 = arith.constant 0 : i32
        %parallel_loop3A_928 = arith.index_cast %parallel_loop3A_927 : i32 to index
        %parallel_loop3A_929 = arith.index_cast %parallel_loop3A_813 : i32 to index
        %parallel_loop3A_930 = arith.constant 80 : index
        %parallel_loop3A_931 = tpu.vector_load %arg7[%parallel_loop3A_928, %parallel_loop3A_929, %parallel_loop3A_930] {strides = array<i32>} : memref<2x200x128xf32, #tpu.memory_space<vmem>>, vector<1x1x16xf32>,
        %parallel_loop3A_932 = vector.shape_cast %parallel_loop3A_931 : vector<1x1x16xf32> to vector<16xf32>
        %parallel_loop3A_933 = vector.shape_cast %parallel_loop3A_926 : vector<16xf32> to vector<1x1x16xf32>
        tpu.vector_store %arg7[%parallel_loop3A_928, %parallel_loop3A_929, %parallel_loop3A_930], %parallel_loop3A_933 {strides = array<i32>} : memref<2x200x128xf32, #tpu.memory_space<vmem>>, vector<1x1x16xf32>,
        %parallel_loop3A_934 = arith.constant 4 : i32
        %parallel_loop3A_935 = arith.muli %parallel_loop3A_813, %parallel_loop3A_934 : i32
        %parallel_loop3A_936 = arith.constant 3 : i32
        %parallel_loop3A_937 = arith.addi %parallel_loop3A_935, %parallel_loop3A_936 : i32
        %parallel_loop3A_938 = arith.constant 0 : i32
        %parallel_loop3A_939 = arith.index_cast %parallel_loop3A_938 : i32 to index
        %parallel_loop3A_940 = arith.index_cast %parallel_loop3A_937 : i32 to index
        %parallel_loop3A_941 = arith.constant 0 : index
        %parallel_loop3A_942 = tpu.vector_load %arg6[%parallel_loop3A_939, %parallel_loop3A_940, %parallel_loop3A_941] {strides = array<i32>} : memref<2x800x32xf32, #tpu.memory_space<vmem>>, vector<1x1x16xf32>,
        %parallel_loop3A_943 = vector.shape_cast %parallel_loop3A_942 : vector<1x1x16xf32> to vector<16xf32>
        %parallel_loop3A_944 = arith.constant 5.65685415 : f32
        %parallel_loop3A_945 = vector.broadcast %parallel_loop3A_944 : f32 to vector<16xf32>
        %parallel_loop3A_946 = arith.mulf %parallel_loop3A_943, %parallel_loop3A_945 : vector<16xf32>
        %parallel_loop3A_947 = arith.constant 0 : i32
        %parallel_loop3A_948 = arith.index_cast %parallel_loop3A_947 : i32 to index
        %parallel_loop3A_949 = arith.index_cast %parallel_loop3A_813 : i32 to index
        %parallel_loop3A_950 = arith.constant 96 : index
        %parallel_loop3A_951 = tpu.vector_load %arg7[%parallel_loop3A_948, %parallel_loop3A_949, %parallel_loop3A_950] {strides = array<i32>} : memref<2x200x128xf32, #tpu.memory_space<vmem>>, vector<1x1x16xf32>,
        %parallel_loop3A_952 = vector.shape_cast %parallel_loop3A_951 : vector<1x1x16xf32> to vector<16xf32>
        %parallel_loop3A_953 = vector.shape_cast %parallel_loop3A_946 : vector<16xf32> to vector<1x1x16xf32>
        tpu.vector_store %arg7[%parallel_loop3A_948, %parallel_loop3A_949, %parallel_loop3A_950], %parallel_loop3A_953 {strides = array<i32>} : memref<2x200x128xf32, #tpu.memory_space<vmem>>, vector<1x1x16xf32>,
        %parallel_loop3A_954 = arith.constant 4 : i32
        %parallel_loop3A_955 = arith.muli %parallel_loop3A_813, %parallel_loop3A_954 : i32
        %parallel_loop3A_956 = arith.constant 3 : i32
        %parallel_loop3A_957 = arith.addi %parallel_loop3A_955, %parallel_loop3A_956 : i32
        %parallel_loop3A_958 = arith.constant 0 : i32
        %parallel_loop3A_959 = arith.index_cast %parallel_loop3A_958 : i32 to index
        %parallel_loop3A_960 = arith.index_cast %parallel_loop3A_957 : i32 to index
        %parallel_loop3A_961 = arith.constant 16 : index
        %parallel_loop3A_962 = tpu.vector_load %arg6[%parallel_loop3A_959, %parallel_loop3A_960, %parallel_loop3A_961] {strides = array<i32>} : memref<2x800x32xf32, #tpu.memory_space<vmem>>, vector<1x1x16xf32>,
        %parallel_loop3A_963 = vector.shape_cast %parallel_loop3A_962 : vector<1x1x16xf32> to vector<16xf32>
        %parallel_loop3A_964 = arith.constant 5.65685415 : f32
        %parallel_loop3A_965 = vector.broadcast %parallel_loop3A_964 : f32 to vector<16xf32>
        %parallel_loop3A_966 = arith.mulf %parallel_loop3A_963, %parallel_loop3A_965 : vector<16xf32>
        %parallel_loop3A_967 = arith.constant 0 : i32
        %parallel_loop3A_968 = arith.index_cast %parallel_loop3A_967 : i32 to index
        %parallel_loop3A_969 = arith.index_cast %parallel_loop3A_813 : i32 to index
        %parallel_loop3A_970 = arith.constant 112 : index
        %parallel_loop3A_971 = tpu.vector_load %arg7[%parallel_loop3A_968, %parallel_loop3A_969, %parallel_loop3A_970] {strides = array<i32>} : memref<2x200x128xf32, #tpu.memory_space<vmem>>, vector<1x1x16xf32>,
        %parallel_loop3A_972 = vector.shape_cast %parallel_loop3A_971 : vector<1x1x16xf32> to vector<16xf32>
        %parallel_loop3A_973 = vector.shape_cast %parallel_loop3A_966 : vector<16xf32> to vector<1x1x16xf32>
        tpu.vector_store %arg7[%parallel_loop3A_968, %parallel_loop3A_969, %parallel_loop3A_970], %parallel_loop3A_973 {strides = array<i32>} : memref<2x200x128xf32, #tpu.memory_space<vmem>>, vector<1x1x16xf32>,
      } {sc.loop_unroll_factor = 4 : i64, sc.parallel_access}
      %mul3A_531 = arith.constant 6400 : i32
      %mul3A_532 = arith.muli %add3A, %mul3A_531 : i32
      %mul3A_533 = arith.constant 200 : i32
      %mul3A_534 = arith.muli %add3A_269, %mul3A_533 : i32
      %add3A_535 = arith.addi %mul3A_532, %mul3A_534 : i32
      %run_scoped3A_536 = arith.constant 0 : i32
      "tpu.region"() ({
        %run_scoped3A_813 = tpu.sem_alloc : memref<!tpu.dma_semaphore, #tpu.memory_space<semaphore_mem>>
        %dma_start3A_814 = arith.constant 0 : i32
        %dma_start3A_815 = arith.constant 0 : i32
        %dma_start3A_816 = tpu.memref_slice %arg7[%run_scoped3A_536, %dma_start3A_814, %dma_start3A_815] : memref<2x200x128xf32, #tpu.memory_space<vmem>> -> memref<1x200x128xf32, #tpu.memory_space<vmem>>
        %dma_start3A_817 = tpu.memref_squeeze %dma_start3A_816 : memref<1x200x128xf32, #tpu.memory_space<vmem>> -> memref<200x128xf32, #tpu.memory_space<vmem>>
        %dma_start3A_818 = arith.constant 0 : i32
        %dma_start3A_819 = tpu.memref_slice %arg4[%add3A_535, %dma_start3A_818] : memref<204800x128xf32, #tpu.memory_space<hbm>> -> memref<200x128xf32, #tpu.memory_space<hbm>>
        %dma_start3A_820 = arith.constant 0 : i32
        %dma_start3A_821 = tpu.memref_slice %arg4[%add3A_535, %dma_start3A_820] : memref<204800x128xf32, #tpu.memory_space<hbm>> -> memref<200x128xf32, #tpu.memory_space<hbm>>
        %dma_start3A_822 = arith.constant 0 : i32
        %dma_start3A_823 = arith.constant 0 : i32
        %dma_start3A_824 = tpu.memref_slice %arg7[%run_scoped3A_536, %dma_start3A_822, %dma_start3A_823] : memref<2x200x128xf32, #tpu.memory_space<vmem>> -> memref<1x200x128xf32, #tpu.memory_space<vmem>>
        %dma_start3A_825 = tpu.memref_squeeze %dma_start3A_824 : memref<1x200x128xf32, #tpu.memory_space<vmem>> -> memref<200x128xf32, #tpu.memory_space<vmem>>
        tpu.enqueue_dma source(%dma_start3A_825 : memref<200x128xf32, #tpu.memory_space<vmem>>) target(%dma_start3A_821 : memref<200x128xf32, #tpu.memory_space<hbm>>) target_semaphore(%run_scoped3A_813 : memref<!tpu.dma_semaphore, #tpu.memory_space<semaphore_mem>>)
        %dma_wait3A_826 = arith.constant 0 : i32
        %dma_wait3A_827 = arith.constant 0 : i32
        %dma_wait3A_828 = tpu.memref_slice %arg7[%run_scoped3A_536, %dma_wait3A_826, %dma_wait3A_827] : memref<2x200x128xf32, #tpu.memory_space<vmem>> -> memref<1x200x128xf32, #tpu.memory_space<vmem>>
        %dma_wait3A_829 = tpu.memref_squeeze %dma_wait3A_828 : memref<1x200x128xf32, #tpu.memory_space<vmem>> -> memref<200x128xf32, #tpu.memory_space<vmem>>
        %dma_wait3A_830 = arith.constant 0 : i32
        %dma_wait3A_831 = tpu.memref_slice %arg4[%add3A_535, %dma_wait3A_830] : memref<204800x128xf32, #tpu.memory_space<hbm>> -> memref<200x128xf32, #tpu.memory_space<hbm>>
        %dma_wait3A_832 = arith.constant 0 : i32
        %dma_wait3A_833 = tpu.memref_slice %arg4[%add3A_535, %dma_wait3A_832] : memref<204800x128xf32, #tpu.memory_space<hbm>> -> memref<200x128xf32, #tpu.memory_space<hbm>>
        %dma_wait3A_834 = arith.constant 0 : i32
        %dma_wait3A_835 = arith.constant 0 : i32
        %dma_wait3A_836 = tpu.memref_slice %arg7[%run_scoped3A_536, %dma_wait3A_834, %dma_wait3A_835] : memref<2x200x128xf32, #tpu.memory_space<vmem>> -> memref<1x200x128xf32, #tpu.memory_space<vmem>>
        %dma_wait3A_837 = tpu.memref_squeeze %dma_wait3A_836 : memref<1x200x128xf32, #tpu.memory_space<vmem>> -> memref<200x128xf32, #tpu.memory_space<vmem>>
        tpu.wait_dma2 semaphore(%run_scoped3A_813 : memref<!tpu.dma_semaphore, #tpu.memory_space<semaphore_mem>>) src(%dma_wait3A_837 : memref<200x128xf32, #tpu.memory_space<vmem>>) dst(%dma_wait3A_833 : memref<200x128xf32, #tpu.memory_space<hbm>>)
        tpu.yield
      }) : () -> ()
      %mul3A_537 = arith.constant 2 : i32
      %mul3A_538 = arith.muli %scan3A_265, %mul3A_537 : i32
      %add3A_539 = arith.constant 1 : i32
      %add3A_540 = arith.addi %mul3A_538, %add3A_539 : i32
      %add3A_541 = arith.constant 1 : i32
      %add3A_542 = arith.addi %add3A_540, %add3A_541 : i32
      %lt3A_543 = arith.constant 32 : i32
      %lt3A_544 = arith.cmpi slt, %add3A_542, %lt3A_543 : i32
      %convert_element_type3A_545 = arith.extui %lt3A_544 : i1 to i32
      %cond3A_546 = arith.constant 0 : i32
      %cond3A_547 = arith.cmpi ne, %convert_element_type3A_545, %cond3A_546 : i32
      scf.if %cond3A_547 {
        %add3A_813 = arith.constant 1 : i32
        %add3A_814 = arith.addi %add3A_540, %add3A_813 : i32
        %mul3A_815 = arith.constant 16 : i32
        %mul3A_816 = arith.muli %add3A_814, %mul3A_815 : i32
        %add3A_817 = arith.addi %mul3A_2, %mul3A_816 : i32
        %run_scoped3A_818 = arith.constant 0 : i32
        "tpu.region"() ({
          %run_scoped3A_1075 = tpu.sem_alloc : memref<!tpu.dma_semaphore, #tpu.memory_space<semaphore_mem>>
          %dma_start3A_1076 = arith.constant 0 : i32
          %dma_start3A_1077 = arith.constant 0 : i32
          %dma_start3A_1078 = tpu.memref_slice %arg5[%run_scoped3A_818, %dma_start3A_1076, %dma_start3A_1077] : memref<2x16x50xi32, #tpu.memory_space<vmem>> -> memref<1x16x50xi32, #tpu.memory_space<vmem>>
          %dma_start3A_1079 = tpu.memref_squeeze %dma_start3A_1078 : memref<1x16x50xi32, #tpu.memory_space<vmem>> -> memref<16x50xi32, #tpu.memory_space<vmem>>
          %dma_start3A_1080 = arith.constant 0 : i32
          %dma_start3A_1081 = tpu.memref_slice %arg2[%add3A_817, %dma_start3A_1080] : memref<16384x50xi32, #tpu.memory_space<hbm>> -> memref<16x50xi32, #tpu.memory_space<hbm>>
          %dma_start3A_1082 = arith.constant 0 : i32
          %dma_start3A_1083 = arith.constant 0 : i32
          %dma_start3A_1084 = tpu.memref_slice %arg5[%run_scoped3A_818, %dma_start3A_1082, %dma_start3A_1083] : memref<2x16x50xi32, #tpu.memory_space<vmem>> -> memref<1x16x50xi32, #tpu.memory_space<vmem>>
          %dma_start3A_1085 = tpu.memref_squeeze %dma_start3A_1084 : memref<1x16x50xi32, #tpu.memory_space<vmem>> -> memref<16x50xi32, #tpu.memory_space<vmem>>
          %dma_start3A_1086 = arith.constant 0 : i32
          %dma_start3A_1087 = tpu.memref_slice %arg2[%add3A_817, %dma_start3A_1086] : memref<16384x50xi32, #tpu.memory_space<hbm>> -> memref<16x50xi32, #tpu.memory_space<hbm>>
          tpu.enqueue_dma source(%dma_start3A_1087 : memref<16x50xi32, #tpu.memory_space<hbm>>) target(%dma_start3A_1085 : memref<16x50xi32, #tpu.memory_space<vmem>>) target_semaphore(%run_scoped3A_1075 : memref<!tpu.dma_semaphore, #tpu.memory_space<semaphore_mem>>)
          %dma_wait3A_1088 = arith.constant 0 : i32
          %dma_wait3A_1089 = arith.constant 0 : i32
          %dma_wait3A_1090 = tpu.memref_slice %arg5[%run_scoped3A_818, %dma_wait3A_1088, %dma_wait3A_1089] : memref<2x16x50xi32, #tpu.memory_space<vmem>> -> memref<1x16x50xi32, #tpu.memory_space<vmem>>
          %dma_wait3A_1091 = tpu.memref_squeeze %dma_wait3A_1090 : memref<1x16x50xi32, #tpu.memory_space<vmem>> -> memref<16x50xi32, #tpu.memory_space<vmem>>
          %dma_wait3A_1092 = arith.constant 0 : i32
          %dma_wait3A_1093 = tpu.memref_slice %arg2[%add3A_817, %dma_wait3A_1092] : memref<16384x50xi32, #tpu.memory_space<hbm>> -> memref<16x50xi32, #tpu.memory_space<hbm>>
          %dma_wait3A_1094 = arith.constant 0 : i32
          %dma_wait3A_1095 = arith.constant 0 : i32
          %dma_wait3A_1096 = tpu.memref_slice %arg5[%run_scoped3A_818, %dma_wait3A_1094, %dma_wait3A_1095] : memref<2x16x50xi32, #tpu.memory_space<vmem>> -> memref<1x16x50xi32, #tpu.memory_space<vmem>>
          %dma_wait3A_1097 = tpu.memref_squeeze %dma_wait3A_1096 : memref<1x16x50xi32, #tpu.memory_space<vmem>> -> memref<16x50xi32, #tpu.memory_space<vmem>>
          %dma_wait3A_1098 = arith.constant 0 : i32
          %dma_wait3A_1099 = tpu.memref_slice %arg2[%add3A_817, %dma_wait3A_1098] : memref<16384x50xi32, #tpu.memory_space<hbm>> -> memref<16x50xi32, #tpu.memory_space<hbm>>
          tpu.wait_dma2 semaphore(%run_scoped3A_1075 : memref<!tpu.dma_semaphore, #tpu.memory_space<semaphore_mem>>) src(%dma_wait3A_1099 : memref<16x50xi32, #tpu.memory_space<hbm>>) dst(%dma_wait3A_1097 : memref<16x50xi32, #tpu.memory_space<vmem>>)
          tpu.yield
        }) : () -> ()
        %dma_start3A_819 = arith.constant 0 : i32
        %dma_start3A_820 = arith.constant 0 : i32
        %dma_start3A_821 = arith.constant 0 : i32
        %dma_start3A_822 = arith.constant 0 : i32
        %dma_start3A_823 = arith.constant 0 : i32
        %dma_start3A_824 = arith.constant 0 : i32
        %dma_start3A_825 = tpu.memref_slice %arg6[%dma_start3A_821, %dma_start3A_823, %dma_start3A_824] : memref<2x800x32xf32, #tpu.memory_space<vmem>> -> memref<1x50x32xf32, #tpu.memory_space<vmem>>
        %dma_start3A_826 = tpu.memref_squeeze %dma_start3A_825 : memref<1x50x32xf32, #tpu.memory_space<vmem>> -> memref<50x32xf32, #tpu.memory_space<vmem>>
        %dma_start3A_827 = arith.constant 0 : i32
        %dma_start3A_828 = tpu.memref_slice %arg5[%dma_start3A_819, %dma_start3A_820, %dma_start3A_827] : memref<2x16x50xi32, #tpu.memory_space<vmem>> -> memref<1x1x50xi32, #tpu.memory_space<vmem>>
        %dma_start3A_829 = tpu.memref_squeeze %dma_start3A_828 : memref<1x1x50xi32, #tpu.memory_space<vmem>> -> memref<50xi32, #tpu.memory_space<vmem>>
        %dma_start3A_830 = arith.constant 0 : i32
        %dma_start3A_831 = arith.constant 0 : i32
        %dma_start3A_832 = tpu.memref_slice %arg3[%dma_start3A_830, %dma_start3A_831] : memref<1000000x32xf32, #tpu.memory_space<hbm>> -> memref<1000000x32xf32, #tpu.memory_space<hbm>>
        %dma_start3A_833 = tpu.memref_slice %arg8[%dma_start3A_822] : memref<2x!tpu.dma_semaphore, #tpu.memory_space<semaphore_mem>> -> memref<1x!tpu.dma_semaphore, #tpu.memory_space<semaphore_mem>>
        %dma_start3A_834 = tpu.memref_squeeze %dma_start3A_833 : memref<1x!tpu.dma_semaphore, #tpu.memory_space<semaphore_mem>> -> memref<!tpu.dma_semaphore, #tpu.memory_space<semaphore_mem>>
        tpu.enqueue_indirect_dma source(%dma_start3A_832 : memref<1000000x32xf32, #tpu.memory_space<hbm>>) target(%dma_start3A_826 : memref<50x32xf32, #tpu.memory_space<vmem>>) offsets(%dma_start3A_829 : memref<50xi32, #tpu.memory_space<vmem>>) semaphore(%dma_start3A_834 : memref<!tpu.dma_semaphore, #tpu.memory_space<semaphore_mem>>)
        %dma_start3A_835 = arith.constant 0 : i32
        %dma_start3A_836 = arith.constant 1 : i32
        %dma_start3A_837 = arith.constant 0 : i32
        %dma_start3A_838 = arith.constant 0 : i32
        %dma_start3A_839 = arith.constant 50 : i32
        %dma_start3A_840 = arith.constant 0 : i32
        %dma_start3A_841 = tpu.memref_slice %arg6[%dma_start3A_837, %dma_start3A_839, %dma_start3A_840] : memref<2x800x32xf32, #tpu.memory_space<vmem>> -> memref<1x50x32xf32, #tpu.memory_space<vmem>>
        %dma_start3A_842 = tpu.memref_squeeze %dma_start3A_841 : memref<1x50x32xf32, #tpu.memory_space<vmem>> -> memref<50x32xf32, #tpu.memory_space<vmem>>
        %dma_start3A_843 = arith.constant 0 : i32
        %dma_start3A_844 = tpu.memref_slice %arg5[%dma_start3A_835, %dma_start3A_836, %dma_start3A_843] : memref<2x16x50xi32, #tpu.memory_space<vmem>> -> memref<1x1x50xi32, #tpu.memory_space<vmem>>
        %dma_start3A_845 = tpu.memref_squeeze %dma_start3A_844 : memref<1x1x50xi32, #tpu.memory_space<vmem>> -> memref<50xi32, #tpu.memory_space<vmem>>
        %dma_start3A_846 = arith.constant 0 : i32
        %dma_start3A_847 = arith.constant 0 : i32
        %dma_start3A_848 = tpu.memref_slice %arg3[%dma_start3A_846, %dma_start3A_847] : memref<1000000x32xf32, #tpu.memory_space<hbm>> -> memref<1000000x32xf32, #tpu.memory_space<hbm>>
        %dma_start3A_849 = tpu.memref_slice %arg8[%dma_start3A_838] : memref<2x!tpu.dma_semaphore, #tpu.memory_space<semaphore_mem>> -> memref<1x!tpu.dma_semaphore, #tpu.memory_space<semaphore_mem>>
        %dma_start3A_850 = tpu.memref_squeeze %dma_start3A_849 : memref<1x!tpu.dma_semaphore, #tpu.memory_space<semaphore_mem>> -> memref<!tpu.dma_semaphore, #tpu.memory_space<semaphore_mem>>
        tpu.enqueue_indirect_dma source(%dma_start3A_848 : memref<1000000x32xf32, #tpu.memory_space<hbm>>) target(%dma_start3A_842 : memref<50x32xf32, #tpu.memory_space<vmem>>) offsets(%dma_start3A_845 : memref<50xi32, #tpu.memory_space<vmem>>) semaphore(%dma_start3A_850 : memref<!tpu.dma_semaphore, #tpu.memory_space<semaphore_mem>>)
        %dma_start3A_851 = arith.constant 0 : i32
        %dma_start3A_852 = arith.constant 2 : i32
        %dma_start3A_853 = arith.constant 0 : i32
        %dma_start3A_854 = arith.constant 0 : i32
        %dma_start3A_855 = arith.constant 100 : i32
        %dma_start3A_856 = arith.constant 0 : i32
        %dma_start3A_857 = tpu.memref_slice %arg6[%dma_start3A_853, %dma_start3A_855, %dma_start3A_856] : memref<2x800x32xf32, #tpu.memory_space<vmem>> -> memref<1x50x32xf32, #tpu.memory_space<vmem>>
        %dma_start3A_858 = tpu.memref_squeeze %dma_start3A_857 : memref<1x50x32xf32, #tpu.memory_space<vmem>> -> memref<50x32xf32, #tpu.memory_space<vmem>>
        %dma_start3A_859 = arith.constant 0 : i32
        %dma_start3A_860 = tpu.memref_slice %arg5[%dma_start3A_851, %dma_start3A_852, %dma_start3A_859] : memref<2x16x50xi32, #tpu.memory_space<vmem>> -> memref<1x1x50xi32, #tpu.memory_space<vmem>>
        %dma_start3A_861 = tpu.memref_squeeze %dma_start3A_860 : memref<1x1x50xi32, #tpu.memory_space<vmem>> -> memref<50xi32, #tpu.memory_space<vmem>>
        %dma_start3A_862 = arith.constant 0 : i32
        %dma_start3A_863 = arith.constant 0 : i32
        %dma_start3A_864 = tpu.memref_slice %arg3[%dma_start3A_862, %dma_start3A_863] : memref<1000000x32xf32, #tpu.memory_space<hbm>> -> memref<1000000x32xf32, #tpu.memory_space<hbm>>
        %dma_start3A_865 = tpu.memref_slice %arg8[%dma_start3A_854] : memref<2x!tpu.dma_semaphore, #tpu.memory_space<semaphore_mem>> -> memref<1x!tpu.dma_semaphore, #tpu.memory_space<semaphore_mem>>
        %dma_start3A_866 = tpu.memref_squeeze %dma_start3A_865 : memref<1x!tpu.dma_semaphore, #tpu.memory_space<semaphore_mem>> -> memref<!tpu.dma_semaphore, #tpu.memory_space<semaphore_mem>>
        tpu.enqueue_indirect_dma source(%dma_start3A_864 : memref<1000000x32xf32, #tpu.memory_space<hbm>>) target(%dma_start3A_858 : memref<50x32xf32, #tpu.memory_space<vmem>>) offsets(%dma_start3A_861 : memref<50xi32, #tpu.memory_space<vmem>>) semaphore(%dma_start3A_866 : memref<!tpu.dma_semaphore, #tpu.memory_space<semaphore_mem>>)
        %dma_start3A_867 = arith.constant 0 : i32
        %dma_start3A_868 = arith.constant 3 : i32
        %dma_start3A_869 = arith.constant 0 : i32
        %dma_start3A_870 = arith.constant 0 : i32
        %dma_start3A_871 = arith.constant 150 : i32
        %dma_start3A_872 = arith.constant 0 : i32
        %dma_start3A_873 = tpu.memref_slice %arg6[%dma_start3A_869, %dma_start3A_871, %dma_start3A_872] : memref<2x800x32xf32, #tpu.memory_space<vmem>> -> memref<1x50x32xf32, #tpu.memory_space<vmem>>
        %dma_start3A_874 = tpu.memref_squeeze %dma_start3A_873 : memref<1x50x32xf32, #tpu.memory_space<vmem>> -> memref<50x32xf32, #tpu.memory_space<vmem>>
        %dma_start3A_875 = arith.constant 0 : i32
        %dma_start3A_876 = tpu.memref_slice %arg5[%dma_start3A_867, %dma_start3A_868, %dma_start3A_875] : memref<2x16x50xi32, #tpu.memory_space<vmem>> -> memref<1x1x50xi32, #tpu.memory_space<vmem>>
        %dma_start3A_877 = tpu.memref_squeeze %dma_start3A_876 : memref<1x1x50xi32, #tpu.memory_space<vmem>> -> memref<50xi32, #tpu.memory_space<vmem>>
        %dma_start3A_878 = arith.constant 0 : i32
        %dma_start3A_879 = arith.constant 0 : i32
        %dma_start3A_880 = tpu.memref_slice %arg3[%dma_start3A_878, %dma_start3A_879] : memref<1000000x32xf32, #tpu.memory_space<hbm>> -> memref<1000000x32xf32, #tpu.memory_space<hbm>>
        %dma_start3A_881 = tpu.memref_slice %arg8[%dma_start3A_870] : memref<2x!tpu.dma_semaphore, #tpu.memory_space<semaphore_mem>> -> memref<1x!tpu.dma_semaphore, #tpu.memory_space<semaphore_mem>>
        %dma_start3A_882 = tpu.memref_squeeze %dma_start3A_881 : memref<1x!tpu.dma_semaphore, #tpu.memory_space<semaphore_mem>> -> memref<!tpu.dma_semaphore, #tpu.memory_space<semaphore_mem>>
        tpu.enqueue_indirect_dma source(%dma_start3A_880 : memref<1000000x32xf32, #tpu.memory_space<hbm>>) target(%dma_start3A_874 : memref<50x32xf32, #tpu.memory_space<vmem>>) offsets(%dma_start3A_877 : memref<50xi32, #tpu.memory_space<vmem>>) semaphore(%dma_start3A_882 : memref<!tpu.dma_semaphore, #tpu.memory_space<semaphore_mem>>)
        %dma_start3A_883 = arith.constant 0 : i32
        %dma_start3A_884 = arith.constant 4 : i32
        %dma_start3A_885 = arith.constant 0 : i32
        %dma_start3A_886 = arith.constant 0 : i32
        %dma_start3A_887 = arith.constant 200 : i32
        %dma_start3A_888 = arith.constant 0 : i32
        %dma_start3A_889 = tpu.memref_slice %arg6[%dma_start3A_885, %dma_start3A_887, %dma_start3A_888] : memref<2x800x32xf32, #tpu.memory_space<vmem>> -> memref<1x50x32xf32, #tpu.memory_space<vmem>>
        %dma_start3A_890 = tpu.memref_squeeze %dma_start3A_889 : memref<1x50x32xf32, #tpu.memory_space<vmem>> -> memref<50x32xf32, #tpu.memory_space<vmem>>
        %dma_start3A_891 = arith.constant 0 : i32
        %dma_start3A_892 = tpu.memref_slice %arg5[%dma_start3A_883, %dma_start3A_884, %dma_start3A_891] : memref<2x16x50xi32, #tpu.memory_space<vmem>> -> memref<1x1x50xi32, #tpu.memory_space<vmem>>
        %dma_start3A_893 = tpu.memref_squeeze %dma_start3A_892 : memref<1x1x50xi32, #tpu.memory_space<vmem>> -> memref<50xi32, #tpu.memory_space<vmem>>
        %dma_start3A_894 = arith.constant 0 : i32
        %dma_start3A_895 = arith.constant 0 : i32
        %dma_start3A_896 = tpu.memref_slice %arg3[%dma_start3A_894, %dma_start3A_895] : memref<1000000x32xf32, #tpu.memory_space<hbm>> -> memref<1000000x32xf32, #tpu.memory_space<hbm>>
        %dma_start3A_897 = tpu.memref_slice %arg8[%dma_start3A_886] : memref<2x!tpu.dma_semaphore, #tpu.memory_space<semaphore_mem>> -> memref<1x!tpu.dma_semaphore, #tpu.memory_space<semaphore_mem>>
        %dma_start3A_898 = tpu.memref_squeeze %dma_start3A_897 : memref<1x!tpu.dma_semaphore, #tpu.memory_space<semaphore_mem>> -> memref<!tpu.dma_semaphore, #tpu.memory_space<semaphore_mem>>
        tpu.enqueue_indirect_dma source(%dma_start3A_896 : memref<1000000x32xf32, #tpu.memory_space<hbm>>) target(%dma_start3A_890 : memref<50x32xf32, #tpu.memory_space<vmem>>) offsets(%dma_start3A_893 : memref<50xi32, #tpu.memory_space<vmem>>) semaphore(%dma_start3A_898 : memref<!tpu.dma_semaphore, #tpu.memory_space<semaphore_mem>>)
        %dma_start3A_899 = arith.constant 0 : i32
        %dma_start3A_900 = arith.constant 5 : i32
        %dma_start3A_901 = arith.constant 0 : i32
        %dma_start3A_902 = arith.constant 0 : i32
        %dma_start3A_903 = arith.constant 250 : i32
        %dma_start3A_904 = arith.constant 0 : i32
        %dma_start3A_905 = tpu.memref_slice %arg6[%dma_start3A_901, %dma_start3A_903, %dma_start3A_904] : memref<2x800x32xf32, #tpu.memory_space<vmem>> -> memref<1x50x32xf32, #tpu.memory_space<vmem>>
        %dma_start3A_906 = tpu.memref_squeeze %dma_start3A_905 : memref<1x50x32xf32, #tpu.memory_space<vmem>> -> memref<50x32xf32, #tpu.memory_space<vmem>>
        %dma_start3A_907 = arith.constant 0 : i32
        %dma_start3A_908 = tpu.memref_slice %arg5[%dma_start3A_899, %dma_start3A_900, %dma_start3A_907] : memref<2x16x50xi32, #tpu.memory_space<vmem>> -> memref<1x1x50xi32, #tpu.memory_space<vmem>>
        %dma_start3A_909 = tpu.memref_squeeze %dma_start3A_908 : memref<1x1x50xi32, #tpu.memory_space<vmem>> -> memref<50xi32, #tpu.memory_space<vmem>>
        %dma_start3A_910 = arith.constant 0 : i32
        %dma_start3A_911 = arith.constant 0 : i32
        %dma_start3A_912 = tpu.memref_slice %arg3[%dma_start3A_910, %dma_start3A_911] : memref<1000000x32xf32, #tpu.memory_space<hbm>> -> memref<1000000x32xf32, #tpu.memory_space<hbm>>
        %dma_start3A_913 = tpu.memref_slice %arg8[%dma_start3A_902] : memref<2x!tpu.dma_semaphore, #tpu.memory_space<semaphore_mem>> -> memref<1x!tpu.dma_semaphore, #tpu.memory_space<semaphore_mem>>
        %dma_start3A_914 = tpu.memref_squeeze %dma_start3A_913 : memref<1x!tpu.dma_semaphore, #tpu.memory_space<semaphore_mem>> -> memref<!tpu.dma_semaphore, #tpu.memory_space<semaphore_mem>>
        tpu.enqueue_indirect_dma source(%dma_start3A_912 : memref<1000000x32xf32, #tpu.memory_space<hbm>>) target(%dma_start3A_906 : memref<50x32xf32, #tpu.memory_space<vmem>>) offsets(%dma_start3A_909 : memref<50xi32, #tpu.memory_space<vmem>>) semaphore(%dma_start3A_914 : memref<!tpu.dma_semaphore, #tpu.memory_space<semaphore_mem>>)
        %dma_start3A_915 = arith.constant 0 : i32
        %dma_start3A_916 = arith.constant 6 : i32
        %dma_start3A_917 = arith.constant 0 : i32
        %dma_start3A_918 = arith.constant 0 : i32
        %dma_start3A_919 = arith.constant 300 : i32
        %dma_start3A_920 = arith.constant 0 : i32
        %dma_start3A_921 = tpu.memref_slice %arg6[%dma_start3A_917, %dma_start3A_919, %dma_start3A_920] : memref<2x800x32xf32, #tpu.memory_space<vmem>> -> memref<1x50x32xf32, #tpu.memory_space<vmem>>
        %dma_start3A_922 = tpu.memref_squeeze %dma_start3A_921 : memref<1x50x32xf32, #tpu.memory_space<vmem>> -> memref<50x32xf32, #tpu.memory_space<vmem>>
        %dma_start3A_923 = arith.constant 0 : i32
        %dma_start3A_924 = tpu.memref_slice %arg5[%dma_start3A_915, %dma_start3A_916, %dma_start3A_923] : memref<2x16x50xi32, #tpu.memory_space<vmem>> -> memref<1x1x50xi32, #tpu.memory_space<vmem>>
        %dma_start3A_925 = tpu.memref_squeeze %dma_start3A_924 : memref<1x1x50xi32, #tpu.memory_space<vmem>> -> memref<50xi32, #tpu.memory_space<vmem>>
        %dma_start3A_926 = arith.constant 0 : i32
        %dma_start3A_927 = arith.constant 0 : i32
        %dma_start3A_928 = tpu.memref_slice %arg3[%dma_start3A_926, %dma_start3A_927] : memref<1000000x32xf32, #tpu.memory_space<hbm>> -> memref<1000000x32xf32, #tpu.memory_space<hbm>>
        %dma_start3A_929 = tpu.memref_slice %arg8[%dma_start3A_918] : memref<2x!tpu.dma_semaphore, #tpu.memory_space<semaphore_mem>> -> memref<1x!tpu.dma_semaphore, #tpu.memory_space<semaphore_mem>>
        %dma_start3A_930 = tpu.memref_squeeze %dma_start3A_929 : memref<1x!tpu.dma_semaphore, #tpu.memory_space<semaphore_mem>> -> memref<!tpu.dma_semaphore, #tpu.memory_space<semaphore_mem>>
        tpu.enqueue_indirect_dma source(%dma_start3A_928 : memref<1000000x32xf32, #tpu.memory_space<hbm>>) target(%dma_start3A_922 : memref<50x32xf32, #tpu.memory_space<vmem>>) offsets(%dma_start3A_925 : memref<50xi32, #tpu.memory_space<vmem>>) semaphore(%dma_start3A_930 : memref<!tpu.dma_semaphore, #tpu.memory_space<semaphore_mem>>)
        %dma_start3A_931 = arith.constant 0 : i32
        %dma_start3A_932 = arith.constant 7 : i32
        %dma_start3A_933 = arith.constant 0 : i32
        %dma_start3A_934 = arith.constant 0 : i32
        %dma_start3A_935 = arith.constant 350 : i32
        %dma_start3A_936 = arith.constant 0 : i32
        %dma_start3A_937 = tpu.memref_slice %arg6[%dma_start3A_933, %dma_start3A_935, %dma_start3A_936] : memref<2x800x32xf32, #tpu.memory_space<vmem>> -> memref<1x50x32xf32, #tpu.memory_space<vmem>>
        %dma_start3A_938 = tpu.memref_squeeze %dma_start3A_937 : memref<1x50x32xf32, #tpu.memory_space<vmem>> -> memref<50x32xf32, #tpu.memory_space<vmem>>
        %dma_start3A_939 = arith.constant 0 : i32
        %dma_start3A_940 = tpu.memref_slice %arg5[%dma_start3A_931, %dma_start3A_932, %dma_start3A_939] : memref<2x16x50xi32, #tpu.memory_space<vmem>> -> memref<1x1x50xi32, #tpu.memory_space<vmem>>
        %dma_start3A_941 = tpu.memref_squeeze %dma_start3A_940 : memref<1x1x50xi32, #tpu.memory_space<vmem>> -> memref<50xi32, #tpu.memory_space<vmem>>
        %dma_start3A_942 = arith.constant 0 : i32
        %dma_start3A_943 = arith.constant 0 : i32
        %dma_start3A_944 = tpu.memref_slice %arg3[%dma_start3A_942, %dma_start3A_943] : memref<1000000x32xf32, #tpu.memory_space<hbm>> -> memref<1000000x32xf32, #tpu.memory_space<hbm>>
        %dma_start3A_945 = tpu.memref_slice %arg8[%dma_start3A_934] : memref<2x!tpu.dma_semaphore, #tpu.memory_space<semaphore_mem>> -> memref<1x!tpu.dma_semaphore, #tpu.memory_space<semaphore_mem>>
        %dma_start3A_946 = tpu.memref_squeeze %dma_start3A_945 : memref<1x!tpu.dma_semaphore, #tpu.memory_space<semaphore_mem>> -> memref<!tpu.dma_semaphore, #tpu.memory_space<semaphore_mem>>
        tpu.enqueue_indirect_dma source(%dma_start3A_944 : memref<1000000x32xf32, #tpu.memory_space<hbm>>) target(%dma_start3A_938 : memref<50x32xf32, #tpu.memory_space<vmem>>) offsets(%dma_start3A_941 : memref<50xi32, #tpu.memory_space<vmem>>) semaphore(%dma_start3A_946 : memref<!tpu.dma_semaphore, #tpu.memory_space<semaphore_mem>>)
        %dma_start3A_947 = arith.constant 0 : i32
        %dma_start3A_948 = arith.constant 8 : i32
        %dma_start3A_949 = arith.constant 0 : i32
        %dma_start3A_950 = arith.constant 0 : i32
        %dma_start3A_951 = arith.constant 400 : i32
        %dma_start3A_952 = arith.constant 0 : i32
        %dma_start3A_953 = tpu.memref_slice %arg6[%dma_start3A_949, %dma_start3A_951, %dma_start3A_952] : memref<2x800x32xf32, #tpu.memory_space<vmem>> -> memref<1x50x32xf32, #tpu.memory_space<vmem>>
        %dma_start3A_954 = tpu.memref_squeeze %dma_start3A_953 : memref<1x50x32xf32, #tpu.memory_space<vmem>> -> memref<50x32xf32, #tpu.memory_space<vmem>>
        %dma_start3A_955 = arith.constant 0 : i32
        %dma_start3A_956 = tpu.memref_slice %arg5[%dma_start3A_947, %dma_start3A_948, %dma_start3A_955] : memref<2x16x50xi32, #tpu.memory_space<vmem>> -> memref<1x1x50xi32, #tpu.memory_space<vmem>>
        %dma_start3A_957 = tpu.memref_squeeze %dma_start3A_956 : memref<1x1x50xi32, #tpu.memory_space<vmem>> -> memref<50xi32, #tpu.memory_space<vmem>>
        %dma_start3A_958 = arith.constant 0 : i32
        %dma_start3A_959 = arith.constant 0 : i32
        %dma_start3A_960 = tpu.memref_slice %arg3[%dma_start3A_958, %dma_start3A_959] : memref<1000000x32xf32, #tpu.memory_space<hbm>> -> memref<1000000x32xf32, #tpu.memory_space<hbm>>
        %dma_start3A_961 = tpu.memref_slice %arg8[%dma_start3A_950] : memref<2x!tpu.dma_semaphore, #tpu.memory_space<semaphore_mem>> -> memref<1x!tpu.dma_semaphore, #tpu.memory_space<semaphore_mem>>
        %dma_start3A_962 = tpu.memref_squeeze %dma_start3A_961 : memref<1x!tpu.dma_semaphore, #tpu.memory_space<semaphore_mem>> -> memref<!tpu.dma_semaphore, #tpu.memory_space<semaphore_mem>>
        tpu.enqueue_indirect_dma source(%dma_start3A_960 : memref<1000000x32xf32, #tpu.memory_space<hbm>>) target(%dma_start3A_954 : memref<50x32xf32, #tpu.memory_space<vmem>>) offsets(%dma_start3A_957 : memref<50xi32, #tpu.memory_space<vmem>>) semaphore(%dma_start3A_962 : memref<!tpu.dma_semaphore, #tpu.memory_space<semaphore_mem>>)
        %dma_start3A_963 = arith.constant 0 : i32
        %dma_start3A_964 = arith.constant 9 : i32
        %dma_start3A_965 = arith.constant 0 : i32
        %dma_start3A_966 = arith.constant 0 : i32
        %dma_start3A_967 = arith.constant 450 : i32
        %dma_start3A_968 = arith.constant 0 : i32
        %dma_start3A_969 = tpu.memref_slice %arg6[%dma_start3A_965, %dma_start3A_967, %dma_start3A_968] : memref<2x800x32xf32, #tpu.memory_space<vmem>> -> memref<1x50x32xf32, #tpu.memory_space<vmem>>
        %dma_start3A_970 = tpu.memref_squeeze %dma_start3A_969 : memref<1x50x32xf32, #tpu.memory_space<vmem>> -> memref<50x32xf32, #tpu.memory_space<vmem>>
        %dma_start3A_971 = arith.constant 0 : i32
        %dma_start3A_972 = tpu.memref_slice %arg5[%dma_start3A_963, %dma_start3A_964, %dma_start3A_971] : memref<2x16x50xi32, #tpu.memory_space<vmem>> -> memref<1x1x50xi32, #tpu.memory_space<vmem>>
        %dma_start3A_973 = tpu.memref_squeeze %dma_start3A_972 : memref<1x1x50xi32, #tpu.memory_space<vmem>> -> memref<50xi32, #tpu.memory_space<vmem>>
        %dma_start3A_974 = arith.constant 0 : i32
        %dma_start3A_975 = arith.constant 0 : i32
        %dma_start3A_976 = tpu.memref_slice %arg3[%dma_start3A_974, %dma_start3A_975] : memref<1000000x32xf32, #tpu.memory_space<hbm>> -> memref<1000000x32xf32, #tpu.memory_space<hbm>>
        %dma_start3A_977 = tpu.memref_slice %arg8[%dma_start3A_966] : memref<2x!tpu.dma_semaphore, #tpu.memory_space<semaphore_mem>> -> memref<1x!tpu.dma_semaphore, #tpu.memory_space<semaphore_mem>>
        %dma_start3A_978 = tpu.memref_squeeze %dma_start3A_977 : memref<1x!tpu.dma_semaphore, #tpu.memory_space<semaphore_mem>> -> memref<!tpu.dma_semaphore, #tpu.memory_space<semaphore_mem>>
        tpu.enqueue_indirect_dma source(%dma_start3A_976 : memref<1000000x32xf32, #tpu.memory_space<hbm>>) target(%dma_start3A_970 : memref<50x32xf32, #tpu.memory_space<vmem>>) offsets(%dma_start3A_973 : memref<50xi32, #tpu.memory_space<vmem>>) semaphore(%dma_start3A_978 : memref<!tpu.dma_semaphore, #tpu.memory_space<semaphore_mem>>)
        %dma_start3A_979 = arith.constant 0 : i32
        %dma_start3A_980 = arith.constant 10 : i32
        %dma_start3A_981 = arith.constant 0 : i32
        %dma_start3A_982 = arith.constant 0 : i32
        %dma_start3A_983 = arith.constant 500 : i32
        %dma_start3A_984 = arith.constant 0 : i32
        %dma_start3A_985 = tpu.memref_slice %arg6[%dma_start3A_981, %dma_start3A_983, %dma_start3A_984] : memref<2x800x32xf32, #tpu.memory_space<vmem>> -> memref<1x50x32xf32, #tpu.memory_space<vmem>>
        %dma_start3A_986 = tpu.memref_squeeze %dma_start3A_985 : memref<1x50x32xf32, #tpu.memory_space<vmem>> -> memref<50x32xf32, #tpu.memory_space<vmem>>
        %dma_start3A_987 = arith.constant 0 : i32
        %dma_start3A_988 = tpu.memref_slice %arg5[%dma_start3A_979, %dma_start3A_980, %dma_start3A_987] : memref<2x16x50xi32, #tpu.memory_space<vmem>> -> memref<1x1x50xi32, #tpu.memory_space<vmem>>
        %dma_start3A_989 = tpu.memref_squeeze %dma_start3A_988 : memref<1x1x50xi32, #tpu.memory_space<vmem>> -> memref<50xi32, #tpu.memory_space<vmem>>
        %dma_start3A_990 = arith.constant 0 : i32
        %dma_start3A_991 = arith.constant 0 : i32
        %dma_start3A_992 = tpu.memref_slice %arg3[%dma_start3A_990, %dma_start3A_991] : memref<1000000x32xf32, #tpu.memory_space<hbm>> -> memref<1000000x32xf32, #tpu.memory_space<hbm>>
        %dma_start3A_993 = tpu.memref_slice %arg8[%dma_start3A_982] : memref<2x!tpu.dma_semaphore, #tpu.memory_space<semaphore_mem>> -> memref<1x!tpu.dma_semaphore, #tpu.memory_space<semaphore_mem>>
        %dma_start3A_994 = tpu.memref_squeeze %dma_start3A_993 : memref<1x!tpu.dma_semaphore, #tpu.memory_space<semaphore_mem>> -> memref<!tpu.dma_semaphore, #tpu.memory_space<semaphore_mem>>
        tpu.enqueue_indirect_dma source(%dma_start3A_992 : memref<1000000x32xf32, #tpu.memory_space<hbm>>) target(%dma_start3A_986 : memref<50x32xf32, #tpu.memory_space<vmem>>) offsets(%dma_start3A_989 : memref<50xi32, #tpu.memory_space<vmem>>) semaphore(%dma_start3A_994 : memref<!tpu.dma_semaphore, #tpu.memory_space<semaphore_mem>>)
        %dma_start3A_995 = arith.constant 0 : i32
        %dma_start3A_996 = arith.constant 11 : i32
        %dma_start3A_997 = arith.constant 0 : i32
        %dma_start3A_998 = arith.constant 0 : i32
        %dma_start3A_999 = arith.constant 550 : i32
        %dma_start3A_1000 = arith.constant 0 : i32
        %dma_start3A_1001 = tpu.memref_slice %arg6[%dma_start3A_997, %dma_start3A_999, %dma_start3A_1000] : memref<2x800x32xf32, #tpu.memory_space<vmem>> -> memref<1x50x32xf32, #tpu.memory_space<vmem>>
        %dma_start3A_1002 = tpu.memref_squeeze %dma_start3A_1001 : memref<1x50x32xf32, #tpu.memory_space<vmem>> -> memref<50x32xf32, #tpu.memory_space<vmem>>
        %dma_start3A_1003 = arith.constant 0 : i32
        %dma_start3A_1004 = tpu.memref_slice %arg5[%dma_start3A_995, %dma_start3A_996, %dma_start3A_1003] : memref<2x16x50xi32, #tpu.memory_space<vmem>> -> memref<1x1x50xi32, #tpu.memory_space<vmem>>
        %dma_start3A_1005 = tpu.memref_squeeze %dma_start3A_1004 : memref<1x1x50xi32, #tpu.memory_space<vmem>> -> memref<50xi32, #tpu.memory_space<vmem>>
        %dma_start3A_1006 = arith.constant 0 : i32
        %dma_start3A_1007 = arith.constant 0 : i32
        %dma_start3A_1008 = tpu.memref_slice %arg3[%dma_start3A_1006, %dma_start3A_1007] : memref<1000000x32xf32, #tpu.memory_space<hbm>> -> memref<1000000x32xf32, #tpu.memory_space<hbm>>
        %dma_start3A_1009 = tpu.memref_slice %arg8[%dma_start3A_998] : memref<2x!tpu.dma_semaphore, #tpu.memory_space<semaphore_mem>> -> memref<1x!tpu.dma_semaphore, #tpu.memory_space<semaphore_mem>>
        %dma_start3A_1010 = tpu.memref_squeeze %dma_start3A_1009 : memref<1x!tpu.dma_semaphore, #tpu.memory_space<semaphore_mem>> -> memref<!tpu.dma_semaphore, #tpu.memory_space<semaphore_mem>>
        tpu.enqueue_indirect_dma source(%dma_start3A_1008 : memref<1000000x32xf32, #tpu.memory_space<hbm>>) target(%dma_start3A_1002 : memref<50x32xf32, #tpu.memory_space<vmem>>) offsets(%dma_start3A_1005 : memref<50xi32, #tpu.memory_space<vmem>>) semaphore(%dma_start3A_1010 : memref<!tpu.dma_semaphore, #tpu.memory_space<semaphore_mem>>)
        %dma_start3A_1011 = arith.constant 0 : i32
        %dma_start3A_1012 = arith.constant 12 : i32
        %dma_start3A_1013 = arith.constant 0 : i32
        %dma_start3A_1014 = arith.constant 0 : i32
        %dma_start3A_1015 = arith.constant 600 : i32
        %dma_start3A_1016 = arith.constant 0 : i32
        %dma_start3A_1017 = tpu.memref_slice %arg6[%dma_start3A_1013, %dma_start3A_1015, %dma_start3A_1016] : memref<2x800x32xf32, #tpu.memory_space<vmem>> -> memref<1x50x32xf32, #tpu.memory_space<vmem>>
        %dma_start3A_1018 = tpu.memref_squeeze %dma_start3A_1017 : memref<1x50x32xf32, #tpu.memory_space<vmem>> -> memref<50x32xf32, #tpu.memory_space<vmem>>
        %dma_start3A_1019 = arith.constant 0 : i32
        %dma_start3A_1020 = tpu.memref_slice %arg5[%dma_start3A_1011, %dma_start3A_1012, %dma_start3A_1019] : memref<2x16x50xi32, #tpu.memory_space<vmem>> -> memref<1x1x50xi32, #tpu.memory_space<vmem>>
        %dma_start3A_1021 = tpu.memref_squeeze %dma_start3A_1020 : memref<1x1x50xi32, #tpu.memory_space<vmem>> -> memref<50xi32, #tpu.memory_space<vmem>>
        %dma_start3A_1022 = arith.constant 0 : i32
        %dma_start3A_1023 = arith.constant 0 : i32
        %dma_start3A_1024 = tpu.memref_slice %arg3[%dma_start3A_1022, %dma_start3A_1023] : memref<1000000x32xf32, #tpu.memory_space<hbm>> -> memref<1000000x32xf32, #tpu.memory_space<hbm>>
        %dma_start3A_1025 = tpu.memref_slice %arg8[%dma_start3A_1014] : memref<2x!tpu.dma_semaphore, #tpu.memory_space<semaphore_mem>> -> memref<1x!tpu.dma_semaphore, #tpu.memory_space<semaphore_mem>>
        %dma_start3A_1026 = tpu.memref_squeeze %dma_start3A_1025 : memref<1x!tpu.dma_semaphore, #tpu.memory_space<semaphore_mem>> -> memref<!tpu.dma_semaphore, #tpu.memory_space<semaphore_mem>>
        tpu.enqueue_indirect_dma source(%dma_start3A_1024 : memref<1000000x32xf32, #tpu.memory_space<hbm>>) target(%dma_start3A_1018 : memref<50x32xf32, #tpu.memory_space<vmem>>) offsets(%dma_start3A_1021 : memref<50xi32, #tpu.memory_space<vmem>>) semaphore(%dma_start3A_1026 : memref<!tpu.dma_semaphore, #tpu.memory_space<semaphore_mem>>)
        %dma_start3A_1027 = arith.constant 0 : i32
        %dma_start3A_1028 = arith.constant 13 : i32
        %dma_start3A_1029 = arith.constant 0 : i32
        %dma_start3A_1030 = arith.constant 0 : i32
        %dma_start3A_1031 = arith.constant 650 : i32
        %dma_start3A_1032 = arith.constant 0 : i32
        %dma_start3A_1033 = tpu.memref_slice %arg6[%dma_start3A_1029, %dma_start3A_1031, %dma_start3A_1032] : memref<2x800x32xf32, #tpu.memory_space<vmem>> -> memref<1x50x32xf32, #tpu.memory_space<vmem>>
        %dma_start3A_1034 = tpu.memref_squeeze %dma_start3A_1033 : memref<1x50x32xf32, #tpu.memory_space<vmem>> -> memref<50x32xf32, #tpu.memory_space<vmem>>
        %dma_start3A_1035 = arith.constant 0 : i32
        %dma_start3A_1036 = tpu.memref_slice %arg5[%dma_start3A_1027, %dma_start3A_1028, %dma_start3A_1035] : memref<2x16x50xi32, #tpu.memory_space<vmem>> -> memref<1x1x50xi32, #tpu.memory_space<vmem>>
        %dma_start3A_1037 = tpu.memref_squeeze %dma_start3A_1036 : memref<1x1x50xi32, #tpu.memory_space<vmem>> -> memref<50xi32, #tpu.memory_space<vmem>>
        %dma_start3A_1038 = arith.constant 0 : i32
        %dma_start3A_1039 = arith.constant 0 : i32
        %dma_start3A_1040 = tpu.memref_slice %arg3[%dma_start3A_1038, %dma_start3A_1039] : memref<1000000x32xf32, #tpu.memory_space<hbm>> -> memref<1000000x32xf32, #tpu.memory_space<hbm>>
        %dma_start3A_1041 = tpu.memref_slice %arg8[%dma_start3A_1030] : memref<2x!tpu.dma_semaphore, #tpu.memory_space<semaphore_mem>> -> memref<1x!tpu.dma_semaphore, #tpu.memory_space<semaphore_mem>>
        %dma_start3A_1042 = tpu.memref_squeeze %dma_start3A_1041 : memref<1x!tpu.dma_semaphore, #tpu.memory_space<semaphore_mem>> -> memref<!tpu.dma_semaphore, #tpu.memory_space<semaphore_mem>>
        tpu.enqueue_indirect_dma source(%dma_start3A_1040 : memref<1000000x32xf32, #tpu.memory_space<hbm>>) target(%dma_start3A_1034 : memref<50x32xf32, #tpu.memory_space<vmem>>) offsets(%dma_start3A_1037 : memref<50xi32, #tpu.memory_space<vmem>>) semaphore(%dma_start3A_1042 : memref<!tpu.dma_semaphore, #tpu.memory_space<semaphore_mem>>)
        %dma_start3A_1043 = arith.constant 0 : i32
        %dma_start3A_1044 = arith.constant 14 : i32
        %dma_start3A_1045 = arith.constant 0 : i32
        %dma_start3A_1046 = arith.constant 0 : i32
        %dma_start3A_1047 = arith.constant 700 : i32
        %dma_start3A_1048 = arith.constant 0 : i32
        %dma_start3A_1049 = tpu.memref_slice %arg6[%dma_start3A_1045, %dma_start3A_1047, %dma_start3A_1048] : memref<2x800x32xf32, #tpu.memory_space<vmem>> -> memref<1x50x32xf32, #tpu.memory_space<vmem>>
        %dma_start3A_1050 = tpu.memref_squeeze %dma_start3A_1049 : memref<1x50x32xf32, #tpu.memory_space<vmem>> -> memref<50x32xf32, #tpu.memory_space<vmem>>
        %dma_start3A_1051 = arith.constant 0 : i32
        %dma_start3A_1052 = tpu.memref_slice %arg5[%dma_start3A_1043, %dma_start3A_1044, %dma_start3A_1051] : memref<2x16x50xi32, #tpu.memory_space<vmem>> -> memref<1x1x50xi32, #tpu.memory_space<vmem>>
        %dma_start3A_1053 = tpu.memref_squeeze %dma_start3A_1052 : memref<1x1x50xi32, #tpu.memory_space<vmem>> -> memref<50xi32, #tpu.memory_space<vmem>>
        %dma_start3A_1054 = arith.constant 0 : i32
        %dma_start3A_1055 = arith.constant 0 : i32
        %dma_start3A_1056 = tpu.memref_slice %arg3[%dma_start3A_1054, %dma_start3A_1055] : memref<1000000x32xf32, #tpu.memory_space<hbm>> -> memref<1000000x32xf32, #tpu.memory_space<hbm>>
        %dma_start3A_1057 = tpu.memref_slice %arg8[%dma_start3A_1046] : memref<2x!tpu.dma_semaphore, #tpu.memory_space<semaphore_mem>> -> memref<1x!tpu.dma_semaphore, #tpu.memory_space<semaphore_mem>>
        %dma_start3A_1058 = tpu.memref_squeeze %dma_start3A_1057 : memref<1x!tpu.dma_semaphore, #tpu.memory_space<semaphore_mem>> -> memref<!tpu.dma_semaphore, #tpu.memory_space<semaphore_mem>>
        tpu.enqueue_indirect_dma source(%dma_start3A_1056 : memref<1000000x32xf32, #tpu.memory_space<hbm>>) target(%dma_start3A_1050 : memref<50x32xf32, #tpu.memory_space<vmem>>) offsets(%dma_start3A_1053 : memref<50xi32, #tpu.memory_space<vmem>>) semaphore(%dma_start3A_1058 : memref<!tpu.dma_semaphore, #tpu.memory_space<semaphore_mem>>)
        %dma_start3A_1059 = arith.constant 0 : i32
        %dma_start3A_1060 = arith.constant 15 : i32
        %dma_start3A_1061 = arith.constant 0 : i32
        %dma_start3A_1062 = arith.constant 0 : i32
        %dma_start3A_1063 = arith.constant 750 : i32
        %dma_start3A_1064 = arith.constant 0 : i32
        %dma_start3A_1065 = tpu.memref_slice %arg6[%dma_start3A_1061, %dma_start3A_1063, %dma_start3A_1064] : memref<2x800x32xf32, #tpu.memory_space<vmem>> -> memref<1x50x32xf32, #tpu.memory_space<vmem>>
        %dma_start3A_1066 = tpu.memref_squeeze %dma_start3A_1065 : memref<1x50x32xf32, #tpu.memory_space<vmem>> -> memref<50x32xf32, #tpu.memory_space<vmem>>
        %dma_start3A_1067 = arith.constant 0 : i32
        %dma_start3A_1068 = tpu.memref_slice %arg5[%dma_start3A_1059, %dma_start3A_1060, %dma_start3A_1067] : memref<2x16x50xi32, #tpu.memory_space<vmem>> -> memref<1x1x50xi32, #tpu.memory_space<vmem>>
        %dma_start3A_1069 = tpu.memref_squeeze %dma_start3A_1068 : memref<1x1x50xi32, #tpu.memory_space<vmem>> -> memref<50xi32, #tpu.memory_space<vmem>>
        %dma_start3A_1070 = arith.constant 0 : i32
        %dma_start3A_1071 = arith.constant 0 : i32
        %dma_start3A_1072 = tpu.memref_slice %arg3[%dma_start3A_1070, %dma_start3A_1071] : memref<1000000x32xf32, #tpu.memory_space<hbm>> -> memref<1000000x32xf32, #tpu.memory_space<hbm>>
        %dma_start3A_1073 = tpu.memref_slice %arg8[%dma_start3A_1062] : memref<2x!tpu.dma_semaphore, #tpu.memory_space<semaphore_mem>> -> memref<1x!tpu.dma_semaphore, #tpu.memory_space<semaphore_mem>>
        %dma_start3A_1074 = tpu.memref_squeeze %dma_start3A_1073 : memref<1x!tpu.dma_semaphore, #tpu.memory_space<semaphore_mem>> -> memref<!tpu.dma_semaphore, #tpu.memory_space<semaphore_mem>>
        tpu.enqueue_indirect_dma source(%dma_start3A_1072 : memref<1000000x32xf32, #tpu.memory_space<hbm>>) target(%dma_start3A_1066 : memref<50x32xf32, #tpu.memory_space<vmem>>) offsets(%dma_start3A_1069 : memref<50xi32, #tpu.memory_space<vmem>>) semaphore(%dma_start3A_1074 : memref<!tpu.dma_semaphore, #tpu.memory_space<semaphore_mem>>)
      } else {
      }
      %dma_wait3A_548 = arith.constant 1 : i32
      %dma_wait3A_549 = arith.constant 0 : i32
      %dma_wait3A_550 = arith.constant 1 : i32
      %dma_wait3A_551 = arith.constant 1 : i32
      %dma_wait3A_552 = arith.constant 0 : i32
      %dma_wait3A_553 = arith.constant 0 : i32
      %dma_wait3A_554 = tpu.memref_slice %arg6[%dma_wait3A_550, %dma_wait3A_552, %dma_wait3A_553] : memref<2x800x32xf32, #tpu.memory_space<vmem>> -> memref<1x50x32xf32, #tpu.memory_space<vmem>>
      %dma_wait3A_555 = tpu.memref_squeeze %dma_wait3A_554 : memref<1x50x32xf32, #tpu.memory_space<vmem>> -> memref<50x32xf32, #tpu.memory_space<vmem>>
      %dma_wait3A_556 = arith.constant 0 : i32
      %dma_wait3A_557 = tpu.memref_slice %arg5[%dma_wait3A_548, %dma_wait3A_549, %dma_wait3A_556] : memref<2x16x50xi32, #tpu.memory_space<vmem>> -> memref<1x1x50xi32, #tpu.memory_space<vmem>>
      %dma_wait3A_558 = tpu.memref_squeeze %dma_wait3A_557 : memref<1x1x50xi32, #tpu.memory_space<vmem>> -> memref<50xi32, #tpu.memory_space<vmem>>
      %dma_wait3A_559 = arith.constant 0 : i32
      %dma_wait3A_560 = arith.constant 0 : i32
      %dma_wait3A_561 = tpu.memref_slice %arg3[%dma_wait3A_559, %dma_wait3A_560] : memref<1000000x32xf32, #tpu.memory_space<hbm>> -> memref<1000000x32xf32, #tpu.memory_space<hbm>>
      %dma_wait3A_562 = tpu.memref_slice %arg8[%dma_wait3A_551] : memref<2x!tpu.dma_semaphore, #tpu.memory_space<semaphore_mem>> -> memref<1x!tpu.dma_semaphore, #tpu.memory_space<semaphore_mem>>
      %dma_wait3A_563 = tpu.memref_squeeze %dma_wait3A_562 : memref<1x!tpu.dma_semaphore, #tpu.memory_space<semaphore_mem>> -> memref<!tpu.dma_semaphore, #tpu.memory_space<semaphore_mem>>
      tpu.wait_indirect_dma semaphore(%dma_wait3A_563 : memref<!tpu.dma_semaphore, #tpu.memory_space<semaphore_mem>>) src(%dma_wait3A_561 : memref<1000000x32xf32, #tpu.memory_space<hbm>>) dst(%dma_wait3A_555 : memref<50x32xf32, #tpu.memory_space<vmem>>)
      %dma_wait3A_564 = arith.constant 1 : i32
      %dma_wait3A_565 = arith.constant 1 : i32
      %dma_wait3A_566 = arith.constant 1 : i32
      %dma_wait3A_567 = arith.constant 1 : i32
      %dma_wait3A_568 = arith.constant 50 : i32
      %dma_wait3A_569 = arith.constant 0 : i32
      %dma_wait3A_570 = tpu.memref_slice %arg6[%dma_wait3A_566, %dma_wait3A_568, %dma_wait3A_569] : memref<2x800x32xf32, #tpu.memory_space<vmem>> -> memref<1x50x32xf32, #tpu.memory_space<vmem>>
      %dma_wait3A_571 = tpu.memref_squeeze %dma_wait3A_570 : memref<1x50x32xf32, #tpu.memory_space<vmem>> -> memref<50x32xf32, #tpu.memory_space<vmem>>
      %dma_wait3A_572 = arith.constant 0 : i32
      %dma_wait3A_573 = tpu.memref_slice %arg5[%dma_wait3A_564, %dma_wait3A_565, %dma_wait3A_572] : memref<2x16x50xi32, #tpu.memory_space<vmem>> -> memref<1x1x50xi32, #tpu.memory_space<vmem>>
      %dma_wait3A_574 = tpu.memref_squeeze %dma_wait3A_573 : memref<1x1x50xi32, #tpu.memory_space<vmem>> -> memref<50xi32, #tpu.memory_space<vmem>>
      %dma_wait3A_575 = arith.constant 0 : i32
      %dma_wait3A_576 = arith.constant 0 : i32
      %dma_wait3A_577 = tpu.memref_slice %arg3[%dma_wait3A_575, %dma_wait3A_576] : memref<1000000x32xf32, #tpu.memory_space<hbm>> -> memref<1000000x32xf32, #tpu.memory_space<hbm>>
      %dma_wait3A_578 = tpu.memref_slice %arg8[%dma_wait3A_567] : memref<2x!tpu.dma_semaphore, #tpu.memory_space<semaphore_mem>> -> memref<1x!tpu.dma_semaphore, #tpu.memory_space<semaphore_mem>>
      %dma_wait3A_579 = tpu.memref_squeeze %dma_wait3A_578 : memref<1x!tpu.dma_semaphore, #tpu.memory_space<semaphore_mem>> -> memref<!tpu.dma_semaphore, #tpu.memory_space<semaphore_mem>>
      tpu.wait_indirect_dma semaphore(%dma_wait3A_579 : memref<!tpu.dma_semaphore, #tpu.memory_space<semaphore_mem>>) src(%dma_wait3A_577 : memref<1000000x32xf32, #tpu.memory_space<hbm>>) dst(%dma_wait3A_571 : memref<50x32xf32, #tpu.memory_space<vmem>>)
      %dma_wait3A_580 = arith.constant 1 : i32
      %dma_wait3A_581 = arith.constant 2 : i32
      %dma_wait3A_582 = arith.constant 1 : i32
      %dma_wait3A_583 = arith.constant 1 : i32
      %dma_wait3A_584 = arith.constant 100 : i32
      %dma_wait3A_585 = arith.constant 0 : i32
      %dma_wait3A_586 = tpu.memref_slice %arg6[%dma_wait3A_582, %dma_wait3A_584, %dma_wait3A_585] : memref<2x800x32xf32, #tpu.memory_space<vmem>> -> memref<1x50x32xf32, #tpu.memory_space<vmem>>
      %dma_wait3A_587 = tpu.memref_squeeze %dma_wait3A_586 : memref<1x50x32xf32, #tpu.memory_space<vmem>> -> memref<50x32xf32, #tpu.memory_space<vmem>>
      %dma_wait3A_588 = arith.constant 0 : i32
      %dma_wait3A_589 = tpu.memref_slice %arg5[%dma_wait3A_580, %dma_wait3A_581, %dma_wait3A_588] : memref<2x16x50xi32, #tpu.memory_space<vmem>> -> memref<1x1x50xi32, #tpu.memory_space<vmem>>
      %dma_wait3A_590 = tpu.memref_squeeze %dma_wait3A_589 : memref<1x1x50xi32, #tpu.memory_space<vmem>> -> memref<50xi32, #tpu.memory_space<vmem>>
      %dma_wait3A_591 = arith.constant 0 : i32
      %dma_wait3A_592 = arith.constant 0 : i32
      %dma_wait3A_593 = tpu.memref_slice %arg3[%dma_wait3A_591, %dma_wait3A_592] : memref<1000000x32xf32, #tpu.memory_space<hbm>> -> memref<1000000x32xf32, #tpu.memory_space<hbm>>
      %dma_wait3A_594 = tpu.memref_slice %arg8[%dma_wait3A_583] : memref<2x!tpu.dma_semaphore, #tpu.memory_space<semaphore_mem>> -> memref<1x!tpu.dma_semaphore, #tpu.memory_space<semaphore_mem>>
      %dma_wait3A_595 = tpu.memref_squeeze %dma_wait3A_594 : memref<1x!tpu.dma_semaphore, #tpu.memory_space<semaphore_mem>> -> memref<!tpu.dma_semaphore, #tpu.memory_space<semaphore_mem>>
      tpu.wait_indirect_dma semaphore(%dma_wait3A_595 : memref<!tpu.dma_semaphore, #tpu.memory_space<semaphore_mem>>) src(%dma_wait3A_593 : memref<1000000x32xf32, #tpu.memory_space<hbm>>) dst(%dma_wait3A_587 : memref<50x32xf32, #tpu.memory_space<vmem>>)
      %dma_wait3A_596 = arith.constant 1 : i32
      %dma_wait3A_597 = arith.constant 3 : i32
      %dma_wait3A_598 = arith.constant 1 : i32
      %dma_wait3A_599 = arith.constant 1 : i32
      %dma_wait3A_600 = arith.constant 150 : i32
      %dma_wait3A_601 = arith.constant 0 : i32
      %dma_wait3A_602 = tpu.memref_slice %arg6[%dma_wait3A_598, %dma_wait3A_600, %dma_wait3A_601] : memref<2x800x32xf32, #tpu.memory_space<vmem>> -> memref<1x50x32xf32, #tpu.memory_space<vmem>>
      %dma_wait3A_603 = tpu.memref_squeeze %dma_wait3A_602 : memref<1x50x32xf32, #tpu.memory_space<vmem>> -> memref<50x32xf32, #tpu.memory_space<vmem>>
      %dma_wait3A_604 = arith.constant 0 : i32
      %dma_wait3A_605 = tpu.memref_slice %arg5[%dma_wait3A_596, %dma_wait3A_597, %dma_wait3A_604] : memref<2x16x50xi32, #tpu.memory_space<vmem>> -> memref<1x1x50xi32, #tpu.memory_space<vmem>>
      %dma_wait3A_606 = tpu.memref_squeeze %dma_wait3A_605 : memref<1x1x50xi32, #tpu.memory_space<vmem>> -> memref<50xi32, #tpu.memory_space<vmem>>
      %dma_wait3A_607 = arith.constant 0 : i32
      %dma_wait3A_608 = arith.constant 0 : i32
      %dma_wait3A_609 = tpu.memref_slice %arg3[%dma_wait3A_607, %dma_wait3A_608] : memref<1000000x32xf32, #tpu.memory_space<hbm>> -> memref<1000000x32xf32, #tpu.memory_space<hbm>>
      %dma_wait3A_610 = tpu.memref_slice %arg8[%dma_wait3A_599] : memref<2x!tpu.dma_semaphore, #tpu.memory_space<semaphore_mem>> -> memref<1x!tpu.dma_semaphore, #tpu.memory_space<semaphore_mem>>
      %dma_wait3A_611 = tpu.memref_squeeze %dma_wait3A_610 : memref<1x!tpu.dma_semaphore, #tpu.memory_space<semaphore_mem>> -> memref<!tpu.dma_semaphore, #tpu.memory_space<semaphore_mem>>
      tpu.wait_indirect_dma semaphore(%dma_wait3A_611 : memref<!tpu.dma_semaphore, #tpu.memory_space<semaphore_mem>>) src(%dma_wait3A_609 : memref<1000000x32xf32, #tpu.memory_space<hbm>>) dst(%dma_wait3A_603 : memref<50x32xf32, #tpu.memory_space<vmem>>)
      %dma_wait3A_612 = arith.constant 1 : i32
      %dma_wait3A_613 = arith.constant 4 : i32
      %dma_wait3A_614 = arith.constant 1 : i32
      %dma_wait3A_615 = arith.constant 1 : i32
      %dma_wait3A_616 = arith.constant 200 : i32
      %dma_wait3A_617 = arith.constant 0 : i32
      %dma_wait3A_618 = tpu.memref_slice %arg6[%dma_wait3A_614, %dma_wait3A_616, %dma_wait3A_617] : memref<2x800x32xf32, #tpu.memory_space<vmem>> -> memref<1x50x32xf32, #tpu.memory_space<vmem>>
      %dma_wait3A_619 = tpu.memref_squeeze %dma_wait3A_618 : memref<1x50x32xf32, #tpu.memory_space<vmem>> -> memref<50x32xf32, #tpu.memory_space<vmem>>
      %dma_wait3A_620 = arith.constant 0 : i32
      %dma_wait3A_621 = tpu.memref_slice %arg5[%dma_wait3A_612, %dma_wait3A_613, %dma_wait3A_620] : memref<2x16x50xi32, #tpu.memory_space<vmem>> -> memref<1x1x50xi32, #tpu.memory_space<vmem>>
      %dma_wait3A_622 = tpu.memref_squeeze %dma_wait3A_621 : memref<1x1x50xi32, #tpu.memory_space<vmem>> -> memref<50xi32, #tpu.memory_space<vmem>>
      %dma_wait3A_623 = arith.constant 0 : i32
      %dma_wait3A_624 = arith.constant 0 : i32
      %dma_wait3A_625 = tpu.memref_slice %arg3[%dma_wait3A_623, %dma_wait3A_624] : memref<1000000x32xf32, #tpu.memory_space<hbm>> -> memref<1000000x32xf32, #tpu.memory_space<hbm>>
      %dma_wait3A_626 = tpu.memref_slice %arg8[%dma_wait3A_615] : memref<2x!tpu.dma_semaphore, #tpu.memory_space<semaphore_mem>> -> memref<1x!tpu.dma_semaphore, #tpu.memory_space<semaphore_mem>>
      %dma_wait3A_627 = tpu.memref_squeeze %dma_wait3A_626 : memref<1x!tpu.dma_semaphore, #tpu.memory_space<semaphore_mem>> -> memref<!tpu.dma_semaphore, #tpu.memory_space<semaphore_mem>>
      tpu.wait_indirect_dma semaphore(%dma_wait3A_627 : memref<!tpu.dma_semaphore, #tpu.memory_space<semaphore_mem>>) src(%dma_wait3A_625 : memref<1000000x32xf32, #tpu.memory_space<hbm>>) dst(%dma_wait3A_619 : memref<50x32xf32, #tpu.memory_space<vmem>>)
      %dma_wait3A_628 = arith.constant 1 : i32
      %dma_wait3A_629 = arith.constant 5 : i32
      %dma_wait3A_630 = arith.constant 1 : i32
      %dma_wait3A_631 = arith.constant 1 : i32
      %dma_wait3A_632 = arith.constant 250 : i32
      %dma_wait3A_633 = arith.constant 0 : i32
      %dma_wait3A_634 = tpu.memref_slice %arg6[%dma_wait3A_630, %dma_wait3A_632, %dma_wait3A_633] : memref<2x800x32xf32, #tpu.memory_space<vmem>> -> memref<1x50x32xf32, #tpu.memory_space<vmem>>
      %dma_wait3A_635 = tpu.memref_squeeze %dma_wait3A_634 : memref<1x50x32xf32, #tpu.memory_space<vmem>> -> memref<50x32xf32, #tpu.memory_space<vmem>>
      %dma_wait3A_636 = arith.constant 0 : i32
      %dma_wait3A_637 = tpu.memref_slice %arg5[%dma_wait3A_628, %dma_wait3A_629, %dma_wait3A_636] : memref<2x16x50xi32, #tpu.memory_space<vmem>> -> memref<1x1x50xi32, #tpu.memory_space<vmem>>
      %dma_wait3A_638 = tpu.memref_squeeze %dma_wait3A_637 : memref<1x1x50xi32, #tpu.memory_space<vmem>> -> memref<50xi32, #tpu.memory_space<vmem>>
      %dma_wait3A_639 = arith.constant 0 : i32
      %dma_wait3A_640 = arith.constant 0 : i32
      %dma_wait3A_641 = tpu.memref_slice %arg3[%dma_wait3A_639, %dma_wait3A_640] : memref<1000000x32xf32, #tpu.memory_space<hbm>> -> memref<1000000x32xf32, #tpu.memory_space<hbm>>
      %dma_wait3A_642 = tpu.memref_slice %arg8[%dma_wait3A_631] : memref<2x!tpu.dma_semaphore, #tpu.memory_space<semaphore_mem>> -> memref<1x!tpu.dma_semaphore, #tpu.memory_space<semaphore_mem>>
      %dma_wait3A_643 = tpu.memref_squeeze %dma_wait3A_642 : memref<1x!tpu.dma_semaphore, #tpu.memory_space<semaphore_mem>> -> memref<!tpu.dma_semaphore, #tpu.memory_space<semaphore_mem>>
      tpu.wait_indirect_dma semaphore(%dma_wait3A_643 : memref<!tpu.dma_semaphore, #tpu.memory_space<semaphore_mem>>) src(%dma_wait3A_641 : memref<1000000x32xf32, #tpu.memory_space<hbm>>) dst(%dma_wait3A_635 : memref<50x32xf32, #tpu.memory_space<vmem>>)
      %dma_wait3A_644 = arith.constant 1 : i32
      %dma_wait3A_645 = arith.constant 6 : i32
      %dma_wait3A_646 = arith.constant 1 : i32
      %dma_wait3A_647 = arith.constant 1 : i32
      %dma_wait3A_648 = arith.constant 300 : i32
      %dma_wait3A_649 = arith.constant 0 : i32
      %dma_wait3A_650 = tpu.memref_slice %arg6[%dma_wait3A_646, %dma_wait3A_648, %dma_wait3A_649] : memref<2x800x32xf32, #tpu.memory_space<vmem>> -> memref<1x50x32xf32, #tpu.memory_space<vmem>>
      %dma_wait3A_651 = tpu.memref_squeeze %dma_wait3A_650 : memref<1x50x32xf32, #tpu.memory_space<vmem>> -> memref<50x32xf32, #tpu.memory_space<vmem>>
      %dma_wait3A_652 = arith.constant 0 : i32
      %dma_wait3A_653 = tpu.memref_slice %arg5[%dma_wait3A_644, %dma_wait3A_645, %dma_wait3A_652] : memref<2x16x50xi32, #tpu.memory_space<vmem>> -> memref<1x1x50xi32, #tpu.memory_space<vmem>>
      %dma_wait3A_654 = tpu.memref_squeeze %dma_wait3A_653 : memref<1x1x50xi32, #tpu.memory_space<vmem>> -> memref<50xi32, #tpu.memory_space<vmem>>
      %dma_wait3A_655 = arith.constant 0 : i32
      %dma_wait3A_656 = arith.constant 0 : i32
      %dma_wait3A_657 = tpu.memref_slice %arg3[%dma_wait3A_655, %dma_wait3A_656] : memref<1000000x32xf32, #tpu.memory_space<hbm>> -> memref<1000000x32xf32, #tpu.memory_space<hbm>>
      %dma_wait3A_658 = tpu.memref_slice %arg8[%dma_wait3A_647] : memref<2x!tpu.dma_semaphore, #tpu.memory_space<semaphore_mem>> -> memref<1x!tpu.dma_semaphore, #tpu.memory_space<semaphore_mem>>
      %dma_wait3A_659 = tpu.memref_squeeze %dma_wait3A_658 : memref<1x!tpu.dma_semaphore, #tpu.memory_space<semaphore_mem>> -> memref<!tpu.dma_semaphore, #tpu.memory_space<semaphore_mem>>
      tpu.wait_indirect_dma semaphore(%dma_wait3A_659 : memref<!tpu.dma_semaphore, #tpu.memory_space<semaphore_mem>>) src(%dma_wait3A_657 : memref<1000000x32xf32, #tpu.memory_space<hbm>>) dst(%dma_wait3A_651 : memref<50x32xf32, #tpu.memory_space<vmem>>)
      %dma_wait3A_660 = arith.constant 1 : i32
      %dma_wait3A_661 = arith.constant 7 : i32
      %dma_wait3A_662 = arith.constant 1 : i32
      %dma_wait3A_663 = arith.constant 1 : i32
      %dma_wait3A_664 = arith.constant 350 : i32
      %dma_wait3A_665 = arith.constant 0 : i32
      %dma_wait3A_666 = tpu.memref_slice %arg6[%dma_wait3A_662, %dma_wait3A_664, %dma_wait3A_665] : memref<2x800x32xf32, #tpu.memory_space<vmem>> -> memref<1x50x32xf32, #tpu.memory_space<vmem>>
      %dma_wait3A_667 = tpu.memref_squeeze %dma_wait3A_666 : memref<1x50x32xf32, #tpu.memory_space<vmem>> -> memref<50x32xf32, #tpu.memory_space<vmem>>
      %dma_wait3A_668 = arith.constant 0 : i32
      %dma_wait3A_669 = tpu.memref_slice %arg5[%dma_wait3A_660, %dma_wait3A_661, %dma_wait3A_668] : memref<2x16x50xi32, #tpu.memory_space<vmem>> -> memref<1x1x50xi32, #tpu.memory_space<vmem>>
      %dma_wait3A_670 = tpu.memref_squeeze %dma_wait3A_669 : memref<1x1x50xi32, #tpu.memory_space<vmem>> -> memref<50xi32, #tpu.memory_space<vmem>>
      %dma_wait3A_671 = arith.constant 0 : i32
      %dma_wait3A_672 = arith.constant 0 : i32
      %dma_wait3A_673 = tpu.memref_slice %arg3[%dma_wait3A_671, %dma_wait3A_672] : memref<1000000x32xf32, #tpu.memory_space<hbm>> -> memref<1000000x32xf32, #tpu.memory_space<hbm>>
      %dma_wait3A_674 = tpu.memref_slice %arg8[%dma_wait3A_663] : memref<2x!tpu.dma_semaphore, #tpu.memory_space<semaphore_mem>> -> memref<1x!tpu.dma_semaphore, #tpu.memory_space<semaphore_mem>>
      %dma_wait3A_675 = tpu.memref_squeeze %dma_wait3A_674 : memref<1x!tpu.dma_semaphore, #tpu.memory_space<semaphore_mem>> -> memref<!tpu.dma_semaphore, #tpu.memory_space<semaphore_mem>>
      tpu.wait_indirect_dma semaphore(%dma_wait3A_675 : memref<!tpu.dma_semaphore, #tpu.memory_space<semaphore_mem>>) src(%dma_wait3A_673 : memref<1000000x32xf32, #tpu.memory_space<hbm>>) dst(%dma_wait3A_667 : memref<50x32xf32, #tpu.memory_space<vmem>>)
      %dma_wait3A_676 = arith.constant 1 : i32
      %dma_wait3A_677 = arith.constant 8 : i32
      %dma_wait3A_678 = arith.constant 1 : i32
      %dma_wait3A_679 = arith.constant 1 : i32
      %dma_wait3A_680 = arith.constant 400 : i32
      %dma_wait3A_681 = arith.constant 0 : i32
      %dma_wait3A_682 = tpu.memref_slice %arg6[%dma_wait3A_678, %dma_wait3A_680, %dma_wait3A_681] : memref<2x800x32xf32, #tpu.memory_space<vmem>> -> memref<1x50x32xf32, #tpu.memory_space<vmem>>
      %dma_wait3A_683 = tpu.memref_squeeze %dma_wait3A_682 : memref<1x50x32xf32, #tpu.memory_space<vmem>> -> memref<50x32xf32, #tpu.memory_space<vmem>>
      %dma_wait3A_684 = arith.constant 0 : i32
      %dma_wait3A_685 = tpu.memref_slice %arg5[%dma_wait3A_676, %dma_wait3A_677, %dma_wait3A_684] : memref<2x16x50xi32, #tpu.memory_space<vmem>> -> memref<1x1x50xi32, #tpu.memory_space<vmem>>
      %dma_wait3A_686 = tpu.memref_squeeze %dma_wait3A_685 : memref<1x1x50xi32, #tpu.memory_space<vmem>> -> memref<50xi32, #tpu.memory_space<vmem>>
      %dma_wait3A_687 = arith.constant 0 : i32
      %dma_wait3A_688 = arith.constant 0 : i32
      %dma_wait3A_689 = tpu.memref_slice %arg3[%dma_wait3A_687, %dma_wait3A_688] : memref<1000000x32xf32, #tpu.memory_space<hbm>> -> memref<1000000x32xf32, #tpu.memory_space<hbm>>
      %dma_wait3A_690 = tpu.memref_slice %arg8[%dma_wait3A_679] : memref<2x!tpu.dma_semaphore, #tpu.memory_space<semaphore_mem>> -> memref<1x!tpu.dma_semaphore, #tpu.memory_space<semaphore_mem>>
      %dma_wait3A_691 = tpu.memref_squeeze %dma_wait3A_690 : memref<1x!tpu.dma_semaphore, #tpu.memory_space<semaphore_mem>> -> memref<!tpu.dma_semaphore, #tpu.memory_space<semaphore_mem>>
      tpu.wait_indirect_dma semaphore(%dma_wait3A_691 : memref<!tpu.dma_semaphore, #tpu.memory_space<semaphore_mem>>) src(%dma_wait3A_689 : memref<1000000x32xf32, #tpu.memory_space<hbm>>) dst(%dma_wait3A_683 : memref<50x32xf32, #tpu.memory_space<vmem>>)
      %dma_wait3A_692 = arith.constant 1 : i32
      %dma_wait3A_693 = arith.constant 9 : i32
      %dma_wait3A_694 = arith.constant 1 : i32
      %dma_wait3A_695 = arith.constant 1 : i32
      %dma_wait3A_696 = arith.constant 450 : i32
      %dma_wait3A_697 = arith.constant 0 : i32
      %dma_wait3A_698 = tpu.memref_slice %arg6[%dma_wait3A_694, %dma_wait3A_696, %dma_wait3A_697] : memref<2x800x32xf32, #tpu.memory_space<vmem>> -> memref<1x50x32xf32, #tpu.memory_space<vmem>>
      %dma_wait3A_699 = tpu.memref_squeeze %dma_wait3A_698 : memref<1x50x32xf32, #tpu.memory_space<vmem>> -> memref<50x32xf32, #tpu.memory_space<vmem>>
      %dma_wait3A_700 = arith.constant 0 : i32
      %dma_wait3A_701 = tpu.memref_slice %arg5[%dma_wait3A_692, %dma_wait3A_693, %dma_wait3A_700] : memref<2x16x50xi32, #tpu.memory_space<vmem>> -> memref<1x1x50xi32, #tpu.memory_space<vmem>>
      %dma_wait3A_702 = tpu.memref_squeeze %dma_wait3A_701 : memref<1x1x50xi32, #tpu.memory_space<vmem>> -> memref<50xi32, #tpu.memory_space<vmem>>
      %dma_wait3A_703 = arith.constant 0 : i32
      %dma_wait3A_704 = arith.constant 0 : i32
      %dma_wait3A_705 = tpu.memref_slice %arg3[%dma_wait3A_703, %dma_wait3A_704] : memref<1000000x32xf32, #tpu.memory_space<hbm>> -> memref<1000000x32xf32, #tpu.memory_space<hbm>>
      %dma_wait3A_706 = tpu.memref_slice %arg8[%dma_wait3A_695] : memref<2x!tpu.dma_semaphore, #tpu.memory_space<semaphore_mem>> -> memref<1x!tpu.dma_semaphore, #tpu.memory_space<semaphore_mem>>
      %dma_wait3A_707 = tpu.memref_squeeze %dma_wait3A_706 : memref<1x!tpu.dma_semaphore, #tpu.memory_space<semaphore_mem>> -> memref<!tpu.dma_semaphore, #tpu.memory_space<semaphore_mem>>
      tpu.wait_indirect_dma semaphore(%dma_wait3A_707 : memref<!tpu.dma_semaphore, #tpu.memory_space<semaphore_mem>>) src(%dma_wait3A_705 : memref<1000000x32xf32, #tpu.memory_space<hbm>>) dst(%dma_wait3A_699 : memref<50x32xf32, #tpu.memory_space<vmem>>)
      %dma_wait3A_708 = arith.constant 1 : i32
      %dma_wait3A_709 = arith.constant 10 : i32
      %dma_wait3A_710 = arith.constant 1 : i32
      %dma_wait3A_711 = arith.constant 1 : i32
      %dma_wait3A_712 = arith.constant 500 : i32
      %dma_wait3A_713 = arith.constant 0 : i32
      %dma_wait3A_714 = tpu.memref_slice %arg6[%dma_wait3A_710, %dma_wait3A_712, %dma_wait3A_713] : memref<2x800x32xf32, #tpu.memory_space<vmem>> -> memref<1x50x32xf32, #tpu.memory_space<vmem>>
      %dma_wait3A_715 = tpu.memref_squeeze %dma_wait3A_714 : memref<1x50x32xf32, #tpu.memory_space<vmem>> -> memref<50x32xf32, #tpu.memory_space<vmem>>
      %dma_wait3A_716 = arith.constant 0 : i32
      %dma_wait3A_717 = tpu.memref_slice %arg5[%dma_wait3A_708, %dma_wait3A_709, %dma_wait3A_716] : memref<2x16x50xi32, #tpu.memory_space<vmem>> -> memref<1x1x50xi32, #tpu.memory_space<vmem>>
      %dma_wait3A_718 = tpu.memref_squeeze %dma_wait3A_717 : memref<1x1x50xi32, #tpu.memory_space<vmem>> -> memref<50xi32, #tpu.memory_space<vmem>>
      %dma_wait3A_719 = arith.constant 0 : i32
      %dma_wait3A_720 = arith.constant 0 : i32
      %dma_wait3A_721 = tpu.memref_slice %arg3[%dma_wait3A_719, %dma_wait3A_720] : memref<1000000x32xf32, #tpu.memory_space<hbm>> -> memref<1000000x32xf32, #tpu.memory_space<hbm>>
      %dma_wait3A_722 = tpu.memref_slice %arg8[%dma_wait3A_711] : memref<2x!tpu.dma_semaphore, #tpu.memory_space<semaphore_mem>> -> memref<1x!tpu.dma_semaphore, #tpu.memory_space<semaphore_mem>>
      %dma_wait3A_723 = tpu.memref_squeeze %dma_wait3A_722 : memref<1x!tpu.dma_semaphore, #tpu.memory_space<semaphore_mem>> -> memref<!tpu.dma_semaphore, #tpu.memory_space<semaphore_mem>>
      tpu.wait_indirect_dma semaphore(%dma_wait3A_723 : memref<!tpu.dma_semaphore, #tpu.memory_space<semaphore_mem>>) src(%dma_wait3A_721 : memref<1000000x32xf32, #tpu.memory_space<hbm>>) dst(%dma_wait3A_715 : memref<50x32xf32, #tpu.memory_space<vmem>>)
      %dma_wait3A_724 = arith.constant 1 : i32
      %dma_wait3A_725 = arith.constant 11 : i32
      %dma_wait3A_726 = arith.constant 1 : i32
      %dma_wait3A_727 = arith.constant 1 : i32
      %dma_wait3A_728 = arith.constant 550 : i32
      %dma_wait3A_729 = arith.constant 0 : i32
      %dma_wait3A_730 = tpu.memref_slice %arg6[%dma_wait3A_726, %dma_wait3A_728, %dma_wait3A_729] : memref<2x800x32xf32, #tpu.memory_space<vmem>> -> memref<1x50x32xf32, #tpu.memory_space<vmem>>
      %dma_wait3A_731 = tpu.memref_squeeze %dma_wait3A_730 : memref<1x50x32xf32, #tpu.memory_space<vmem>> -> memref<50x32xf32, #tpu.memory_space<vmem>>
      %dma_wait3A_732 = arith.constant 0 : i32
      %dma_wait3A_733 = tpu.memref_slice %arg5[%dma_wait3A_724, %dma_wait3A_725, %dma_wait3A_732] : memref<2x16x50xi32, #tpu.memory_space<vmem>> -> memref<1x1x50xi32, #tpu.memory_space<vmem>>
      %dma_wait3A_734 = tpu.memref_squeeze %dma_wait3A_733 : memref<1x1x50xi32, #tpu.memory_space<vmem>> -> memref<50xi32, #tpu.memory_space<vmem>>
      %dma_wait3A_735 = arith.constant 0 : i32
      %dma_wait3A_736 = arith.constant 0 : i32
      %dma_wait3A_737 = tpu.memref_slice %arg3[%dma_wait3A_735, %dma_wait3A_736] : memref<1000000x32xf32, #tpu.memory_space<hbm>> -> memref<1000000x32xf32, #tpu.memory_space<hbm>>
      %dma_wait3A_738 = tpu.memref_slice %arg8[%dma_wait3A_727] : memref<2x!tpu.dma_semaphore, #tpu.memory_space<semaphore_mem>> -> memref<1x!tpu.dma_semaphore, #tpu.memory_space<semaphore_mem>>
      %dma_wait3A_739 = tpu.memref_squeeze %dma_wait3A_738 : memref<1x!tpu.dma_semaphore, #tpu.memory_space<semaphore_mem>> -> memref<!tpu.dma_semaphore, #tpu.memory_space<semaphore_mem>>
      tpu.wait_indirect_dma semaphore(%dma_wait3A_739 : memref<!tpu.dma_semaphore, #tpu.memory_space<semaphore_mem>>) src(%dma_wait3A_737 : memref<1000000x32xf32, #tpu.memory_space<hbm>>) dst(%dma_wait3A_731 : memref<50x32xf32, #tpu.memory_space<vmem>>)
      %dma_wait3A_740 = arith.constant 1 : i32
      %dma_wait3A_741 = arith.constant 12 : i32
      %dma_wait3A_742 = arith.constant 1 : i32
      %dma_wait3A_743 = arith.constant 1 : i32
      %dma_wait3A_744 = arith.constant 600 : i32
      %dma_wait3A_745 = arith.constant 0 : i32
      %dma_wait3A_746 = tpu.memref_slice %arg6[%dma_wait3A_742, %dma_wait3A_744, %dma_wait3A_745] : memref<2x800x32xf32, #tpu.memory_space<vmem>> -> memref<1x50x32xf32, #tpu.memory_space<vmem>>
      %dma_wait3A_747 = tpu.memref_squeeze %dma_wait3A_746 : memref<1x50x32xf32, #tpu.memory_space<vmem>> -> memref<50x32xf32, #tpu.memory_space<vmem>>
      %dma_wait3A_748 = arith.constant 0 : i32
      %dma_wait3A_749 = tpu.memref_slice %arg5[%dma_wait3A_740, %dma_wait3A_741, %dma_wait3A_748] : memref<2x16x50xi32, #tpu.memory_space<vmem>> -> memref<1x1x50xi32, #tpu.memory_space<vmem>>
      %dma_wait3A_750 = tpu.memref_squeeze %dma_wait3A_749 : memref<1x1x50xi32, #tpu.memory_space<vmem>> -> memref<50xi32, #tpu.memory_space<vmem>>
      %dma_wait3A_751 = arith.constant 0 : i32
      %dma_wait3A_752 = arith.constant 0 : i32
      %dma_wait3A_753 = tpu.memref_slice %arg3[%dma_wait3A_751, %dma_wait3A_752] : memref<1000000x32xf32, #tpu.memory_space<hbm>> -> memref<1000000x32xf32, #tpu.memory_space<hbm>>
      %dma_wait3A_754 = tpu.memref_slice %arg8[%dma_wait3A_743] : memref<2x!tpu.dma_semaphore, #tpu.memory_space<semaphore_mem>> -> memref<1x!tpu.dma_semaphore, #tpu.memory_space<semaphore_mem>>
      %dma_wait3A_755 = tpu.memref_squeeze %dma_wait3A_754 : memref<1x!tpu.dma_semaphore, #tpu.memory_space<semaphore_mem>> -> memref<!tpu.dma_semaphore, #tpu.memory_space<semaphore_mem>>
      tpu.wait_indirect_dma semaphore(%dma_wait3A_755 : memref<!tpu.dma_semaphore, #tpu.memory_space<semaphore_mem>>) src(%dma_wait3A_753 : memref<1000000x32xf32, #tpu.memory_space<hbm>>) dst(%dma_wait3A_747 : memref<50x32xf32, #tpu.memory_space<vmem>>)
      %dma_wait3A_756 = arith.constant 1 : i32
      %dma_wait3A_757 = arith.constant 13 : i32
      %dma_wait3A_758 = arith.constant 1 : i32
      %dma_wait3A_759 = arith.constant 1 : i32
      %dma_wait3A_760 = arith.constant 650 : i32
      %dma_wait3A_761 = arith.constant 0 : i32
      %dma_wait3A_762 = tpu.memref_slice %arg6[%dma_wait3A_758, %dma_wait3A_760, %dma_wait3A_761] : memref<2x800x32xf32, #tpu.memory_space<vmem>> -> memref<1x50x32xf32, #tpu.memory_space<vmem>>
      %dma_wait3A_763 = tpu.memref_squeeze %dma_wait3A_762 : memref<1x50x32xf32, #tpu.memory_space<vmem>> -> memref<50x32xf32, #tpu.memory_space<vmem>>
      %dma_wait3A_764 = arith.constant 0 : i32
      %dma_wait3A_765 = tpu.memref_slice %arg5[%dma_wait3A_756, %dma_wait3A_757, %dma_wait3A_764] : memref<2x16x50xi32, #tpu.memory_space<vmem>> -> memref<1x1x50xi32, #tpu.memory_space<vmem>>
      %dma_wait3A_766 = tpu.memref_squeeze %dma_wait3A_765 : memref<1x1x50xi32, #tpu.memory_space<vmem>> -> memref<50xi32, #tpu.memory_space<vmem>>
      %dma_wait3A_767 = arith.constant 0 : i32
      %dma_wait3A_768 = arith.constant 0 : i32
      %dma_wait3A_769 = tpu.memref_slice %arg3[%dma_wait3A_767, %dma_wait3A_768] : memref<1000000x32xf32, #tpu.memory_space<hbm>> -> memref<1000000x32xf32, #tpu.memory_space<hbm>>
      %dma_wait3A_770 = tpu.memref_slice %arg8[%dma_wait3A_759] : memref<2x!tpu.dma_semaphore, #tpu.memory_space<semaphore_mem>> -> memref<1x!tpu.dma_semaphore, #tpu.memory_space<semaphore_mem>>
      %dma_wait3A_771 = tpu.memref_squeeze %dma_wait3A_770 : memref<1x!tpu.dma_semaphore, #tpu.memory_space<semaphore_mem>> -> memref<!tpu.dma_semaphore, #tpu.memory_space<semaphore_mem>>
      tpu.wait_indirect_dma semaphore(%dma_wait3A_771 : memref<!tpu.dma_semaphore, #tpu.memory_space<semaphore_mem>>) src(%dma_wait3A_769 : memref<1000000x32xf32, #tpu.memory_space<hbm>>) dst(%dma_wait3A_763 : memref<50x32xf32, #tpu.memory_space<vmem>>)
      %dma_wait3A_772 = arith.constant 1 : i32
      %dma_wait3A_773 = arith.constant 14 : i32
      %dma_wait3A_774 = arith.constant 1 : i32
      %dma_wait3A_775 = arith.constant 1 : i32
      %dma_wait3A_776 = arith.constant 700 : i32
      %dma_wait3A_777 = arith.constant 0 : i32
      %dma_wait3A_778 = tpu.memref_slice %arg6[%dma_wait3A_774, %dma_wait3A_776, %dma_wait3A_777] : memref<2x800x32xf32, #tpu.memory_space<vmem>> -> memref<1x50x32xf32, #tpu.memory_space<vmem>>
      %dma_wait3A_779 = tpu.memref_squeeze %dma_wait3A_778 : memref<1x50x32xf32, #tpu.memory_space<vmem>> -> memref<50x32xf32, #tpu.memory_space<vmem>>
      %dma_wait3A_780 = arith.constant 0 : i32
      %dma_wait3A_781 = tpu.memref_slice %arg5[%dma_wait3A_772, %dma_wait3A_773, %dma_wait3A_780] : memref<2x16x50xi32, #tpu.memory_space<vmem>> -> memref<1x1x50xi32, #tpu.memory_space<vmem>>
      %dma_wait3A_782 = tpu.memref_squeeze %dma_wait3A_781 : memref<1x1x50xi32, #tpu.memory_space<vmem>> -> memref<50xi32, #tpu.memory_space<vmem>>
      %dma_wait3A_783 = arith.constant 0 : i32
      %dma_wait3A_784 = arith.constant 0 : i32
      %dma_wait3A_785 = tpu.memref_slice %arg3[%dma_wait3A_783, %dma_wait3A_784] : memref<1000000x32xf32, #tpu.memory_space<hbm>> -> memref<1000000x32xf32, #tpu.memory_space<hbm>>
      %dma_wait3A_786 = tpu.memref_slice %arg8[%dma_wait3A_775] : memref<2x!tpu.dma_semaphore, #tpu.memory_space<semaphore_mem>> -> memref<1x!tpu.dma_semaphore, #tpu.memory_space<semaphore_mem>>
      %dma_wait3A_787 = tpu.memref_squeeze %dma_wait3A_786 : memref<1x!tpu.dma_semaphore, #tpu.memory_space<semaphore_mem>> -> memref<!tpu.dma_semaphore, #tpu.memory_space<semaphore_mem>>
      tpu.wait_indirect_dma semaphore(%dma_wait3A_787 : memref<!tpu.dma_semaphore, #tpu.memory_space<semaphore_mem>>) src(%dma_wait3A_785 : memref<1000000x32xf32, #tpu.memory_space<hbm>>) dst(%dma_wait3A_779 : memref<50x32xf32, #tpu.memory_space<vmem>>)
      %dma_wait3A_788 = arith.constant 1 : i32
      %dma_wait3A_789 = arith.constant 15 : i32
      %dma_wait3A_790 = arith.constant 1 : i32
      %dma_wait3A_791 = arith.constant 1 : i32
      %dma_wait3A_792 = arith.constant 750 : i32
      %dma_wait3A_793 = arith.constant 0 : i32
      %dma_wait3A_794 = tpu.memref_slice %arg6[%dma_wait3A_790, %dma_wait3A_792, %dma_wait3A_793] : memref<2x800x32xf32, #tpu.memory_space<vmem>> -> memref<1x50x32xf32, #tpu.memory_space<vmem>>
      %dma_wait3A_795 = tpu.memref_squeeze %dma_wait3A_794 : memref<1x50x32xf32, #tpu.memory_space<vmem>> -> memref<50x32xf32, #tpu.memory_space<vmem>>
      %dma_wait3A_796 = arith.constant 0 : i32
      %dma_wait3A_797 = tpu.memref_slice %arg5[%dma_wait3A_788, %dma_wait3A_789, %dma_wait3A_796] : memref<2x16x50xi32, #tpu.memory_space<vmem>> -> memref<1x1x50xi32, #tpu.memory_space<vmem>>
      %dma_wait3A_798 = tpu.memref_squeeze %dma_wait3A_797 : memref<1x1x50xi32, #tpu.memory_space<vmem>> -> memref<50xi32, #tpu.memory_space<vmem>>
      %dma_wait3A_799 = arith.constant 0 : i32
      %dma_wait3A_800 = arith.constant 0 : i32
      %dma_wait3A_801 = tpu.memref_slice %arg3[%dma_wait3A_799, %dma_wait3A_800] : memref<1000000x32xf32, #tpu.memory_space<hbm>> -> memref<1000000x32xf32, #tpu.memory_space<hbm>>
      %dma_wait3A_802 = tpu.memref_slice %arg8[%dma_wait3A_791] : memref<2x!tpu.dma_semaphore, #tpu.memory_space<semaphore_mem>> -> memref<1x!tpu.dma_semaphore, #tpu.memory_space<semaphore_mem>>
      %dma_wait3A_803 = tpu.memref_squeeze %dma_wait3A_802 : memref<1x!tpu.dma_semaphore, #tpu.memory_space<semaphore_mem>> -> memref<!tpu.dma_semaphore, #tpu.memory_space<semaphore_mem>>
      tpu.wait_indirect_dma semaphore(%dma_wait3A_803 : memref<!tpu.dma_semaphore, #tpu.memory_space<semaphore_mem>>) src(%dma_wait3A_801 : memref<1000000x32xf32, #tpu.memory_space<hbm>>) dst(%dma_wait3A_795 : memref<50x32xf32, #tpu.memory_space<vmem>>)
      %parallel_loop3A_804 = arith.constant 0 : i32
      %parallel_loop3A_805 = arith.constant 200 : i32
      %parallel_loop3A_806 = arith.constant 1 : i32
      scf.for %parallel_loop3A_813 = %parallel_loop3A_804 to %parallel_loop3A_805 step %parallel_loop3A_806  : i32 {
        %parallel_loop3A_814 = arith.constant 4 : i32
        %parallel_loop3A_815 = arith.muli %parallel_loop3A_813, %parallel_loop3A_814 : i32
        %parallel_loop3A_816 = arith.constant 0 : i32
        %parallel_loop3A_817 = arith.addi %parallel_loop3A_815, %parallel_loop3A_816 : i32
        %parallel_loop3A_818 = arith.constant 1 : i32
        %parallel_loop3A_819 = arith.index_cast %parallel_loop3A_818 : i32 to index
        %parallel_loop3A_820 = arith.index_cast %parallel_loop3A_817 : i32 to index
        %parallel_loop3A_821 = arith.constant 0 : index
        %parallel_loop3A_822 = tpu.vector_load %arg6[%parallel_loop3A_819, %parallel_loop3A_820, %parallel_loop3A_821] {strides = array<i32>} : memref<2x800x32xf32, #tpu.memory_space<vmem>>, vector<1x1x16xf32>,
        %parallel_loop3A_823 = vector.shape_cast %parallel_loop3A_822 : vector<1x1x16xf32> to vector<16xf32>
        %parallel_loop3A_824 = arith.constant 5.65685415 : f32
        %parallel_loop3A_825 = vector.broadcast %parallel_loop3A_824 : f32 to vector<16xf32>
        %parallel_loop3A_826 = arith.mulf %parallel_loop3A_823, %parallel_loop3A_825 : vector<16xf32>
        %parallel_loop3A_827 = arith.constant 1 : i32
        %parallel_loop3A_828 = arith.index_cast %parallel_loop3A_827 : i32 to index
        %parallel_loop3A_829 = arith.index_cast %parallel_loop3A_813 : i32 to index
        %parallel_loop3A_830 = arith.constant 0 : index
        %parallel_loop3A_831 = tpu.vector_load %arg7[%parallel_loop3A_828, %parallel_loop3A_829, %parallel_loop3A_830] {strides = array<i32>} : memref<2x200x128xf32, #tpu.memory_space<vmem>>, vector<1x1x16xf32>,
        %parallel_loop3A_832 = vector.shape_cast %parallel_loop3A_831 : vector<1x1x16xf32> to vector<16xf32>
        %parallel_loop3A_833 = vector.shape_cast %parallel_loop3A_826 : vector<16xf32> to vector<1x1x16xf32>
        tpu.vector_store %arg7[%parallel_loop3A_828, %parallel_loop3A_829, %parallel_loop3A_830], %parallel_loop3A_833 {strides = array<i32>} : memref<2x200x128xf32, #tpu.memory_space<vmem>>, vector<1x1x16xf32>,
        %parallel_loop3A_834 = arith.constant 4 : i32
        %parallel_loop3A_835 = arith.muli %parallel_loop3A_813, %parallel_loop3A_834 : i32
        %parallel_loop3A_836 = arith.constant 0 : i32
        %parallel_loop3A_837 = arith.addi %parallel_loop3A_835, %parallel_loop3A_836 : i32
        %parallel_loop3A_838 = arith.constant 1 : i32
        %parallel_loop3A_839 = arith.index_cast %parallel_loop3A_838 : i32 to index
        %parallel_loop3A_840 = arith.index_cast %parallel_loop3A_837 : i32 to index
        %parallel_loop3A_841 = arith.constant 16 : index
        %parallel_loop3A_842 = tpu.vector_load %arg6[%parallel_loop3A_839, %parallel_loop3A_840, %parallel_loop3A_841] {strides = array<i32>} : memref<2x800x32xf32, #tpu.memory_space<vmem>>, vector<1x1x16xf32>,
        %parallel_loop3A_843 = vector.shape_cast %parallel_loop3A_842 : vector<1x1x16xf32> to vector<16xf32>
        %parallel_loop3A_844 = arith.constant 5.65685415 : f32
        %parallel_loop3A_845 = vector.broadcast %parallel_loop3A_844 : f32 to vector<16xf32>
        %parallel_loop3A_846 = arith.mulf %parallel_loop3A_843, %parallel_loop3A_845 : vector<16xf32>
        %parallel_loop3A_847 = arith.constant 1 : i32
        %parallel_loop3A_848 = arith.index_cast %parallel_loop3A_847 : i32 to index
        %parallel_loop3A_849 = arith.index_cast %parallel_loop3A_813 : i32 to index
        %parallel_loop3A_850 = arith.constant 16 : index
        %parallel_loop3A_851 = tpu.vector_load %arg7[%parallel_loop3A_848, %parallel_loop3A_849, %parallel_loop3A_850] {strides = array<i32>} : memref<2x200x128xf32, #tpu.memory_space<vmem>>, vector<1x1x16xf32>,
        %parallel_loop3A_852 = vector.shape_cast %parallel_loop3A_851 : vector<1x1x16xf32> to vector<16xf32>
        %parallel_loop3A_853 = vector.shape_cast %parallel_loop3A_846 : vector<16xf32> to vector<1x1x16xf32>
        tpu.vector_store %arg7[%parallel_loop3A_848, %parallel_loop3A_849, %parallel_loop3A_850], %parallel_loop3A_853 {strides = array<i32>} : memref<2x200x128xf32, #tpu.memory_space<vmem>>, vector<1x1x16xf32>,
        %parallel_loop3A_854 = arith.constant 4 : i32
        %parallel_loop3A_855 = arith.muli %parallel_loop3A_813, %parallel_loop3A_854 : i32
        %parallel_loop3A_856 = arith.constant 1 : i32
        %parallel_loop3A_857 = arith.addi %parallel_loop3A_855, %parallel_loop3A_856 : i32
        %parallel_loop3A_858 = arith.constant 1 : i32
        %parallel_loop3A_859 = arith.index_cast %parallel_loop3A_858 : i32 to index
        %parallel_loop3A_860 = arith.index_cast %parallel_loop3A_857 : i32 to index
        %parallel_loop3A_861 = arith.constant 0 : index
        %parallel_loop3A_862 = tpu.vector_load %arg6[%parallel_loop3A_859, %parallel_loop3A_860, %parallel_loop3A_861] {strides = array<i32>} : memref<2x800x32xf32, #tpu.memory_space<vmem>>, vector<1x1x16xf32>,
        %parallel_loop3A_863 = vector.shape_cast %parallel_loop3A_862 : vector<1x1x16xf32> to vector<16xf32>
        %parallel_loop3A_864 = arith.constant 5.65685415 : f32
        %parallel_loop3A_865 = vector.broadcast %parallel_loop3A_864 : f32 to vector<16xf32>
        %parallel_loop3A_866 = arith.mulf %parallel_loop3A_863, %parallel_loop3A_865 : vector<16xf32>
        %parallel_loop3A_867 = arith.constant 1 : i32
        %parallel_loop3A_868 = arith.index_cast %parallel_loop3A_867 : i32 to index
        %parallel_loop3A_869 = arith.index_cast %parallel_loop3A_813 : i32 to index
        %parallel_loop3A_870 = arith.constant 32 : index
        %parallel_loop3A_871 = tpu.vector_load %arg7[%parallel_loop3A_868, %parallel_loop3A_869, %parallel_loop3A_870] {strides = array<i32>} : memref<2x200x128xf32, #tpu.memory_space<vmem>>, vector<1x1x16xf32>,
        %parallel_loop3A_872 = vector.shape_cast %parallel_loop3A_871 : vector<1x1x16xf32> to vector<16xf32>
        %parallel_loop3A_873 = vector.shape_cast %parallel_loop3A_866 : vector<16xf32> to vector<1x1x16xf32>
        tpu.vector_store %arg7[%parallel_loop3A_868, %parallel_loop3A_869, %parallel_loop3A_870], %parallel_loop3A_873 {strides = array<i32>} : memref<2x200x128xf32, #tpu.memory_space<vmem>>, vector<1x1x16xf32>,
        %parallel_loop3A_874 = arith.constant 4 : i32
        %parallel_loop3A_875 = arith.muli %parallel_loop3A_813, %parallel_loop3A_874 : i32
        %parallel_loop3A_876 = arith.constant 1 : i32
        %parallel_loop3A_877 = arith.addi %parallel_loop3A_875, %parallel_loop3A_876 : i32
        %parallel_loop3A_878 = arith.constant 1 : i32
        %parallel_loop3A_879 = arith.index_cast %parallel_loop3A_878 : i32 to index
        %parallel_loop3A_880 = arith.index_cast %parallel_loop3A_877 : i32 to index
        %parallel_loop3A_881 = arith.constant 16 : index
        %parallel_loop3A_882 = tpu.vector_load %arg6[%parallel_loop3A_879, %parallel_loop3A_880, %parallel_loop3A_881] {strides = array<i32>} : memref<2x800x32xf32, #tpu.memory_space<vmem>>, vector<1x1x16xf32>,
        %parallel_loop3A_883 = vector.shape_cast %parallel_loop3A_882 : vector<1x1x16xf32> to vector<16xf32>
        %parallel_loop3A_884 = arith.constant 5.65685415 : f32
        %parallel_loop3A_885 = vector.broadcast %parallel_loop3A_884 : f32 to vector<16xf32>
        %parallel_loop3A_886 = arith.mulf %parallel_loop3A_883, %parallel_loop3A_885 : vector<16xf32>
        %parallel_loop3A_887 = arith.constant 1 : i32
        %parallel_loop3A_888 = arith.index_cast %parallel_loop3A_887 : i32 to index
        %parallel_loop3A_889 = arith.index_cast %parallel_loop3A_813 : i32 to index
        %parallel_loop3A_890 = arith.constant 48 : index
        %parallel_loop3A_891 = tpu.vector_load %arg7[%parallel_loop3A_888, %parallel_loop3A_889, %parallel_loop3A_890] {strides = array<i32>} : memref<2x200x128xf32, #tpu.memory_space<vmem>>, vector<1x1x16xf32>,
        %parallel_loop3A_892 = vector.shape_cast %parallel_loop3A_891 : vector<1x1x16xf32> to vector<16xf32>
        %parallel_loop3A_893 = vector.shape_cast %parallel_loop3A_886 : vector<16xf32> to vector<1x1x16xf32>
        tpu.vector_store %arg7[%parallel_loop3A_888, %parallel_loop3A_889, %parallel_loop3A_890], %parallel_loop3A_893 {strides = array<i32>} : memref<2x200x128xf32, #tpu.memory_space<vmem>>, vector<1x1x16xf32>,
        %parallel_loop3A_894 = arith.constant 4 : i32
        %parallel_loop3A_895 = arith.muli %parallel_loop3A_813, %parallel_loop3A_894 : i32
        %parallel_loop3A_896 = arith.constant 2 : i32
        %parallel_loop3A_897 = arith.addi %parallel_loop3A_895, %parallel_loop3A_896 : i32
        %parallel_loop3A_898 = arith.constant 1 : i32
        %parallel_loop3A_899 = arith.index_cast %parallel_loop3A_898 : i32 to index
        %parallel_loop3A_900 = arith.index_cast %parallel_loop3A_897 : i32 to index
        %parallel_loop3A_901 = arith.constant 0 : index
        %parallel_loop3A_902 = tpu.vector_load %arg6[%parallel_loop3A_899, %parallel_loop3A_900, %parallel_loop3A_901] {strides = array<i32>} : memref<2x800x32xf32, #tpu.memory_space<vmem>>, vector<1x1x16xf32>,
        %parallel_loop3A_903 = vector.shape_cast %parallel_loop3A_902 : vector<1x1x16xf32> to vector<16xf32>
        %parallel_loop3A_904 = arith.constant 5.65685415 : f32
        %parallel_loop3A_905 = vector.broadcast %parallel_loop3A_904 : f32 to vector<16xf32>
        %parallel_loop3A_906 = arith.mulf %parallel_loop3A_903, %parallel_loop3A_905 : vector<16xf32>
        %parallel_loop3A_907 = arith.constant 1 : i32
        %parallel_loop3A_908 = arith.index_cast %parallel_loop3A_907 : i32 to index
        %parallel_loop3A_909 = arith.index_cast %parallel_loop3A_813 : i32 to index
        %parallel_loop3A_910 = arith.constant 64 : index
        %parallel_loop3A_911 = tpu.vector_load %arg7[%parallel_loop3A_908, %parallel_loop3A_909, %parallel_loop3A_910] {strides = array<i32>} : memref<2x200x128xf32, #tpu.memory_space<vmem>>, vector<1x1x16xf32>,
        %parallel_loop3A_912 = vector.shape_cast %parallel_loop3A_911 : vector<1x1x16xf32> to vector<16xf32>
        %parallel_loop3A_913 = vector.shape_cast %parallel_loop3A_906 : vector<16xf32> to vector<1x1x16xf32>
        tpu.vector_store %arg7[%parallel_loop3A_908, %parallel_loop3A_909, %parallel_loop3A_910], %parallel_loop3A_913 {strides = array<i32>} : memref<2x200x128xf32, #tpu.memory_space<vmem>>, vector<1x1x16xf32>,
        %parallel_loop3A_914 = arith.constant 4 : i32
        %parallel_loop3A_915 = arith.muli %parallel_loop3A_813, %parallel_loop3A_914 : i32
        %parallel_loop3A_916 = arith.constant 2 : i32
        %parallel_loop3A_917 = arith.addi %parallel_loop3A_915, %parallel_loop3A_916 : i32
        %parallel_loop3A_918 = arith.constant 1 : i32
        %parallel_loop3A_919 = arith.index_cast %parallel_loop3A_918 : i32 to index
        %parallel_loop3A_920 = arith.index_cast %parallel_loop3A_917 : i32 to index
        %parallel_loop3A_921 = arith.constant 16 : index
        %parallel_loop3A_922 = tpu.vector_load %arg6[%parallel_loop3A_919, %parallel_loop3A_920, %parallel_loop3A_921] {strides = array<i32>} : memref<2x800x32xf32, #tpu.memory_space<vmem>>, vector<1x1x16xf32>,
        %parallel_loop3A_923 = vector.shape_cast %parallel_loop3A_922 : vector<1x1x16xf32> to vector<16xf32>
        %parallel_loop3A_924 = arith.constant 5.65685415 : f32
        %parallel_loop3A_925 = vector.broadcast %parallel_loop3A_924 : f32 to vector<16xf32>
        %parallel_loop3A_926 = arith.mulf %parallel_loop3A_923, %parallel_loop3A_925 : vector<16xf32>
        %parallel_loop3A_927 = arith.constant 1 : i32
        %parallel_loop3A_928 = arith.index_cast %parallel_loop3A_927 : i32 to index
        %parallel_loop3A_929 = arith.index_cast %parallel_loop3A_813 : i32 to index
        %parallel_loop3A_930 = arith.constant 80 : index
        %parallel_loop3A_931 = tpu.vector_load %arg7[%parallel_loop3A_928, %parallel_loop3A_929, %parallel_loop3A_930] {strides = array<i32>} : memref<2x200x128xf32, #tpu.memory_space<vmem>>, vector<1x1x16xf32>,
        %parallel_loop3A_932 = vector.shape_cast %parallel_loop3A_931 : vector<1x1x16xf32> to vector<16xf32>
        %parallel_loop3A_933 = vector.shape_cast %parallel_loop3A_926 : vector<16xf32> to vector<1x1x16xf32>
        tpu.vector_store %arg7[%parallel_loop3A_928, %parallel_loop3A_929, %parallel_loop3A_930], %parallel_loop3A_933 {strides = array<i32>} : memref<2x200x128xf32, #tpu.memory_space<vmem>>, vector<1x1x16xf32>,
        %parallel_loop3A_934 = arith.constant 4 : i32
        %parallel_loop3A_935 = arith.muli %parallel_loop3A_813, %parallel_loop3A_934 : i32
        %parallel_loop3A_936 = arith.constant 3 : i32
        %parallel_loop3A_937 = arith.addi %parallel_loop3A_935, %parallel_loop3A_936 : i32
        %parallel_loop3A_938 = arith.constant 1 : i32
        %parallel_loop3A_939 = arith.index_cast %parallel_loop3A_938 : i32 to index
        %parallel_loop3A_940 = arith.index_cast %parallel_loop3A_937 : i32 to index
        %parallel_loop3A_941 = arith.constant 0 : index
        %parallel_loop3A_942 = tpu.vector_load %arg6[%parallel_loop3A_939, %parallel_loop3A_940, %parallel_loop3A_941] {strides = array<i32>} : memref<2x800x32xf32, #tpu.memory_space<vmem>>, vector<1x1x16xf32>,
        %parallel_loop3A_943 = vector.shape_cast %parallel_loop3A_942 : vector<1x1x16xf32> to vector<16xf32>
        %parallel_loop3A_944 = arith.constant 5.65685415 : f32
        %parallel_loop3A_945 = vector.broadcast %parallel_loop3A_944 : f32 to vector<16xf32>
        %parallel_loop3A_946 = arith.mulf %parallel_loop3A_943, %parallel_loop3A_945 : vector<16xf32>
        %parallel_loop3A_947 = arith.constant 1 : i32
        %parallel_loop3A_948 = arith.index_cast %parallel_loop3A_947 : i32 to index
        %parallel_loop3A_949 = arith.index_cast %parallel_loop3A_813 : i32 to index
        %parallel_loop3A_950 = arith.constant 96 : index
        %parallel_loop3A_951 = tpu.vector_load %arg7[%parallel_loop3A_948, %parallel_loop3A_949, %parallel_loop3A_950] {strides = array<i32>} : memref<2x200x128xf32, #tpu.memory_space<vmem>>, vector<1x1x16xf32>,
        %parallel_loop3A_952 = vector.shape_cast %parallel_loop3A_951 : vector<1x1x16xf32> to vector<16xf32>
        %parallel_loop3A_953 = vector.shape_cast %parallel_loop3A_946 : vector<16xf32> to vector<1x1x16xf32>
        tpu.vector_store %arg7[%parallel_loop3A_948, %parallel_loop3A_949, %parallel_loop3A_950], %parallel_loop3A_953 {strides = array<i32>} : memref<2x200x128xf32, #tpu.memory_space<vmem>>, vector<1x1x16xf32>,
        %parallel_loop3A_954 = arith.constant 4 : i32
        %parallel_loop3A_955 = arith.muli %parallel_loop3A_813, %parallel_loop3A_954 : i32
        %parallel_loop3A_956 = arith.constant 3 : i32
        %parallel_loop3A_957 = arith.addi %parallel_loop3A_955, %parallel_loop3A_956 : i32
        %parallel_loop3A_958 = arith.constant 1 : i32
        %parallel_loop3A_959 = arith.index_cast %parallel_loop3A_958 : i32 to index
        %parallel_loop3A_960 = arith.index_cast %parallel_loop3A_957 : i32 to index
        %parallel_loop3A_961 = arith.constant 16 : index
        %parallel_loop3A_962 = tpu.vector_load %arg6[%parallel_loop3A_959, %parallel_loop3A_960, %parallel_loop3A_961] {strides = array<i32>} : memref<2x800x32xf32, #tpu.memory_space<vmem>>, vector<1x1x16xf32>,
        %parallel_loop3A_963 = vector.shape_cast %parallel_loop3A_962 : vector<1x1x16xf32> to vector<16xf32>
        %parallel_loop3A_964 = arith.constant 5.65685415 : f32
        %parallel_loop3A_965 = vector.broadcast %parallel_loop3A_964 : f32 to vector<16xf32>
        %parallel_loop3A_966 = arith.mulf %parallel_loop3A_963, %parallel_loop3A_965 : vector<16xf32>
        %parallel_loop3A_967 = arith.constant 1 : i32
        %parallel_loop3A_968 = arith.index_cast %parallel_loop3A_967 : i32 to index
        %parallel_loop3A_969 = arith.index_cast %parallel_loop3A_813 : i32 to index
        %parallel_loop3A_970 = arith.constant 112 : index
        %parallel_loop3A_971 = tpu.vector_load %arg7[%parallel_loop3A_968, %parallel_loop3A_969, %parallel_loop3A_970] {strides = array<i32>} : memref<2x200x128xf32, #tpu.memory_space<vmem>>, vector<1x1x16xf32>,
        %parallel_loop3A_972 = vector.shape_cast %parallel_loop3A_971 : vector<1x1x16xf32> to vector<16xf32>
        %parallel_loop3A_973 = vector.shape_cast %parallel_loop3A_966 : vector<16xf32> to vector<1x1x16xf32>
        tpu.vector_store %arg7[%parallel_loop3A_968, %parallel_loop3A_969, %parallel_loop3A_970], %parallel_loop3A_973 {strides = array<i32>} : memref<2x200x128xf32, #tpu.memory_space<vmem>>, vector<1x1x16xf32>,
      } {sc.loop_unroll_factor = 4 : i64, sc.parallel_access}
      %mul3A_807 = arith.constant 6400 : i32
      %mul3A_808 = arith.muli %add3A, %mul3A_807 : i32
      %mul3A_809 = arith.constant 200 : i32
      %mul3A_810 = arith.muli %add3A_540, %mul3A_809 : i32
      %add3A_811 = arith.addi %mul3A_808, %mul3A_810 : i32
      %run_scoped3A_812 = arith.constant 1 : i32
      "tpu.region"() ({
        %run_scoped3A_813 = tpu.sem_alloc : memref<!tpu.dma_semaphore, #tpu.memory_space<semaphore_mem>>
        %dma_start3A_814 = arith.constant 0 : i32
        %dma_start3A_815 = arith.constant 0 : i32
        %dma_start3A_816 = tpu.memref_slice %arg7[%run_scoped3A_812, %dma_start3A_814, %dma_start3A_815] : memref<2x200x128xf32, #tpu.memory_space<vmem>> -> memref<1x200x128xf32, #tpu.memory_space<vmem>>
        %dma_start3A_817 = tpu.memref_squeeze %dma_start3A_816 : memref<1x200x128xf32, #tpu.memory_space<vmem>> -> memref<200x128xf32, #tpu.memory_space<vmem>>
        %dma_start3A_818 = arith.constant 0 : i32
        %dma_start3A_819 = tpu.memref_slice %arg4[%add3A_811, %dma_start3A_818] : memref<204800x128xf32, #tpu.memory_space<hbm>> -> memref<200x128xf32, #tpu.memory_space<hbm>>
        %dma_start3A_820 = arith.constant 0 : i32
        %dma_start3A_821 = tpu.memref_slice %arg4[%add3A_811, %dma_start3A_820] : memref<204800x128xf32, #tpu.memory_space<hbm>> -> memref<200x128xf32, #tpu.memory_space<hbm>>
        %dma_start3A_822 = arith.constant 0 : i32
        %dma_start3A_823 = arith.constant 0 : i32
        %dma_start3A_824 = tpu.memref_slice %arg7[%run_scoped3A_812, %dma_start3A_822, %dma_start3A_823] : memref<2x200x128xf32, #tpu.memory_space<vmem>> -> memref<1x200x128xf32, #tpu.memory_space<vmem>>
        %dma_start3A_825 = tpu.memref_squeeze %dma_start3A_824 : memref<1x200x128xf32, #tpu.memory_space<vmem>> -> memref<200x128xf32, #tpu.memory_space<vmem>>
        tpu.enqueue_dma source(%dma_start3A_825 : memref<200x128xf32, #tpu.memory_space<vmem>>) target(%dma_start3A_821 : memref<200x128xf32, #tpu.memory_space<hbm>>) target_semaphore(%run_scoped3A_813 : memref<!tpu.dma_semaphore, #tpu.memory_space<semaphore_mem>>)
        %dma_wait3A_826 = arith.constant 0 : i32
        %dma_wait3A_827 = arith.constant 0 : i32
        %dma_wait3A_828 = tpu.memref_slice %arg7[%run_scoped3A_812, %dma_wait3A_826, %dma_wait3A_827] : memref<2x200x128xf32, #tpu.memory_space<vmem>> -> memref<1x200x128xf32, #tpu.memory_space<vmem>>
        %dma_wait3A_829 = tpu.memref_squeeze %dma_wait3A_828 : memref<1x200x128xf32, #tpu.memory_space<vmem>> -> memref<200x128xf32, #tpu.memory_space<vmem>>
        %dma_wait3A_830 = arith.constant 0 : i32
        %dma_wait3A_831 = tpu.memref_slice %arg4[%add3A_811, %dma_wait3A_830] : memref<204800x128xf32, #tpu.memory_space<hbm>> -> memref<200x128xf32, #tpu.memory_space<hbm>>
        %dma_wait3A_832 = arith.constant 0 : i32
        %dma_wait3A_833 = tpu.memref_slice %arg4[%add3A_811, %dma_wait3A_832] : memref<204800x128xf32, #tpu.memory_space<hbm>> -> memref<200x128xf32, #tpu.memory_space<hbm>>
        %dma_wait3A_834 = arith.constant 0 : i32
        %dma_wait3A_835 = arith.constant 0 : i32
        %dma_wait3A_836 = tpu.memref_slice %arg7[%run_scoped3A_812, %dma_wait3A_834, %dma_wait3A_835] : memref<2x200x128xf32, #tpu.memory_space<vmem>> -> memref<1x200x128xf32, #tpu.memory_space<vmem>>
        %dma_wait3A_837 = tpu.memref_squeeze %dma_wait3A_836 : memref<1x200x128xf32, #tpu.memory_space<vmem>> -> memref<200x128xf32, #tpu.memory_space<vmem>>
        tpu.wait_dma2 semaphore(%run_scoped3A_813 : memref<!tpu.dma_semaphore, #tpu.memory_space<semaphore_mem>>) src(%dma_wait3A_837 : memref<200x128xf32, #tpu.memory_space<vmem>>) dst(%dma_wait3A_833 : memref<200x128xf32, #tpu.memory_space<hbm>>)
        tpu.yield
      }) : () -> ()
    }
    %scan3A_264 = arith.constant 16 : i32
    return
  }
}

</mosaic_0001>

<sc_bundles>
// kernel: kernel.3.cloned.1.call-start
scs
__scs_entry_jumppad:
0x0: {  	(pc) =	sbr.rel $0x88, $3  }
0x1: {  	(tag) =	ssettag $0x0;
	lr =	simm.s32 $0x1  }
0x2: {  	[smem:$0x3F9F] =	sst lr;
	_ =	strace $0xD0000000  }
0x3: {  	_ = 	snop  }
0x4: {  	_ = 	snop  }
0x5: {  	_ = 	snop  }
0x6: {  	_ = 	snop  }
0x7: {  	_ = 	snop  }
__scs_overlays_trampoline_lowered:
0x8: {  	[smem:$0x3FAE] =	sst s0  }
0x9: {  	[smem:$0x3FAF] =	sst s1  }
0xa: {  	[smem:$0x3FB0] =	sst s2  }
0xb: {  	[smem:$0x3FB1] =	sst s3  }
0xc: {  	[smem:$0x3FB2] =	sst s4  }
0xd: {  	[smem:$0x3FB3] =	sst s5  }
0xe: {  	[smem:$0x3FB4] =	sst s6  }
0xf: {  	[smem:$0x3FB5] =	sst s7  }
0x10: {  	[smem:$0x3FB6] =	sst s8  }
0x11: {  	[smem:$0x3FB7] =	sst s9;
	s0 =	simm.s32 @!p0 $0x0  }
0x12: {  	s1 =	sld [smem:$0x3F9D];
	s0 =	simm.s32 @p0 $0x1  }
0x13: {  	[smem:$0x3FB8] =	sst s0;
	s0 =	simm.s32 @!p1 $0x0  }
0x14: {  	s2 =	sld [smem:$0x3F9C];
	s0 =	simm.s32 @p1 $0x1  }
0x15: {  	[smem:$0x3FB9] =	sst s0;
	s0 =	simm.s32 @!p2 $0x0  }
0x16: {  	s3 =	sld [smem:$0x3FDB];
	s0 =	simm.s32 @p2 $0x1  }
0x17: {  	s4 =	simm.s32 $0x1BF5;
	[smem:$0x3FBB] =	sst s0  }
0x18: {  	s0 =	sld [smem:$0x3F9E];
	_ =	swait.ge [sflag:s4], $0x0  }
0x19: {  	s7 =	sld [smem:$0x3F9F]  }
0x1a: {  	s8 =	sadd.s32 $0xFFFFE003, lr  }
0x1b: {  	s9 =	sadd.s32 $0xFFFFFEF7, lr;
	s5 =	simm.s32 $0xFFFFFFFF;
	p2 =	slt.u32 s8, $0xFFFFF086  }
0x1c: {  	p1 =	slt.u32 s9, $0xF7A;
	s5 =	simm.s32 @!p2 $0x0  }
0x1d: {  	s5 =	simm.s32 @p1 $0x1;
	p0 =	seq.s32 s7, s2  }
0x1e: {  	s7 =	smul.u32 @!p0 $0xF7A, s2;
	p2 =	seq.s32 @!p0 s5, $0x0  }
0x1f: {  	s9 =	smul.u32 $0xF7A, s1;
	s8 =	simm.s32 @!p0 $0x1BF5;
	p2 =	por !p2, p0  }
0x20: {  	[sflag:s8] =	ssyncset.s32 @!p0 $0xFFFFF086;
	s6 =	sadd.s32 @!p0 s3, s7;
	s7 =	simm.s32 @!p0 $0x108  }
0x21: {  	s3 =	sadd.s32 s3, s9;
	s6 =	sadd.s32 @!p0 $0x88, s6;
	s7 =	simm.s32 @p2 $0x1082  }
0x22: {  	[simem:s7], [sflag:s8] =	dma.local @!p0 [hbm:s6], $0xF7A  }
0x23: {  	s9 =	sor.u32 $0xD0000000, s2;
	s6 =	simm.s32 $0x108;
	_ =	swait.ge @!p0 [sflag:s8], $0x0  }
0x24: {  	s3 =	sadd.s32 $0x88, s3;
	s6 =	simm.s32 @!p1 $0x1082;
	[sflag:s4] =	ssyncset.s32 $0xFFFFF086  }
0x25: {  	[simem:s6], [sflag:s4] =	dma.local [hbm:s3], $0xF7A  }
0x26: {  	[smem:$0x3F9F] =	sst s1;
	(tag) =	ssettag s2;
	_ =	strace s9  }
0x27: {  	s1 =	sld [smem:$0x3FAF]  }
0x28: {  	s2 =	sld [smem:$0x3FB0]  }
0x29: {  	s4 =	sld [smem:$0x3FB2]  }
0x2a: {  	p0 =	seq.s32 s5, $0x0;
	s5 =	sld [smem:$0x3FB3]  }
0x2b: {  	s6 =	sld [smem:$0x3FB4]  }
0x2c: {  	s7 =	sld [smem:$0x3FB5]  }
0x2d: {  	s3 =	simm.s32 $0x108;
	s8 =	sld [smem:$0x3FB6]  }
0x2e: {  	s3 =	simm.s32 @!p0 $0x1082;
	s9 =	sld [smem:$0x3FB7]  }
0x2f: {  	lr =	sadd.s32 s0, s3;
	s0 =	sld [smem:$0x3FAE]  }
0x30: {  	s3 =	sld [smem:$0x3FB1]  }
0x31: {  	[smem:$0x3FBA] =	sst s10  }
0x32: {  	s10 =	sld [smem:$0x3FB8];
	_ =	sdelay $0x3  }
0x33: {  	p0 =	seq.s32 s10, $0x1;
	s10 =	sld [smem:$0x3FBA];
	_ =	sdelay $0x3  }
0x34: {  	[smem:$0x3FBA] =	sst s10  }
0x35: {  	s10 =	sld [smem:$0x3FB9];
	_ =	sdelay $0x3  }
0x36: {  	p1 =	seq.s32 s10, $0x1;
	s10 =	sld [smem:$0x3FBA];
	_ =	sdelay $0x3  }
0x37: {  	[smem:$0x3FBA] =	sst s10  }
0x38: {  	s10 =	sld [smem:$0x3FBB]  }
0x39: {  	_ = 	snop;
	(pc) =	sbr.ind lr, $3  }
0x3a: {  	_ = 	snop  }
0x3b: {  	_ = 	snop  }
0x3c: {  	p2 =	seq.s32 s10, $0x1;
	s10 =	sld [smem:$0x3FBA]  }
0x3d: {  	_ =	shalt  }
0x3e: {  	_ =	shalt  }
0x3f: {  	_ =	shalt  }
0x40: {  	_ =	shalt  }
0x41: {  	_ =	shalt  }
0x42: {  	_ =	shalt  }
0x43: {  	_ =	shalt  }
0x44: {  	_ =	shalt  }
0x45: {  	_ =	shalt  }
0x46: {  	_ =	shalt  }
0x47: {  	_ =	shalt  }
0x48: {  	_ =	shalt  }
0x49: {  	_ =	shalt  }
0x4a: {  	_ =	shalt  }
0x4b: {  	_ =	shalt  }
0x4c: {  	_ =	shalt  }
0x4d: {  	_ =	shalt  }
0x4e: {  	_ =	shalt  }
0x4f: {  	_ =	shalt  }
0x50: {  	_ =	shalt  }
0x51: {  	_ =	shalt  }
0x52: {  	_ =	shalt  }
0x53: {  	_ =	shalt  }
0x54: {  	_ =	shalt  }
0x55: {  	_ =	shalt  }
0x56: {  	_ =	shalt  }
0x57: {  	_ =	shalt  }
0x58: {  	_ =	shalt  }
0x59: {  	_ =	shalt  }
0x5a: {  	_ =	shalt  }
0x5b: {  	_ =	shalt  }
0x5c: {  	_ =	shalt  }
0x5d: {  	_ =	shalt  }
0x5e: {  	_ =	shalt  }
0x5f: {  	_ =	shalt  }
0x60: {  	_ =	shalt  }
0x61: {  	_ =	shalt  }
0x62: {  	_ =	shalt  }
0x63: {  	_ =	shalt  }
0x64: {  	_ =	shalt  }
0x65: {  	_ =	shalt  }
0x66: {  	_ =	shalt  }
0x67: {  	_ =	shalt  }
0x68: {  	_ =	shalt  }
0x69: {  	_ =	shalt  }
0x6a: {  	_ =	shalt  }
0x6b: {  	_ =	shalt  }
0x6c: {  	_ =	shalt  }
0x6d: {  	_ =	shalt  }
0x6e: {  	_ =	shalt  }
0x6f: {  	_ =	shalt  }
0x70: {  	_ =	shalt  }
0x71: {  	_ =	shalt  }
0x72: {  	_ =	shalt  }
0x73: {  	_ =	shalt  }
0x74: {  	_ =	shalt  }
0x75: {  	_ =	shalt  }
0x76: {  	_ =	shalt  }
0x77: {  	_ =	shalt  }
0x78: {  	_ =	shalt  }
0x79: {  	_ =	shalt  }
0x7a: {  	_ =	shalt  }
0x7b: {  	_ =	shalt  }
0x7c: {  	_ =	shalt  }
0x7d: {  	_ =	shalt  }
0x7e: {  	_ =	shalt  }
0x7f: {  	_ =	shalt  }
0x80: {  	_ =	shalt  }
0x81: {  	_ =	shalt  }
0x82: {  	_ =	shalt  }
0x83: {  	_ =	shalt  }
0x84: {  	_ =	shalt  }
0x85: {  	_ =	shalt  }
0x86: {  	_ =	shalt  }
0x87: {  	_ =	shalt  }
.Lfunc_end0:
.L_simem_size_0:
called_computation.1_lowered:
.L_overlay_start_0:
0x88: {  	s2 =	sld [smem:$0x3FD9]  }
0x89: {  	s3 =	sld [smem:$0x3FFE];
	_ =	sdelay $0x1  }
0x8a: {  	s1 =	srdreg.scid  }
0x8b: {  	s0 =	sand.u32 $0x1, s1  }
0x8c: {  	s17 =	sshll.u32 s0, $0xA;
	s2 =	sadd.s32 s3, s2  }
0x8d: {  	s2 =	sadd.s32 s2, s17  }
0x8e: {  	[smem:$0x3FC6] =	sst s2  }
0x8f: {  	_ = 	snop  }
0x90: {  	s2 =	sld [smem:$0x3FD0];
	(tm) =	ssettm $0x1  }
0x91: {  	s18 =	sld [smem:$0x3FFB];
	_ =	sdelay $0x3  }
0x92: {  	_ =	strace s18  }
0x93: {  	s3 =	sld [smem:$0x3FFC];
	_ =	sdelay $0x3  }
0x94: {  	_ =	strace s3  }
0x95: {  	s3 =	sld [smem:$0x3FFD];
	_ =	sdelay $0x3  }
0x96: {  	_ =	strace s3  }
0x97: {  	_ =	strace $0x8FFFFFFF  }
0x98: {  	s19 =	sld [smem:$0x3FDB];
	_ =	sdelay $0x1  }
0x99: {  	s4 =	simm.s32 $_scs_section_size  }
0x9a: {  	s5 =	simm.s32 $_size__tile_overlayer_lowered;
	s6 =	simm.s32 $_tile_overlayer_lowered  }
0x9b: {  	s22 =	simm.s32 $0x1BFF;
	s21 =	sshll.u32 s6, $0x1;
	s3 =	sadd.s32 s4, s19  }
0x9c: {  	s7 =	simm.s32 $0x0;
	s20 =	sshll.u32 s5, $0x1;
	s5 =	sadd.s32 s21, s3  }
0x9d: {  	[timem:s7], [sflag:s22] =	dma.local [hbm:s5], s20  }
0x9e: {  	_ =	swait.ge [sflag:s22], s20  }
0x9f: {  	s4 =	ssub.s32 $0x0, s20;
	[sflag:s22] =	ssyncset.done $0x0  }
0xa0: {  	[sflag:s22] =	ssyncadd.s32 s4;
	_ =	sdelay $0x1  }
0xa1: {  	s23 =	simm.s32 $0x1B8B  }
0xa2: {  	_ =	swait.ge [sflag:s23], $0x1  }
0xa3: {  	[sflag:s23] =	ssyncset.done $0x0  }
0xa4: {  	s25 =	simm.s32 $0x1B8E;
	s24 =	sld [smem:$0x3FFE];
	[sflag:s23] =	ssyncadd.s32 $0xFFFFFFFF  }
0xa5: {  	s26 =	simm.s32 $execute0_lowered;
	[smem:$0x3FD2] =	sst s25  }
0xa6: {  	s5 =	sshll.u32 s26, $0x1;
	_ =	strace $0x80000046;
	[dreg:$0x1] =	wrdreg $0xFFFFFFFF  }
0xa7: {  	s28 =	simm.s32 $_size_execute0_lowered;
	s3 =	sadd.s32 s3, s5;
	[dreg:$0x0] =	wrdreg $0x0  }
0xa8: {  	s5 =	sshll.u32 s28, $0x1;
	[dreg:$0x2] =	wrdreg s3  }
0xa9: {  	[dreg:$0x3] =	wrdreg s5  }
0xaa: {  	[dreg:$0x4] =	wrdreg $0xC0  }
0xab: {  	_ =	task [dreg:s7], $0x5FFFF  }
0xac: {  	[dreg:$0x1] =	wrdreg $0xFFFFFFFF  }
0xad: {  	[dreg:$0x0] =	wrdreg $0x60  }
0xae: {  	[dreg:$0x2] =	wrdreg s24  }
0xaf: {  	[dreg:$0x3] =	wrdreg s2  }
0xb0: {  	[dreg:$0x4] =	wrdreg $0x9  }
0xb1: {  	_ =	task.clear_ibuf [dreg:s7], $0x5FFFF;
	_ =	strace $0x90000046  }
0xb2: {  	s29 =	simm.s32 $0x9;
	_ =	strace $0x80000048  }
0xb3: {  	_ =	swait.ge [sflag:s29], $0x1  }
0xb4: {  	[sflag:s29] =	ssyncadd.s32 $0xFFFFFFFF  }
0xb5: {  	_ =	strace $0x90000048  }
0xb6: {  	_ =	sfence  }
0xb7: {  	s30 =	sld [smem:$0x0];
	_ =	sdelay $0x2  }
0xb8: {  	s31 =	sshll.u32 s1, $0xD;
	s1 =	sshrl.u32 s1, $0x2  }
0xb9: {  	s3 =	sand.u32 $0x4000, s31;
	s1 =	sadd.s32 s1, s30  }
0xba: {  	s0 =	sor.u32 s3, s0;
	s1 =	sshll.u32 s1, $0x11  }
0xbb: {  	s0 =	sor.u32 s1, s0  }
0xbc: {  	s0 =	sadd.s32 $0x8F2B, s0  }
0xbd: {  	[sflag:s0] =	ssyncadd.remote.s32 $0x1  }
0xbe: {  	_ =	sfence.sel $0xFFFF  }
0xbf: {  	[dreg:$0x0] =	wrdreg $0xFFFFFFFF;
	(pc) =	sbr.abs _section_cstart, $3  }
0xc0: {  	[dreg:$0x1] =	wrdreg $0xFFFFFFFF  }
0xc1: {  	_ =	task.clear_ibuf [dreg:s7], $0x2FFFF;
	_ =	strace $0x9FFFFFFF  }
0xc2: {  	(tm) =	ssettm $0x7FFFFFFF  }
0xc3: {  	_ =	shalt  }
tec
execute0_lowered:
.L_overlay_start_1:
0x0: {  	(tag) =	ssettag $0x1  }
0x1: {  	s0 =	rddreg [dreg:$0x0]  }
0x2: {  	s2 =	rddreg [dreg:$0x1]  }
0x3: {  	s1 =	srdreg.scid;
	s4 =	stileid.u32;
	s3 =	simm.s32 $0x0  }
0x4: {  	s11 =	simm.s32 $0x3;
	s12 =	simm.s32 $0x32;
	s24 =	simm.s32 $0x380  }
0x5: {  	s28 =	simm.s32 $0x620;
	s29 =	simm.s32 $0xB600;
	s30 =	simm.s32 $0x658  }
0x6: {  	s31 =	simm.s32 $0xBC40;
	s13 =	simm.s32 $0x6C8;
	s14 =	simm.s32 $0xC8C0  }
0x7: {  	s15 =	simm.s32 $0x1;
	s16 =	simm.s32 $0xCF00;
	s17 =	simm.s32 $0x2  }
0x8: {  	s18 =	simm.s32 $0x13300;
	s1 =	sand.u32 $0x1, s1;
	s4 =	sshll.u32 s4, $0x1  }
0x9: {  	s10 =	simm.s32 $0x0;
	s6 =	ssub.s32 $0x2, s1;
	s1 =	sor.u32 s1, s4  }
0xa: {  	[smem:$0x7FF] =	sst s3;
	s5 =	sadd.s32 $0xF42E00, s0;
	s8 =	smul.u32 $0xE00, s1  }
0xb: {  	_ =	strace $0x80000047;
	s4 =	sadd.s32 $0xA00, s0;
	s7 =	sshrl.u32 s6, $0x1  }
0xc: {  	s25 =	ssub.s32 s6, s7;
	s6 =	sshll.u32 s1, $0x9;
	s26 =	sadd.s32 s4, s8  }
0xd: {  	s8 =	smul.u32 $0x1900, s1;
	s9 =	sor.u32 $0x20, s6;
	s0 =	smax.u32 s25, $0x1  }
0xe: {  	s25 =	simm.s32 $0x5E8;
	s1 =	simm.s32 $0xC280;
	[dreg:$0x3] =	wrdreg s26  }
0xf: {  	[dreg:$0x4] =	wrdreg s0;
	s26 =	simm.s32 $0xAFC0;
	s0 =	simm.s32 $0x690  }
.LBB2_1:
0x10: {  	[dreg:$0x5] =	wrdreg s10  }
0x11: {  	s7 =	rddreg [dreg:$0x3]  }
0x12: {  	[tilespmem:s3], [sflag:$0x3] =	stream.linear.gather [hbm4b:s7+s3], $0x380, $0x38;
	[tilespmem:$0x19700] =	vst v63  }
0x13: {  	_ =	swait.ge [sflag:s11], $0x380  }
0x14: {  	[sflag:s11] =	ssyncset.done $0x0  }
0x15: {  	s23 =	simm.s32 $0x700;
	[sflag:s11] =	ssyncadd.s32 $0xFFFFFC80  }
0x16: {  	[tilespmem:s23], [sflag:$0x1] =	stream.indirect.gather [hbm4b:s5+s12], $0x20, s3, s12, $0xb8;
	[tilespmem:$0x19700] =	vst v63  }
0x17: {  	s10 =	simm.s32 $0x38;
	s19 =	simm.s32 $0xD40  }
0x18: {  	[tilespmem:s19], [sflag:$0x1] =	stream.indirect.gather [hbm4b:s5+s12], $0x20, s10, s12, $0xb8;
	[tilespmem:$0x19700] =	vst v63  }
0x19: {  	s20 =	simm.s32 $0x70;
	s21 =	simm.s32 $0x1380  }
0x1a: {  	[tilespmem:s21], [sflag:$0x1] =	stream.indirect.gather [hbm4b:s5+s12], $0x20, s20, s12, $0xb8;
	[tilespmem:$0x19700] =	vst v63  }
0x1b: {  	s22 =	simm.s32 $0xA8;
	s23 =	simm.s32 $0x19C0  }
0x1c: {  	[tilespmem:s23], [sflag:$0x1] =	stream.indirect.gather [hbm4b:s5+s12], $0x20, s22, s12, $0xb8;
	[tilespmem:$0x19700] =	vst v63  }
0x1d: {  	s10 =	simm.s32 $0xE0;
	s19 =	simm.s32 $0x2000  }
0x1e: {  	[tilespmem:s19], [sflag:$0x1] =	stream.indirect.gather [hbm4b:s5+s12], $0x20, s10, s12, $0xb8;
	[tilespmem:$0x19700] =	vst v63  }
0x1f: {  	s20 =	simm.s32 $0x118;
	s21 =	simm.s32 $0x2640  }
0x20: {  	[tilespmem:s21], [sflag:$0x1] =	stream.indirect.gather [hbm4b:s5+s12], $0x20, s20, s12, $0xb8;
	[tilespmem:$0x19700] =	vst v63  }
0x21: {  	s22 =	simm.s32 $0x150;
	s23 =	simm.s32 $0x2C80  }
0x22: {  	[tilespmem:s23], [sflag:$0x1] =	stream.indirect.gather [hbm4b:s5+s12], $0x20, s22, s12, $0xb8;
	[tilespmem:$0x19700] =	vst v63  }
0x23: {  	s10 =	simm.s32 $0x188;
	s19 =	simm.s32 $0x32C0  }
0x24: {  	[tilespmem:s19], [sflag:$0x1] =	stream.indirect.gather [hbm4b:s5+s12], $0x20, s10, s12, $0xb8;
	[tilespmem:$0x19700] =	vst v63  }
0x25: {  	s20 =	simm.s32 $0x1C0;
	s21 =	simm.s32 $0x3900  }
0x26: {  	[tilespmem:s21], [sflag:$0x1] =	stream.indirect.gather [hbm4b:s5+s12], $0x20, s20, s12, $0xb8;
	[tilespmem:$0x19700] =	vst v63  }
0x27: {  	s22 =	simm.s32 $0x1F8;
	s23 =	simm.s32 $0x3F40  }
0x28: {  	[tilespmem:s23], [sflag:$0x1] =	stream.indirect.gather [hbm4b:s5+s12], $0x20, s22, s12, $0xb8;
	[tilespmem:$0x19700] =	vst v63  }
0x29: {  	s10 =	simm.s32 $0x230;
	s19 =	simm.s32 $0x4580  }
0x2a: {  	[tilespmem:s19], [sflag:$0x1] =	stream.indirect.gather [hbm4b:s5+s12], $0x20, s10, s12, $0xb8;
	[tilespmem:$0x19700] =	vst v63  }
0x2b: {  	s20 =	simm.s32 $0x268;
	s21 =	simm.s32 $0x4BC0  }
0x2c: {  	[tilespmem:s21], [sflag:$0x1] =	stream.indirect.gather [hbm4b:s5+s12], $0x20, s20, s12, $0xb8;
	[tilespmem:$0x19700] =	vst v63  }
0x2d: {  	s22 =	simm.s32 $0x2A0;
	s23 =	simm.s32 $0x5200  }
0x2e: {  	[tilespmem:s23], [sflag:$0x1] =	stream.indirect.gather [hbm4b:s5+s12], $0x20, s22, s12, $0xb8;
	[tilespmem:$0x19700] =	vst v63  }
0x2f: {  	s10 =	simm.s32 $0x2D8;
	s19 =	simm.s32 $0x5840  }
0x30: {  	[tilespmem:s19], [sflag:$0x1] =	stream.indirect.gather [hbm4b:s5+s12], $0x20, s10, s12, $0xb8;
	[tilespmem:$0x19700] =	vst v63  }
0x31: {  	s20 =	simm.s32 $0x310;
	s21 =	simm.s32 $0x5E80  }
0x32: {  	[tilespmem:s21], [sflag:$0x1] =	stream.indirect.gather [hbm4b:s5+s12], $0x20, s20, s12, $0xb8;
	[tilespmem:$0x19700] =	vst v63  }
0x33: {  	s22 =	simm.s32 $0x348;
	s23 =	simm.s32 $0x64C0;
	s19 =	simm.s32 $0x0  }
0x34: {  	[tilespmem:s23], [sflag:$0x1] =	stream.indirect.gather [hbm4b:s5+s12], $0x20, s22, s12, $0xb8;
	[tilespmem:$0x19700] =	vst v63  }
.LBB2_2:
0x35: {  	s20 =	sshllo.u32 s19, $0x1  }
0x36: {  	s7 =	sshll.u32 s20, $0x4  }
0x37: {  	s7 =	sadd.s32 s6, s7  }
0x38: {  	s7 =	smul.u32 $0x7, s7;
	_ =	sdelay $0x1  }
0x39: {  	s7 =	sadd.s32 s4, s7  }
0x3a: {  	[tilespmem:s24], [sflag:$0x3] =	stream.linear.gather [hbm4b:s7+s3], $0x380, $0x38;
	[tilespmem:$0x19700] =	vst v63  }
0x3b: {  	_ =	swait.ge [sflag:s11], $0x380  }
0x3c: {  	[sflag:s11] =	ssyncset.done $0x0  }
0x3d: {  	s10 =	simm.s32 $0x6B00;
	[sflag:s11] =	ssyncadd.s32 $0xFFFFFC80  }
0x3e: {  	[tilespmem:s10], [sflag:$0x2] =	stream.indirect.gather [hbm4b:s5+s12], $0x20, s24, s12, $0xb8;
	[tilespmem:$0x19700] =	vst v63  }
0x3f: {  	s21 =	simm.s32 $0x3B8;
	s10 =	simm.s32 $0x7140  }
0x40: {  	[tilespmem:s10], [sflag:$0x2] =	stream.indirect.gather [hbm4b:s5+s12], $0x20, s21, s12, $0xb8;
	[tilespmem:$0x19700] =	vst v63  }
0x41: {  	s22 =	simm.s32 $0x3F0;
	s23 =	simm.s32 $0x7780  }
0x42: {  	[tilespmem:s23], [sflag:$0x2] =	stream.indirect.gather [hbm4b:s5+s12], $0x20, s22, s12, $0xb8;
	[tilespmem:$0x19700] =	vst v63  }
0x43: {  	s10 =	simm.s32 $0x428;
	s21 =	simm.s32 $0x7DC0  }
0x44: {  	[tilespmem:s21], [sflag:$0x2] =	stream.indirect.gather [hbm4b:s5+s12], $0x20, s10, s12, $0xb8;
	[tilespmem:$0x19700] =	vst v63  }
0x45: {  	s22 =	simm.s32 $0x460;
	s23 =	simm.s32 $0x8400  }
0x46: {  	[tilespmem:s23], [sflag:$0x2] =	stream.indirect.gather [hbm4b:s5+s12], $0x20, s22, s12, $0xb8;
	[tilespmem:$0x19700] =	vst v63  }
0x47: {  	s10 =	simm.s32 $0x498;
	s21 =	simm.s32 $0x8A40  }
0x48: {  	[tilespmem:s21], [sflag:$0x2] =	stream.indirect.gather [hbm4b:s5+s12], $0x20, s10, s12, $0xb8;
	[tilespmem:$0x19700] =	vst v63  }
0x49: {  	s22 =	simm.s32 $0x4D0;
	s23 =	simm.s32 $0x9080  }
0x4a: {  	[tilespmem:s23], [sflag:$0x2] =	stream.indirect.gather [hbm4b:s5+s12], $0x20, s22, s12, $0xb8;
	[tilespmem:$0x19700] =	vst v63  }
0x4b: {  	s10 =	simm.s32 $0x508;
	s21 =	simm.s32 $0x96C0  }
0x4c: {  	[tilespmem:s21], [sflag:$0x2] =	stream.indirect.gather [hbm4b:s5+s12], $0x20, s10, s12, $0xb8;
	[tilespmem:$0x19700] =	vst v63  }
0x4d: {  	s22 =	simm.s32 $0x540;
	s23 =	simm.s32 $0x9D00  }
0x4e: {  	[tilespmem:s23], [sflag:$0x2] =	stream.indirect.gather [hbm4b:s5+s12], $0x20, s22, s12, $0xb8;
	[tilespmem:$0x19700] =	vst v63  }
0x4f: {  	s10 =	simm.s32 $0x578;
	s21 =	simm.s32 $0xA340  }
0x50: {  	[tilespmem:s21], [sflag:$0x2] =	stream.indirect.gather [hbm4b:s5+s12], $0x20, s10, s12, $0xb8;
	[tilespmem:$0x19700] =	vst v63  }
0x51: {  	s22 =	simm.s32 $0x5B0;
	s23 =	simm.s32 $0xA980  }
0x52: {  	[tilespmem:s23], [sflag:$0x2] =	stream.indirect.gather [hbm4b:s5+s12], $0x20, s22, s12, $0xb8;
	[tilespmem:$0x19700] =	vst v63  }
0x53: {  	_ = 	snop  }
0x54: {  	[tilespmem:s26], [sflag:$0x2] =	stream.indirect.gather [hbm4b:s5+s12], $0x20, s25, s12, $0xb8;
	[tilespmem:$0x19700] =	vst v63  }
0x55: {  	_ = 	snop  }
0x56: {  	[tilespmem:s29], [sflag:$0x2] =	stream.indirect.gather [hbm4b:s5+s12], $0x20, s28, s12, $0xb8;
	[tilespmem:$0x19700] =	vst v63  }
0x57: {  	_ = 	snop  }
0x58: {  	[tilespmem:s31], [sflag:$0x2] =	stream.indirect.gather [hbm4b:s5+s12], $0x20, s30, s12, $0xb8;
	[tilespmem:$0x19700] =	vst v63  }
0x59: {  	_ = 	snop  }
0x5a: {  	[tilespmem:s1], [sflag:$0x2] =	stream.indirect.gather [hbm4b:s5+s12], $0x20, s0, s12, $0xb8;
	[tilespmem:$0x19700] =	vst v63  }
0x5b: {  	_ = 	snop  }
0x5c: {  	[tilespmem:s14], [sflag:$0x2] =	stream.indirect.gather [hbm4b:s5+s12], $0x20, s13, s12, $0xb8;
	[tilespmem:$0x19700] =	vst v63  }
0x5d: {  	_ =	swait.ge [sflag:s15], $0x640  }
0x5e: {  	[sflag:s15] =	ssyncset.done $0x0  }
0x5f: {  	[sflag:s15] =	ssyncadd.s32 $0xFFFFF9C0  }
0x60: {  	_ =	swait.ge [sflag:s15], $0x640  }
0x61: {  	[sflag:s15] =	ssyncset.done $0x0  }
0x62: {  	[sflag:s15] =	ssyncadd.s32 $0xFFFFF9C0  }
0x63: {  	_ =	swait.ge [sflag:s15], $0x640  }
0x64: {  	[sflag:s15] =	ssyncset.done $0x0  }
0x65: {  	[sflag:s15] =	ssyncadd.s32 $0xFFFFF9C0  }
0x66: {  	_ =	swait.ge [sflag:s15], $0x640  }
0x67: {  	[sflag:s15] =	ssyncset.done $0x0  }
0x68: {  	[sflag:s15] =	ssyncadd.s32 $0xFFFFF9C0  }
0x69: {  	_ =	swait.ge [sflag:s15], $0x640  }
0x6a: {  	[sflag:s15] =	ssyncset.done $0x0  }
0x6b: {  	[sflag:s15] =	ssyncadd.s32 $0xFFFFF9C0  }
0x6c: {  	_ =	swait.ge [sflag:s15], $0x640  }
0x6d: {  	[sflag:s15] =	ssyncset.done $0x0  }
0x6e: {  	[sflag:s15] =	ssyncadd.s32 $0xFFFFF9C0  }
0x6f: {  	_ =	swait.ge [sflag:s15], $0x640  }
0x70: {  	[sflag:s15] =	ssyncset.done $0x0  }
0x71: {  	[sflag:s15] =	ssyncadd.s32 $0xFFFFF9C0  }
0x72: {  	_ =	swait.ge [sflag:s15], $0x640  }
0x73: {  	[sflag:s15] =	ssyncset.done $0x0  }
0x74: {  	[sflag:s15] =	ssyncadd.s32 $0xFFFFF9C0  }
0x75: {  	_ =	swait.ge [sflag:s15], $0x640  }
0x76: {  	[sflag:s15] =	ssyncset.done $0x0  }
0x77: {  	[sflag:s15] =	ssyncadd.s32 $0xFFFFF9C0  }
0x78: {  	_ =	swait.ge [sflag:s15], $0x640  }
0x79: {  	[sflag:s15] =	ssyncset.done $0x0  }
0x7a: {  	[sflag:s15] =	ssyncadd.s32 $0xFFFFF9C0  }
0x7b: {  	_ =	swait.ge [sflag:s15], $0x640  }
0x7c: {  	[sflag:s15] =	ssyncset.done $0x0  }
0x7d: {  	[sflag:s15] =	ssyncadd.s32 $0xFFFFF9C0  }
0x7e: {  	_ =	swait.ge [sflag:s15], $0x640  }
0x7f: {  	[sflag:s15] =	ssyncset.done $0x0  }
0x80: {  	[sflag:s15] =	ssyncadd.s32 $0xFFFFF9C0  }
0x81: {  	_ =	swait.ge [sflag:s15], $0x640  }
0x82: {  	[sflag:s15] =	ssyncset.done $0x0  }
0x83: {  	[sflag:s15] =	ssyncadd.s32 $0xFFFFF9C0  }
0x84: {  	_ =	swait.ge [sflag:s15], $0x640  }
0x85: {  	[sflag:s15] =	ssyncset.done $0x0  }
0x86: {  	[sflag:s15] =	ssyncadd.s32 $0xFFFFF9C0  }
0x87: {  	_ =	swait.ge [sflag:s15], $0x640  }
0x88: {  	[sflag:s15] =	ssyncset.done $0x0  }
0x89: {  	[sflag:s15] =	ssyncadd.s32 $0xFFFFF9C0  }
0x8a: {  	_ =	swait.ge [sflag:s15], $0x640  }
0x8b: {  	[sflag:s15] =	ssyncset.done $0x0  }
0x8c: {  	s10 =	simm.s32 $0x800;
	[sflag:s15] =	ssyncadd.s32 $0xFFFFF9C0  }
0x8d: {  	v0 =	vld [tilespmem:s10+$0x80];
	_ =	sdelay $0x3  }
0x8e: {  	v1 =	vld [tilespmem:s10+$0xFFFFFF00]  }
0x8f: {  	v2 =	vld [tilespmem:s10+$0xFFFFFF80];
	v0 =	vmul.f32 $5.656854150e+00, v0  }
0x90: {  	s21 =	simm.s32 $0xD000;
	v3 =	vld [tilespmem:s10+$0x0]  }
0x91: {  	[tilespmem:s21+$0x80] =	vst v0  }
0x92: {  	v0 =	vld [tilespmem:s10+$0x90]  }
0x93: {  	v1 =	vmul.f32 $5.656854150e+00, v1  }
0x94: {  	v2 =	vmul.f32 $5.656854150e+00, v2  }
0x95: {  	v3 =	vmul.f32 $5.656854150e+00, v3;
	[tilespmem:s21+$0xFFFFFF00] =	vst v1  }
0x96: {  	[tilespmem:s21+$0xFFFFFF80] =	vst v2;
	v1 =	vld [tilespmem:s10+$0xFFFFFF10]  }
0x97: {  	[tilespmem:s21+$0x0] =	vst v3;
	v2 =	vld [tilespmem:s10+$0xFFFFFF90];
	v0 =	vmul.f32 $5.656854150e+00, v0  }
0x98: {  	v3 =	vld [tilespmem:s10+$0x10]  }
0x99: {  	[tilespmem:s21+$0x90] =	vst v0  }
0x9a: {  	v0 =	vld [tilespmem:s10+$0xA0]  }
0x9b: {  	v1 =	vmul.f32 $5.656854150e+00, v1  }
0x9c: {  	v2 =	vmul.f32 $5.656854150e+00, v2  }
0x9d: {  	v3 =	vmul.f32 $5.656854150e+00, v3;
	[tilespmem:s21+$0xFFFFFF10] =	vst v1  }
0x9e: {  	[tilespmem:s21+$0xFFFFFF90] =	vst v2;
	v1 =	vld [tilespmem:s10+$0xFFFFFF20]  }
0x9f: {  	[tilespmem:s21+$0x10] =	vst v3;
	v2 =	vld [tilespmem:s10+$0xFFFFFFA0];
	v0 =	vmul.f32 $5.656854150e+00, v0  }
0xa0: {  	v3 =	vld [tilespmem:s10+$0x20]  }
0xa1: {  	[tilespmem:s21+$0xA0] =	vst v0  }
0xa2: {  	v0 =	vld [tilespmem:s10+$0xB0]  }
0xa3: {  	v1 =	vmul.f32 $5.656854150e+00, v1  }
0xa4: {  	v2 =	vmul.f32 $5.656854150e+00, v2  }
0xa5: {  	v3 =	vmul.f32 $5.656854150e+00, v3;
	[tilespmem:s21+$0xFFFFFF20] =	vst v1  }
0xa6: {  	[tilespmem:s21+$0xFFFFFFA0] =	vst v2;
	v1 =	vld [tilespmem:s10+$0xFFFFFF30]  }
0xa7: {  	[tilespmem:s21+$0x20] =	vst v3;
	v2 =	vld [tilespmem:s10+$0xFFFFFFB0];
	v0 =	vmul.f32 $5.656854150e+00, v0  }
0xa8: {  	s22 =	simm.s32 $0xA00;
	v3 =	vld [tilespmem:s10+$0x30]  }
0xa9: {  	[tilespmem:s21+$0xB0] =	vst v0;
	v0 =	vld [tilespmem:s22+$0x80]  }
0xaa: {  	v4 =	vld [tilespmem:s10+$0xC0]  }
0xab: {  	v5 =	vld [tilespmem:s22+$0xFFFFFF80];
	v1 =	vmul.f32 $5.656854150e+00, v1  }
0xac: {  	v6 =	vld [tilespmem:s22+$0x0];
	v2 =	vmul.f32 $5.656854150e+00, v2  }
0xad: {  	v3 =	vmul.f32 $5.656854150e+00, v3;
	[tilespmem:s21+$0xFFFFFF30] =	vst v1;
	v1 =	vld [tilespmem:s22+$0xFFFFFF00]  }
0xae: {  	[tilespmem:s21+$0xFFFFFFB0] =	vst v2;
	v2 =	vld [tilespmem:s10+$0xFFFFFF40];
	v0 =	vmul.f32 $5.656854150e+00, v0  }
0xaf: {  	s23 =	simm.s32 $0xD200;
	[tilespmem:s21+$0x30] =	vst v3;
	v3 =	vld [tilespmem:s10+$0xFFFFFFC0];
	v4 =	vmul.f32 $5.656854150e+00, v4  }
0xb0: {  	v5 =	vmul.f32 $5.656854150e+00, v5;
	[tilespmem:s23+$0x80] =	vst v0;
	v0 =	vld [tilespmem:s10+$0x40]  }
0xb1: {  	v6 =	vmul.f32 $5.656854150e+00, v6;
	v7 =	vld [tilespmem:s22+$0x90];
	[tilespmem:s21+$0xC0] =	vst v4  }
0xb2: {  	[tilespmem:s23+$0xFFFFFF80] =	vst v5;
	v1 =	vmul.f32 $5.656854150e+00, v1;
	v4 =	vld [tilespmem:s10+$0xD0]  }
0xb3: {  	[tilespmem:s23+$0x0] =	vst v6;
	v5 =	vld [tilespmem:s22+$0xFFFFFF90];
	v2 =	vmul.f32 $5.656854150e+00, v2  }
0xb4: {  	v3 =	vmul.f32 $5.656854150e+00, v3;
	[tilespmem:s23+$0xFFFFFF00] =	vst v1;
	v1 =	vld [tilespmem:s22+$0x10]  }
0xb5: {  	v6 =	vld [tilespmem:s22+$0xFFFFFF10];
	[tilespmem:s21+$0xFFFFFF40] =	vst v2;
	v0 =	vmul.f32 $5.656854150e+00, v0  }
0xb6: {  	[tilespmem:s21+$0xFFFFFFC0] =	vst v3;
	v2 =	vmul.f32 $5.656854150e+00, v7;
	v7 =	vld [tilespmem:s10+$0xFFFFFF50]  }
0xb7: {  	v3 =	vld [tilespmem:s10+$0xFFFFFFD0];
	[tilespmem:s21+$0x40] =	vst v0;
	v0 =	vmul.f32 $5.656854150e+00, v4  }
0xb8: {  	v4 =	vmul.f32 $5.656854150e+00, v5;
	[tilespmem:s23+$0x90] =	vst v2;
	v2 =	vld [tilespmem:s10+$0x50]  }
0xb9: {  	v1 =	vmul.f32 $5.656854150e+00, v1;
	v5 =	vld [tilespmem:s22+$0xA0];
	[tilespmem:s21+$0xD0] =	vst v0  }
0xba: {  	v0 =	vmul.f32 $5.656854150e+00, v6;
	[tilespmem:s23+$0xFFFFFF90] =	vst v4;
	v4 =	vld [tilespmem:s10+$0xE0]  }
0xbb: {  	[tilespmem:s23+$0x10] =	vst v1;
	v6 =	vld [tilespmem:s22+$0xFFFFFFA0];
	v1 =	vmul.f32 $5.656854150e+00, v7  }
0xbc: {  	v3 =	vmul.f32 $5.656854150e+00, v3;
	[tilespmem:s23+$0xFFFFFF10] =	vst v0;
	v0 =	vld [tilespmem:s22+$0x20]  }
0xbd: {  	v7 =	vld [tilespmem:s22+$0xFFFFFF20];
	[tilespmem:s21+$0xFFFFFF50] =	vst v1;
	v1 =	vmul.f32 $5.656854150e+00, v2  }
0xbe: {  	[tilespmem:s21+$0xFFFFFFD0] =	vst v3;
	v2 =	vmul.f32 $5.656854150e+00, v5;
	v5 =	vld [tilespmem:s10+$0xFFFFFF60]  }
0xbf: {  	v3 =	vld [tilespmem:s10+$0xFFFFFFE0];
	[tilespmem:s21+$0x50] =	vst v1;
	v1 =	vmul.f32 $5.656854150e+00, v4  }
0xc0: {  	v4 =	vmul.f32 $5.656854150e+00, v6;
	[tilespmem:s23+$0xA0] =	vst v2;
	v2 =	vld [tilespmem:s10+$0x60]  }
0xc1: {  	v0 =	vmul.f32 $5.656854150e+00, v0;
	v6 =	vld [tilespmem:s22+$0xB0];
	[tilespmem:s21+$0xE0] =	vst v1  }
0xc2: {  	v1 =	vmul.f32 $5.656854150e+00, v7;
	[tilespmem:s23+$0xFFFFFFA0] =	vst v4;
	v7 =	vld [tilespmem:s10+$0xF0]  }
0xc3: {  	v8 =	vld [tilespmem:s22+$0xFFFFFFB0];
	[tilespmem:s23+$0x20] =	vst v0;
	v0 =	vmul.f32 $5.656854150e+00, v5  }
0xc4: {  	v3 =	vmul.f32 $5.656854150e+00, v3;
	[tilespmem:s23+$0xFFFFFF20] =	vst v1;
	v4 =	vld [tilespmem:s22+$0x30]  }
0xc5: {  	v5 =	vld [tilespmem:s22+$0xFFFFFF30];
	[tilespmem:s21+$0xFFFFFF60] =	vst v0;
	v2 =	vmul.f32 $5.656854150e+00, v2  }
0xc6: {  	[tilespmem:s21+$0xFFFFFFE0] =	vst v3;
	v9 =	vmul.f32 $5.656854150e+00, v6;
	v1 =	vld [tilespmem:s10+$0xFFFFFF70]  }
0xc7: {  	v0 =	vld [tilespmem:s10+$0xFFFFFFF0];
	[tilespmem:s21+$0x60] =	vst v2;
	v3 =	vmul.f32 $5.656854150e+00, v7  }
0xc8: {  	s7 =	simm.s32 $0x4;
	v6 =	vmul.f32 $5.656854150e+00, v8;
	[tilespmem:s23+$0xB0] =	vst v9;
	v2 =	vld [tilespmem:s10+$0x70];
	s10 =	simm.s32 $0xC00  }
.LBB2_3:
0xc9: {  	v7 =	vld [tilespmem:s10+$0x80];
	v4 =	vmul.f32 $5.656854150e+00, v4;
	[tilespmem:s21+$0xF0] =	vst v3  }
0xca: {  	s7 =	sadd.s32 $0x4, s7;
	v3 =	vmul.f32 $5.656854150e+00, v5;
	[tilespmem:s23+$0xFFFFFFB0] =	vst v6;
	v5 =	vld [tilespmem:s22+$0xC0]  }
0xcb: {  	p0 =	slt.u32 s7, $0xC4;
	v6 =	vld [tilespmem:s10+$0xFFFFFF80];
	[tilespmem:s23+$0x30] =	vst v4;
	v1 =	vmul.f32 $5.656854150e+00, v1  }
0xcc: {  	v4 =	vld [tilespmem:s10+$0x0];
	[tilespmem:s23+$0xFFFFFF30] =	vst v3;
	v0 =	vmul.f32 $5.656854150e+00, v0  }
0xcd: {  	v3 =	vld [tilespmem:s10+$0xFFFFFF00];
	[tilespmem:s21+$0xFFFFFF70] =	vst v1;
	v1 =	vmul.f32 $5.656854150e+00, v2  }
0xce: {  	v2 =	vmul.f32 $5.656854150e+00, v7;
	v7 =	vld [tilespmem:s22+$0xFFFFFF40];
	[tilespmem:s21+$0xFFFFFFF0] =	vst v0  }
0xcf: {  	v0 =	vld [tilespmem:s22+$0xFFFFFFC0];
	v5 =	vmul.f32 $5.656854150e+00, v5;
	[tilespmem:s21+$0x70] =	vst v1;
	s21 =	smov.u32 s23;
	s23 =	sadd.s32 $0x200, s23  }
0xd0: {  	v1 =	vmul.f32 $5.656854150e+00, v6;
	[tilespmem:s23+$0x80] =	vst v2;
	v2 =	vld [tilespmem:s22+$0x40]  }
0xd1: {  	v4 =	vmul.f32 $5.656854150e+00, v4;
	v6 =	vld [tilespmem:s10+$0x90];
	[tilespmem:s21+$0xC0] =	vst v5  }
0xd2: {  	v3 =	vmul.f32 $5.656854150e+00, v3;
	[tilespmem:s23+$0xFFFFFF80] =	vst v1;
	v1 =	vld [tilespmem:s22+$0xD0]  }
0xd3: {  	v5 =	vld [tilespmem:s10+$0xFFFFFF90];
	[tilespmem:s23+$0x0] =	vst v4;
	v4 =	vmul.f32 $5.656854150e+00, v7  }
0xd4: {  	[tilespmem:s23+$0xFFFFFF00] =	vst v3;
	v3 =	vld [tilespmem:s10+$0x10];
	v0 =	vmul.f32 $5.656854150e+00, v0  }
0xd5: {  	v7 =	vld [tilespmem:s10+$0xFFFFFF10];
	[tilespmem:s21+$0xFFFFFF40] =	vst v4;
	v2 =	vmul.f32 $5.656854150e+00, v2  }
0xd6: {  	v4 =	vmul.f32 $5.656854150e+00, v6;
	v6 =	vld [tilespmem:s22+$0xFFFFFF50];
	[tilespmem:s21+$0xFFFFFFC0] =	vst v0  }
0xd7: {  	v0 =	vld [tilespmem:s22+$0xFFFFFFD0];
	[tilespmem:s21+$0x40] =	vst v2;
	v1 =	vmul.f32 $5.656854150e+00, v1  }
0xd8: {  	v2 =	vmul.f32 $5.656854150e+00, v5;
	[tilespmem:s23+$0x90] =	vst v4;
	v4 =	vld [tilespmem:s22+$0x50]  }
0xd9: {  	v3 =	vmul.f32 $5.656854150e+00, v3;
	v5 =	vld [tilespmem:s10+$0xA0];
	[tilespmem:s21+$0xD0] =	vst v1  }
0xda: {  	v1 =	vmul.f32 $5.656854150e+00, v7;
	[tilespmem:s23+$0xFFFFFF90] =	vst v2;
	v2 =	vld [tilespmem:s22+$0xE0]  }
0xdb: {  	v7 =	vld [tilespmem:s10+$0xFFFFFFA0];
	[tilespmem:s23+$0x10] =	vst v3;
	v3 =	vmul.f32 $5.656854150e+00, v6  }
0xdc: {  	[tilespmem:s23+$0xFFFFFF10] =	vst v1;
	v1 =	vld [tilespmem:s10+$0x20];
	v0 =	vmul.f32 $5.656854150e+00, v0  }
0xdd: {  	v6 =	vld [tilespmem:s10+$0xFFFFFF20];
	[tilespmem:s21+$0xFFFFFF50] =	vst v3;
	v3 =	vmul.f32 $5.656854150e+00, v4  }
0xde: {  	v4 =	vmul.f32 $5.656854150e+00, v5;
	v5 =	vld [tilespmem:s22+$0xFFFFFF60];
	[tilespmem:s21+$0xFFFFFFD0] =	vst v0  }
0xdf: {  	v0 =	vld [tilespmem:s22+$0xFFFFFFE0];
	[tilespmem:s21+$0x50] =	vst v3;
	v2 =	vmul.f32 $5.656854150e+00, v2  }
0xe0: {  	v3 =	vmul.f32 $5.656854150e+00, v7;
	[tilespmem:s23+$0xA0] =	vst v4;
	v7 =	vld [tilespmem:s22+$0x60]  }
0xe1: {  	v1 =	vmul.f32 $5.656854150e+00, v1;
	v8 =	vld [tilespmem:s10+$0xB0];
	[tilespmem:s21+$0xE0] =	vst v2  }
0xe2: {  	v2 =	vmul.f32 $5.656854150e+00, v6;
	[tilespmem:s23+$0xFFFFFFA0] =	vst v3;
	v3 =	vld [tilespmem:s22+$0xF0]  }
0xe3: {  	v6 =	vld [tilespmem:s10+$0xFFFFFFB0];
	[tilespmem:s23+$0x20] =	vst v1;
	v1 =	vmul.f32 $5.656854150e+00, v5  }
.Ltmp0:
0xe4: {  	[tilespmem:s23+$0xFFFFFF20] =	vst v2;
	v4 =	vld [tilespmem:s10+$0x30];
	v0 =	vmul.f32 $5.656854150e+00, v0;
	(pc) =	sbr.rel @p0 .LBB2_3-.Ltmp0, $4  }
0xe5: {  	v5 =	vld [tilespmem:s10+$0xFFFFFF30];
	[tilespmem:s21+$0xFFFFFF60] =	vst v1;
	v2 =	vmul.f32 $5.656854150e+00, v7  }
0xe6: {  	v7 =	vmul.f32 $5.656854150e+00, v8;
	v1 =	vld [tilespmem:s22+$0xFFFFFF70];
	[tilespmem:s21+$0xFFFFFFE0] =	vst v0  }
0xe7: {  	v0 =	vld [tilespmem:s22+$0xFFFFFFF0];
	[tilespmem:s21+$0x60] =	vst v2;
	v3 =	vmul.f32 $5.656854150e+00, v3  }
0xe8: {  	v6 =	vmul.f32 $5.656854150e+00, v6;
	[tilespmem:s23+$0xB0] =	vst v7;
	v2 =	vld [tilespmem:s22+$0x70];
	s22 =	smov.u32 s10;
	s10 =	sadd.s32 $0x200, s10  }
0xe9: {  	_ = 	snop  }
0xea: {  	v5 =	vmul.f32 $5.656854150e+00, v5;
	_ =	sdelay $0x1  }
0xeb: {  	v4 =	vmul.f32 $5.656854150e+00, v4;
	v7 =	vld [tilespmem:s22+$0xC0];
	[tilespmem:s23+$0xFFFFFF30] =	vst v5  }
0xec: {  	[tilespmem:s23+$0xFFFFFFB0] =	vst v6;
	v5 =	vld [tilespmem:s22+$0xFFFFFF40]  }
0xed: {  	[tilespmem:s23+$0x30] =	vst v4;
	v4 =	vld [tilespmem:s22+$0xFFFFFFC0]  }
0xee: {  	v6 =	vld [tilespmem:s22+$0x40];
	_ =	sdelay $0x1  }
0xef: {  	v7 =	vmul.f32 $5.656854150e+00, v7  }
0xf0: {  	v5 =	vmul.f32 $5.656854150e+00, v5  }
0xf1: {  	[tilespmem:s23+$0xC0] =	vst v7;
	v4 =	vmul.f32 $5.656854150e+00, v4  }
0xf2: {  	v7 =	vld [tilespmem:s22+$0xD0];
	[tilespmem:s23+$0xFFFFFF40] =	vst v5;
	v5 =	vmul.f32 $5.656854150e+00, v6  }
0xf3: {  	[tilespmem:s23+$0xFFFFFFC0] =	vst v4;
	v6 =	vld [tilespmem:s22+$0xFFFFFF50]  }
0xf4: {  	v4 =	vld [tilespmem:s22+$0xFFFFFFD0];
	[tilespmem:s23+$0x40] =	vst v5  }
0xf5: {  	v5 =	vld [tilespmem:s22+$0x50];
	_ =	sdelay $0x1  }
0xf6: {  	v7 =	vmul.f32 $5.656854150e+00, v7  }
0xf7: {  	v6 =	vmul.f32 $5.656854150e+00, v6  }
0xf8: {  	[tilespmem:s23+$0xD0] =	vst v7;
	v4 =	vmul.f32 $5.656854150e+00, v4  }
0xf9: {  	v7 =	vld [tilespmem:s22+$0xE0];
	[tilespmem:s23+$0xFFFFFF50] =	vst v6;
	v5 =	vmul.f32 $5.656854150e+00, v5  }
0xfa: {  	[tilespmem:s23+$0xFFFFFFD0] =	vst v4;
	v6 =	vld [tilespmem:s22+$0xFFFFFF60]  }
0xfb: {  	v4 =	vld [tilespmem:s22+$0xFFFFFFE0];
	[tilespmem:s23+$0x50] =	vst v5  }
0xfc: {  	v5 =	vld [tilespmem:s22+$0x60];
	_ =	sdelay $0x1  }
0xfd: {  	v7 =	vmul.f32 $5.656854150e+00, v7  }
0xfe: {  	v6 =	vmul.f32 $5.656854150e+00, v6  }
0xff: {  	[tilespmem:s23+$0xE0] =	vst v7;
	v4 =	vmul.f32 $5.656854150e+00, v4  }
0x100: {  	v7 =	vld [tilespmem:s22+$0xF0];
	[tilespmem:s23+$0xFFFFFF60] =	vst v6;
	v5 =	vmul.f32 $5.656854150e+00, v5  }
0x101: {  	[tilespmem:s23+$0xFFFFFFE0] =	vst v4;
	v6 =	vld [tilespmem:s22+$0xFFFFFF70]  }
0x102: {  	v1 =	vmul.f32 $5.656854150e+00, v1;
	v4 =	vld [tilespmem:s22+$0xFFFFFFF0];
	[tilespmem:s23+$0x60] =	vst v5  }
0x103: {  	[tilespmem:s21+$0xF0] =	vst v3;
	v0 =	vmul.f32 $5.656854150e+00, v0;
	v3 =	vld [tilespmem:s22+$0x70]  }
0x104: {  	[tilespmem:s21+$0xFFFFFF70] =	vst v1;
	v1 =	vmul.f32 $5.656854150e+00, v2  }
0x105: {  	[tilespmem:s21+$0xFFFFFFF0] =	vst v0;
	v0 =	vmul.f32 $5.656854150e+00, v7  }
0x106: {  	s7 =	smul.u32 $0x190, s19;
	[tilespmem:s21+$0x70] =	vst v1;
	v1 =	vmul.f32 $5.656854150e+00, v6  }
0x107: {  	[tilespmem:s23+$0xF0] =	vst v0;
	v0 =	vmul.f32 $5.656854150e+00, v4  }
0x108: {  	s7 =	sadd.s32 s8, s7;
	[tilespmem:s23+$0xFFFFFF70] =	vst v1;
	v1 =	vmul.f32 $5.656854150e+00, v3  }
0x109: {  	s7 =	sshll.u32 s7, $0x4;
	[tilespmem:s23+$0xFFFFFFF0] =	vst v0  }
0x10a: {  	p0 =	seq.s32 s19, $0xF;
	s7 =	sadd.s32 s2, s7;
	[tilespmem:s23+$0x70] =	vst v1  }
0x10b: {  	[hbm4b:s7+s3] =	stream.linear.scatter [tilespmem:s16], [sflag:$0x3], $0x6400, $0x38;
	[tilespmem:$0x19700] =	vst v63  }
0x10c: {  	s7 =	sshll.u32 @!p0 s19, $0x5  }
0x10d: {  	s7 =	sadd.s32 @!p0 s7, s9  }
0x10e: {  	_ =	swait.ge [sflag:s11], $0x6400;
	s7 =	smul.u32 @!p0 $0x7, s7  }
0x10f: {  	[sflag:s11] =	ssyncset.done $0x0  }
0x110: {  	s10 =	simm.s32 @!p0 $0x0;
	[sflag:s11] =	ssyncadd.s32 $0xFFFF9C00;
	s7 =	sadd.s32 @!p0 s4, s7  }
0x111: {  	[tilespmem:s10], [sflag:$0x3] =	stream.linear.gather @!p0 [hbm4b:s7+s10], $0x380, $0x38;
	[tilespmem:$0x19700] =	vst v63  }
0x112: {  	s7 =	simm.s32 @!p0 $0x3  }
0x113: {  	_ =	swait.ge @!p0 [sflag:s7], $0x380  }
0x114: {  	[sflag:s7] =	ssyncset.done @!p0 $0x0  }
0x115: {  	s21 =	simm.s32 @!p0 $0x700;
	[sflag:s7] =	ssyncadd.s32 @!p0 $0xFFFFFC80;
	s7 =	simm.s32 @!p0 $0x32  }
0x116: {  	[tilespmem:s21], [sflag:$0x1] =	stream.indirect.gather @!p0 [hbm4b:s5+s7], $0x20, s10, s7, $0xb8;
	[tilespmem:$0x19700] =	vst v63  }
0x117: {  	s10 =	simm.s32 @!p0 $0x38;
	s21 =	simm.s32 @!p0 $0xD40  }
0x118: {  	[tilespmem:s21], [sflag:$0x1] =	stream.indirect.gather @!p0 [hbm4b:s5+s7], $0x20, s10, s7, $0xb8;
	[tilespmem:$0x19700] =	vst v63  }
0x119: {  	s10 =	simm.s32 @!p0 $0x70;
	s21 =	simm.s32 @!p0 $0x1380  }
0x11a: {  	[tilespmem:s21], [sflag:$0x1] =	stream.indirect.gather @!p0 [hbm4b:s5+s7], $0x20, s10, s7, $0xb8;
	[tilespmem:$0x19700] =	vst v63  }
0x11b: {  	s10 =	simm.s32 @!p0 $0xA8;
	s21 =	simm.s32 @!p0 $0x19C0  }
0x11c: {  	[tilespmem:s21], [sflag:$0x1] =	stream.indirect.gather @!p0 [hbm4b:s5+s7], $0x20, s10, s7, $0xb8;
	[tilespmem:$0x19700] =	vst v63  }
0x11d: {  	s10 =	simm.s32 @!p0 $0xE0;
	s21 =	simm.s32 @!p0 $0x2000  }
0x11e: {  	[tilespmem:s21], [sflag:$0x1] =	stream.indirect.gather @!p0 [hbm4b:s5+s7], $0x20, s10, s7, $0xb8;
	[tilespmem:$0x19700] =	vst v63  }
0x11f: {  	s10 =	simm.s32 @!p0 $0x118;
	s21 =	simm.s32 @!p0 $0x2640  }
0x120: {  	[tilespmem:s21], [sflag:$0x1] =	stream.indirect.gather @!p0 [hbm4b:s5+s7], $0x20, s10, s7, $0xb8;
	[tilespmem:$0x19700] =	vst v63  }
0x121: {  	s10 =	simm.s32 @!p0 $0x150;
	s21 =	simm.s32 @!p0 $0x2C80  }
0x122: {  	[tilespmem:s21], [sflag:$0x1] =	stream.indirect.gather @!p0 [hbm4b:s5+s7], $0x20, s10, s7, $0xb8;
	[tilespmem:$0x19700] =	vst v63  }
0x123: {  	s10 =	simm.s32 @!p0 $0x188;
	s21 =	simm.s32 @!p0 $0x32C0  }
0x124: {  	[tilespmem:s21], [sflag:$0x1] =	stream.indirect.gather @!p0 [hbm4b:s5+s7], $0x20, s10, s7, $0xb8;
	[tilespmem:$0x19700] =	vst v63  }
0x125: {  	s10 =	simm.s32 @!p0 $0x1C0;
	s21 =	simm.s32 @!p0 $0x3900  }
0x126: {  	[tilespmem:s21], [sflag:$0x1] =	stream.indirect.gather @!p0 [hbm4b:s5+s7], $0x20, s10, s7, $0xb8;
	[tilespmem:$0x19700] =	vst v63  }
0x127: {  	s10 =	simm.s32 @!p0 $0x1F8;
	s21 =	simm.s32 @!p0 $0x3F40  }
0x128: {  	[tilespmem:s21], [sflag:$0x1] =	stream.indirect.gather @!p0 [hbm4b:s5+s7], $0x20, s10, s7, $0xb8;
	[tilespmem:$0x19700] =	vst v63  }
0x129: {  	s10 =	simm.s32 @!p0 $0x230;
	s21 =	simm.s32 @!p0 $0x4580  }
0x12a: {  	[tilespmem:s21], [sflag:$0x1] =	stream.indirect.gather @!p0 [hbm4b:s5+s7], $0x20, s10, s7, $0xb8;
	[tilespmem:$0x19700] =	vst v63  }
0x12b: {  	s10 =	simm.s32 @!p0 $0x268;
	s21 =	simm.s32 @!p0 $0x4BC0  }
0x12c: {  	[tilespmem:s21], [sflag:$0x1] =	stream.indirect.gather @!p0 [hbm4b:s5+s7], $0x20, s10, s7, $0xb8;
	[tilespmem:$0x19700] =	vst v63  }
0x12d: {  	s10 =	simm.s32 @!p0 $0x2A0;
	s21 =	simm.s32 @!p0 $0x5200  }
0x12e: {  	[tilespmem:s21], [sflag:$0x1] =	stream.indirect.gather @!p0 [hbm4b:s5+s7], $0x20, s10, s7, $0xb8;
	[tilespmem:$0x19700] =	vst v63  }
0x12f: {  	s10 =	simm.s32 @!p0 $0x2D8;
	s21 =	simm.s32 @!p0 $0x5840  }
0x130: {  	[tilespmem:s21], [sflag:$0x1] =	stream.indirect.gather @!p0 [hbm4b:s5+s7], $0x20, s10, s7, $0xb8;
	[tilespmem:$0x19700] =	vst v63  }
0x131: {  	s10 =	simm.s32 @!p0 $0x310;
	s21 =	simm.s32 @!p0 $0x5E80  }
0x132: {  	[tilespmem:s21], [sflag:$0x1] =	stream.indirect.gather @!p0 [hbm4b:s5+s7], $0x20, s10, s7, $0xb8;
	[tilespmem:$0x19700] =	vst v63  }
0x133: {  	s10 =	simm.s32 @!p0 $0x348;
	s21 =	simm.s32 @!p0 $0x64C0  }
0x134: {  	[tilespmem:s21], [sflag:$0x1] =	stream.indirect.gather @!p0 [hbm4b:s5+s7], $0x20, s10, s7, $0xb8;
	[tilespmem:$0x19700] =	vst v63  }
0x135: {  	_ =	swait.ge [sflag:s17], $0x640  }
0x136: {  	[sflag:s17] =	ssyncset.done $0x0  }
0x137: {  	[sflag:s17] =	ssyncadd.s32 $0xFFFFF9C0  }
0x138: {  	_ =	swait.ge [sflag:s17], $0x640  }
0x139: {  	[sflag:s17] =	ssyncset.done $0x0  }
0x13a: {  	[sflag:s17] =	ssyncadd.s32 $0xFFFFF9C0  }
0x13b: {  	_ =	swait.ge [sflag:s17], $0x640  }
0x13c: {  	[sflag:s17] =	ssyncset.done $0x0  }
0x13d: {  	[sflag:s17] =	ssyncadd.s32 $0xFFFFF9C0  }
0x13e: {  	_ =	swait.ge [sflag:s17], $0x640  }
0x13f: {  	[sflag:s17] =	ssyncset.done $0x0  }
0x140: {  	[sflag:s17] =	ssyncadd.s32 $0xFFFFF9C0  }
0x141: {  	_ =	swait.ge [sflag:s17], $0x640  }
0x142: {  	[sflag:s17] =	ssyncset.done $0x0  }
0x143: {  	[sflag:s17] =	ssyncadd.s32 $0xFFFFF9C0  }
0x144: {  	_ =	swait.ge [sflag:s17], $0x640  }
0x145: {  	[sflag:s17] =	ssyncset.done $0x0  }
0x146: {  	[sflag:s17] =	ssyncadd.s32 $0xFFFFF9C0  }
0x147: {  	_ =	swait.ge [sflag:s17], $0x640  }
0x148: {  	[sflag:s17] =	ssyncset.done $0x0  }
0x149: {  	[sflag:s17] =	ssyncadd.s32 $0xFFFFF9C0  }
0x14a: {  	_ =	swait.ge [sflag:s17], $0x640  }
0x14b: {  	[sflag:s17] =	ssyncset.done $0x0  }
0x14c: {  	[sflag:s17] =	ssyncadd.s32 $0xFFFFF9C0  }
0x14d: {  	_ =	swait.ge [sflag:s17], $0x640  }
0x14e: {  	[sflag:s17] =	ssyncset.done $0x0  }
0x14f: {  	[sflag:s17] =	ssyncadd.s32 $0xFFFFF9C0  }
0x150: {  	_ =	swait.ge [sflag:s17], $0x640  }
0x151: {  	[sflag:s17] =	ssyncset.done $0x0  }
0x152: {  	[sflag:s17] =	ssyncadd.s32 $0xFFFFF9C0  }
0x153: {  	_ =	swait.ge [sflag:s17], $0x640  }
0x154: {  	[sflag:s17] =	ssyncset.done $0x0  }
0x155: {  	[sflag:s17] =	ssyncadd.s32 $0xFFFFF9C0  }
0x156: {  	_ =	swait.ge [sflag:s17], $0x640  }
0x157: {  	[sflag:s17] =	ssyncset.done $0x0  }
0x158: {  	[sflag:s17] =	ssyncadd.s32 $0xFFFFF9C0  }
0x159: {  	_ =	swait.ge [sflag:s17], $0x640  }
0x15a: {  	[sflag:s17] =	ssyncset.done $0x0  }
0x15b: {  	[sflag:s17] =	ssyncadd.s32 $0xFFFFF9C0  }
0x15c: {  	_ =	swait.ge [sflag:s17], $0x640  }
0x15d: {  	[sflag:s17] =	ssyncset.done $0x0  }
0x15e: {  	[sflag:s17] =	ssyncadd.s32 $0xFFFFF9C0  }
0x15f: {  	_ =	swait.ge [sflag:s17], $0x640  }
0x160: {  	[sflag:s17] =	ssyncset.done $0x0  }
0x161: {  	[sflag:s17] =	ssyncadd.s32 $0xFFFFF9C0  }
0x162: {  	_ =	swait.ge [sflag:s17], $0x640  }
0x163: {  	[sflag:s17] =	ssyncset.done $0x0  }
0x164: {  	s21 =	simm.s32 $0x0;
	[sflag:s17] =	ssyncadd.s32 $0xFFFFF9C0  }
0x165: {  	v1 =	vld [tilespmem:s21+$0x6B00]  }
0x166: {  	v0 =	vld [tilespmem:s21+$0x6CF0]  }
0x167: {  	v2 =	vld [tilespmem:s21+$0x6B10]  }
0x168: {  	v3 =	vld [tilespmem:s21+$0x6B20]  }
0x169: {  	v7 =	vld [tilespmem:s21+$0x6B60]  }
0x16a: {  	v5 =	vld [tilespmem:s21+$0x6B40];
	v1 =	vmul.f32 $5.656854150e+00, v1  }
0x16b: {  	v4 =	vld [tilespmem:s21+$0x6B30];
	v0 =	vmul.f32 $5.656854150e+00, v0  }
0x16c: {  	v8 =	vld [tilespmem:s21+$0x6B80];
	v2 =	vmul.f32 $5.656854150e+00, v2;
	[tilespmem:s21+$0x13300] =	vst v1  }
0x16d: {  	v6 =	vld [tilespmem:s21+$0x6B50];
	[tilespmem:s21+$0x134F0] =	vst v0;
	v0 =	vmul.f32 $5.656854150e+00, v3  }
0x16e: {  	v7 =	vmul.f32 $5.656854150e+00, v7;
	v1 =	vld [tilespmem:s21+$0x6B70];
	[tilespmem:s21+$0x13310] =	vst v2  }
0x16f: {  	v3 =	vld [tilespmem:s21+$0x6B90];
	[tilespmem:s21+$0x13320] =	vst v0;
	v0 =	vmul.f32 $5.656854150e+00, v5  }
0x170: {  	v2 =	vmul.f32 $5.656854150e+00, v4;
	v4 =	vld [tilespmem:s21+$0x6BA0];
	[tilespmem:s21+$0x13360] =	vst v7  }
0x171: {  	v5 =	vld [tilespmem:s21+$0x6BB0];
	[tilespmem:s21+$0x13340] =	vst v0;
	v0 =	vmul.f32 $5.656854150e+00, v8  }
0x172: {  	[tilespmem:s21+$0x13330] =	vst v2;
	v2 =	vmul.f32 $5.656854150e+00, v6;
	v6 =	vld [tilespmem:s21+$0x6BC0]  }
0x173: {  	v8 =	vld [tilespmem:s21+$0x6BD0];
	[tilespmem:s21+$0x13380] =	vst v0;
	v0 =	vmul.f32 $5.656854150e+00, v1  }
0x174: {  	[tilespmem:s21+$0x13350] =	vst v2;
	v1 =	vmul.f32 $5.656854150e+00, v3;
	v3 =	vld [tilespmem:s21+$0x6BF0]  }
0x175: {  	v2 =	vld [tilespmem:s21+$0x6BE0];
	[tilespmem:s21+$0x13370] =	vst v0;
	v0 =	vmul.f32 $5.656854150e+00, v4  }
0x176: {  	v4 =	vld [tilespmem:s21+$0x6C00];
	[tilespmem:s21+$0x13390] =	vst v1;
	v1 =	vmul.f32 $5.656854150e+00, v5  }
0x177: {  	v5 =	vld [tilespmem:s21+$0x6C10];
	[tilespmem:s21+$0x133A0] =	vst v0;
	v0 =	vmul.f32 $5.656854150e+00, v6  }
0x178: {  	v6 =	vld [tilespmem:s21+$0x6C20];
	[tilespmem:s21+$0x133B0] =	vst v1;
	v1 =	vmul.f32 $5.656854150e+00, v8  }
0x179: {  	v7 =	vld [tilespmem:s21+$0x6C30];
	v3 =	vmul.f32 $5.656854150e+00, v3;
	[tilespmem:s21+$0x133C0] =	vst v0  }
0x17a: {  	v8 =	vld [tilespmem:s21+$0x6C60];
	v0 =	vmul.f32 $5.656854150e+00, v2;
	[tilespmem:s21+$0x133D0] =	vst v1  }
0x17b: {  	v2 =	vld [tilespmem:s21+$0x6C40];
	v1 =	vmul.f32 $5.656854150e+00, v4;
	[tilespmem:s21+$0x133F0] =	vst v3  }
0x17c: {  	v4 =	vld [tilespmem:s21+$0x6C50];
	[tilespmem:s21+$0x133E0] =	vst v0;
	v0 =	vmul.f32 $5.656854150e+00, v5  }
0x17d: {  	v5 =	vld [tilespmem:s21+$0x6C70];
	[tilespmem:s21+$0x13400] =	vst v1;
	v1 =	vmul.f32 $5.656854150e+00, v6  }
0x17e: {  	[tilespmem:s21+$0x13410] =	vst v0;
	v0 =	vmul.f32 $5.656854150e+00, v7;
	v7 =	vld [tilespmem:s21+$0x6C80]  }
0x17f: {  	v3 =	vld [tilespmem:s21+$0x6C90];
	v8 =	vmul.f32 $5.656854150e+00, v8;
	[tilespmem:s21+$0x13420] =	vst v1  }
0x180: {  	v1 =	vmul.f32 $5.656854150e+00, v2;
	[tilespmem:s21+$0x13430] =	vst v0;
	v0 =	vld [tilespmem:s21+$0x6CA0]  }
0x181: {  	v2 =	vld [tilespmem:s21+$0x6CB0];
	[tilespmem:s21+$0x13460] =	vst v8;
	v4 =	vmul.f32 $5.656854150e+00, v4  }
0x182: {  	[tilespmem:s21+$0x13440] =	vst v1;
	v1 =	vld [tilespmem:s21+$0x6CC0];
	v6 =	vmul.f32 $5.656854150e+00, v5  }
0x183: {  	s7 =	simm.s32 $0x0;
	s10 =	simm.s32 $0x800;
	[tilespmem:s21+$0x13450] =	vst v4;
	v4 =	vld [tilespmem:s21+$0x6CD0];
	v5 =	vmul.f32 $5.656854150e+00, v7  }
.LBB2_5:
0x184: {  	s22 =	sshra.s32 s10, $0x2;
	s7 =	sadd.s32 $0x4, s7;
	[tilespmem:s21+$0x13470] =	vst v6;
	v3 =	vmul.f32 $5.656854150e+00, v3;
	v6 =	vld [tilespmem:s21+$0x6CE0]  }
0x185: {  	v7 =	vld [tilespmem:s22+$0x6CF0];
	p0 =	slt.u32 s7, $0xC4;
	[tilespmem:s21+$0x13480] =	vst v5;
	v0 =	vmul.f32 $5.656854150e+00, v0  }
0x186: {  	v5 =	vld [tilespmem:s22+$0x6B00];
	[tilespmem:s21+$0x13490] =	vst v3;
	v2 =	vmul.f32 $5.656854150e+00, v2  }
0x187: {  	v3 =	vld [tilespmem:s22+$0x6B10];
	[tilespmem:s21+$0x134A0] =	vst v0;
	v0 =	vmul.f32 $5.656854150e+00, v1  }
0x188: {  	v1 =	vld [tilespmem:s22+$0x6B20];
	[tilespmem:s21+$0x134B0] =	vst v2;
	v2 =	vmul.f32 $5.656854150e+00, v4  }
0x189: {  	v4 =	vld [tilespmem:s22+$0x6B30];
	[tilespmem:s21+$0x134C0] =	vst v0;
	v0 =	vmul.f32 $5.656854150e+00, v6  }
0x18a: {  	v6 =	vld [tilespmem:s22+$0x6B40];
	v7 =	vmul.f32 $5.656854150e+00, v7;
	[tilespmem:s21+$0x134D0] =	vst v2  }
0x18b: {  	v2 =	vmul.f32 $5.656854150e+00, v5;
	v5 =	vld [tilespmem:s22+$0x6B50];
	[tilespmem:s21+$0x134E0] =	vst v0;
	s21 =	smov.u32 s22  }
0x18c: {  	v0 =	vmul.f32 $5.656854150e+00, v3;
	v3 =	vld [tilespmem:s21+$0x6B60];
	[tilespmem:s21+$0x134F0] =	vst v7  }
0x18d: {  	[tilespmem:s21+$0x13300] =	vst v2;
	v1 =	vmul.f32 $5.656854150e+00, v1;
	v2 =	vld [tilespmem:s21+$0x6B70]  }
0x18e: {  	[tilespmem:s21+$0x13310] =	vst v0;
	v0 =	vmul.f32 $5.656854150e+00, v4;
	v4 =	vld [tilespmem:s21+$0x6B80]  }
0x18f: {  	[tilespmem:s21+$0x13320] =	vst v1;
	v1 =	vmul.f32 $5.656854150e+00, v6;
	v6 =	vld [tilespmem:s21+$0x6B90]  }
0x190: {  	[tilespmem:s21+$0x13330] =	vst v0;
	v0 =	vmul.f32 $5.656854150e+00, v5;
	v5 =	vld [tilespmem:s21+$0x6BA0]  }
0x191: {  	[tilespmem:s21+$0x13340] =	vst v1;
	v1 =	vmul.f32 $5.656854150e+00, v3;
	v3 =	vld [tilespmem:s21+$0x6BB0]  }
0x192: {  	[tilespmem:s21+$0x13350] =	vst v0;
	v0 =	vmul.f32 $5.656854150e+00, v2;
	v2 =	vld [tilespmem:s21+$0x6BC0]  }
0x193: {  	[tilespmem:s21+$0x13360] =	vst v1;
	v1 =	vmul.f32 $5.656854150e+00, v4;
	v4 =	vld [tilespmem:s21+$0x6BD0]  }
0x194: {  	[tilespmem:s21+$0x13370] =	vst v0;
	v0 =	vmul.f32 $5.656854150e+00, v6;
	v6 =	vld [tilespmem:s21+$0x6BE0]  }
0x195: {  	[tilespmem:s21+$0x13380] =	vst v1;
	v1 =	vmul.f32 $5.656854150e+00, v5;
	v5 =	vld [tilespmem:s21+$0x6BF0]  }
0x196: {  	[tilespmem:s21+$0x13390] =	vst v0;
	v0 =	vmul.f32 $5.656854150e+00, v3;
	v3 =	vld [tilespmem:s21+$0x6C00]  }
0x197: {  	[tilespmem:s21+$0x133A0] =	vst v1;
	v1 =	vmul.f32 $5.656854150e+00, v2;
	v2 =	vld [tilespmem:s21+$0x6C10]  }
0x198: {  	[tilespmem:s21+$0x133B0] =	vst v0;
	v0 =	vmul.f32 $5.656854150e+00, v4;
	v4 =	vld [tilespmem:s21+$0x6C20]  }
0x199: {  	[tilespmem:s21+$0x133C0] =	vst v1;
	v1 =	vmul.f32 $5.656854150e+00, v6;
	v6 =	vld [tilespmem:s21+$0x6C30]  }
0x19a: {  	[tilespmem:s21+$0x133D0] =	vst v0;
	v0 =	vmul.f32 $5.656854150e+00, v5;
	v5 =	vld [tilespmem:s21+$0x6C40]  }
0x19b: {  	[tilespmem:s21+$0x133E0] =	vst v1;
	v1 =	vmul.f32 $5.656854150e+00, v3;
	v7 =	vld [tilespmem:s21+$0x6C50]  }
0x19c: {  	[tilespmem:s21+$0x133F0] =	vst v0;
	v0 =	vmul.f32 $5.656854150e+00, v2;
	v2 =	vld [tilespmem:s21+$0x6C60]  }
0x19d: {  	[tilespmem:s21+$0x13400] =	vst v1;
	v1 =	vmul.f32 $5.656854150e+00, v4;
	v4 =	vld [tilespmem:s21+$0x6C70]  }
0x19e: {  	[tilespmem:s21+$0x13410] =	vst v0;
	v0 =	vmul.f32 $5.656854150e+00, v6;
	v8 =	vld [tilespmem:s21+$0x6C80]  }
.Ltmp1:
0x19f: {  	[tilespmem:s21+$0x13420] =	vst v1;
	v1 =	vmul.f32 $5.656854150e+00, v5;
	v3 =	vld [tilespmem:s21+$0x6C90];
	(pc) =	sbr.rel @p0 .LBB2_5-.Ltmp1, $4  }
0x1a0: {  	[tilespmem:s21+$0x13430] =	vst v0;
	v5 =	vmul.f32 $5.656854150e+00, v7;
	v0 =	vld [tilespmem:s21+$0x6CA0]  }
0x1a1: {  	[tilespmem:s21+$0x13440] =	vst v1;
	v7 =	vmul.f32 $5.656854150e+00, v2;
	v2 =	vld [tilespmem:s21+$0x6CB0]  }
0x1a2: {  	[tilespmem:s21+$0x13450] =	vst v5;
	v6 =	vmul.f32 $5.656854150e+00, v4;
	v1 =	vld [tilespmem:s21+$0x6CC0]  }
0x1a3: {  	s10 =	sadd.s32 $0x800, s10;
	[tilespmem:s21+$0x13460] =	vst v7;
	v5 =	vmul.f32 $5.656854150e+00, v8;
	v4 =	vld [tilespmem:s21+$0x6CD0]  }
0x1a4: {  	[tilespmem:s21+$0x13470] =	vst v6;
	v3 =	vmul.f32 $5.656854150e+00, v3;
	v60 =	vld [tilespmem:s21+$0x6CE0]  }
0x1a5: {  	[tilespmem:s21+$0x13480] =	vst v5;
	v0 =	vmul.f32 $5.656854150e+00, v0  }
0x1a6: {  	s7 =	smul.u32 $0xC8, s20;
	[tilespmem:s21+$0x13490] =	vst v3;
	v2 =	vmul.f32 $5.656854150e+00, v2  }
0x1a7: {  	[tilespmem:s21+$0x134A0] =	vst v0;
	v61 =	vmul.f32 $5.656854150e+00, v1  }
0x1a8: {  	s7 =	sadd.s32 s8, s7;
	[tilespmem:s21+$0x134B0] =	vst v2;
	v62 =	vmul.f32 $5.656854150e+00, v4  }
0x1a9: {  	s19 =	sadd.s32 $0x1, s19;
	s7 =	sshll.u32 s7, $0x4;
	[tilespmem:s21+$0x134C0] =	vst v61;
	v63 =	vmul.f32 $5.656854150e+00, v60  }
0x1aa: {  	p0 =	sne.s32 s19, $0x10;
	s7 =	sand.u32 $0x1FFFFF80, s7;
	[tilespmem:s21+$0x134D0] =	vst v62  }
.Ltmp2:
0x1ab: {  	s7 =	sadd.s32 s2, s7;
	[tilespmem:s21+$0x134E0] =	vst v63;
	(pc) =	sbr.rel @p0 .LBB2_2-.Ltmp2, $4  }
0x1ac: {  	[hbm4b:s7+s3] =	stream.linear.scatter [tilespmem:s18], [sflag:$0x3], $0x6400, $0x38;
	[tilespmem:$0x19700] =	vst v63  }
0x1ad: {  	_ =	swait.ge [sflag:s11], $0x6400  }
0x1ae: {  	[sflag:s11] =	ssyncset.done $0x0  }
0x1af: {  	[sflag:s11] =	ssyncadd.s32 $0xFFFF9C00  }
0x1b0: {  	s10 =	rddreg [dreg:$0x5]  }
0x1b1: {  	s7 =	rddreg [dreg:$0x4];
	s10 =	sadd.s32 $0x1, s10  }
0x1b2: {  	p0 =	sne.s32 s10, s7  }
.Ltmp3:
0x1b3: {  	_ = 	snop;
	(pc) =	sbr.rel @p0 .LBB2_1-.Ltmp3, $1  }
0x1b4: {  	_ =	sdelay $0x3  }
0x1b5: {  	_ =	sfence.sel $0x180000  }
0x1b6: {  	[bflag:$0x0] =	sbarrier.arrive $0xFFFF  }
0x1b7: {  	_ =	strace $0x90000047  }
0x1b8: {  	s0 =	stileid.u32;
	[bflag:$0x2] =	sbarrier.arrive $0xFFFF  }
0x1b9: {  	p0 =	sne.s32 s0, $0x0;
	s0 =	rddreg [dreg:$0x2]  }
0x1ba: {  	s0 =	sadd.s32 @!p0 $0x100000, s0  }
0x1bb: {  	[sflag:s0] =	ssyncadd.tile.s32 @!p0 $0x1;
	_ =	shalt  }
.Lfunc_end2:
_tile_overlayer_lowered:
.L_overlay_start_2:
0x1bc: {  	(tag) =	ssettag $0x2  }
0x1bd: {  	s0 =	rddreg [dreg:$0x0];
	s2 =	stileid.u32  }
0x1be: {  	s1 =	rddreg [dreg:$0x1];
	p0 =	sne.s32 s2, $0x0  }
0x1bf: {  	s3 =	rddreg [dreg:$0x2];
	[bflag:$0x3] =	sbarrier.arrive $0xFFFF;
	s2 =	simm.s32 @!p0 $0x1C03  }
0x1c0: {  	[timem:s3], [sflag:s2] =	dma.local @!p0 [hbm:s0], s1  }
0x1c1: {  	s0 =	simm.s32 @!p0 $0x3  }
0x1c2: {  	_ =	swait.ge @!p0 [sflag:s0], s1  }
0x1c3: {  	s1 =	ssub.s32 @!p0 $0x0, s1;
	[sflag:s0] =	ssyncset.done @!p0 $0x0  }
0x1c4: {  	[sflag:s0] =	ssyncadd.s32 @!p0 s1  }
0x1c5: {  	[bflag:$0x3] =	sbarrier.arrive $0xFFFF  }
0x1c6: {  	_ =	shalt  }

// kernel: sparse-core-data-format-call.cloned.1.call-start
scs
called_computation_lowered:
.L_overlay_start_0:
0x0: {  	s2 =	sld [smem:$0x3FD9]  }
0x1: {  	s3 =	sld [smem:$0x3FFE];
	_ =	sdelay $0x1  }
0x2: {  	s1 =	srdreg.scid  }
0x3: {  	s0 =	sand.u32 $0x1, s1  }
0x4: {  	s18 =	sshll.u32 s0, $0xA;
	s2 =	sadd.s32 s3, s2  }
0x5: {  	s2 =	sadd.s32 s2, s18  }
0x6: {  	[smem:$0x3FC6] =	sst s2  }
0x7: {  	_ = 	snop  }
0x8: {  	s2 =	sld [smem:$0x3FD0];
	(tm) =	ssettm $0x1  }
0x9: {  	s19 =	sld [smem:$0x3FFB];
	_ =	sdelay $0x3  }
0xa: {  	_ =	strace s19  }
0xb: {  	s3 =	sld [smem:$0x3FFC];
	_ =	sdelay $0x3  }
0xc: {  	_ =	strace s3  }
0xd: {  	s3 =	sld [smem:$0x3FFD];
	_ =	sdelay $0x3  }
0xe: {  	_ =	strace s3  }
0xf: {  	_ =	strace $0x8FFFFFFF  }
0x10: {  	s20 =	sld [smem:$0x3FDB];
	_ =	sdelay $0x1  }
0x11: {  	s4 =	simm.s32 $_scs_section_size  }
0x12: {  	s5 =	simm.s32 $_size__tile_overlayer_lowered;
	s6 =	simm.s32 $_tile_overlayer_lowered  }
0x13: {  	s23 =	simm.s32 $0x1BFF;
	s22 =	sshll.u32 s6, $0x1;
	s3 =	sadd.s32 s4, s20  }
0x14: {  	s7 =	simm.s32 $0x0;
	s21 =	sshll.u32 s5, $0x1;
	s5 =	sadd.s32 s22, s3  }
0x15: {  	[timem:s7], [sflag:s23] =	dma.local [hbm:s5], s21  }
0x16: {  	_ =	swait.ge [sflag:s23], s21  }
0x17: {  	s4 =	ssub.s32 $0x0, s21;
	[sflag:s23] =	ssyncset.done $0x0  }
0x18: {  	[sflag:s23] =	ssyncadd.s32 s4;
	_ =	sdelay $0x1  }
0x19: {  	s24 =	simm.s32 $0x1B8B  }
0x1a: {  	_ =	swait.ge [sflag:s24], $0x1  }
0x1b: {  	[sflag:s24] =	ssyncset.done $0x0  }
0x1c: {  	s26 =	simm.s32 $0x1B8E;
	s25 =	sld [smem:$0x3FFE];
	[sflag:s24] =	ssyncadd.s32 $0xFFFFFFFF  }
0x1d: {  	s27 =	simm.s32 $execute0_lowered;
	[smem:$0x3FD2] =	sst s26  }
0x1e: {  	s5 =	sshll.u32 s27, $0x1;
	_ =	strace $0x80000049;
	[dreg:$0x1] =	wrdreg $0xFFFFFFFF  }
0x1f: {  	s28 =	simm.s32 $_size_execute0_lowered;
	s3 =	sadd.s32 s3, s5;
	[dreg:$0x0] =	wrdreg $0x0  }
0x20: {  	s5 =	sshll.u32 s28, $0x1;
	[dreg:$0x2] =	wrdreg s3  }
0x21: {  	[dreg:$0x3] =	wrdreg s5  }
0x22: {  	[dreg:$0x4] =	wrdreg $0xC0  }
0x23: {  	_ =	task [dreg:s7], $0x5FFFF  }
0x24: {  	[dreg:$0x1] =	wrdreg $0xFFFFFFFF  }
0x25: {  	[dreg:$0x0] =	wrdreg $0x60  }
0x26: {  	[dreg:$0x2] =	wrdreg s25  }
0x27: {  	[dreg:$0x3] =	wrdreg s2  }
0x28: {  	[dreg:$0x4] =	wrdreg $0x9  }
0x29: {  	_ =	task.clear_ibuf [dreg:s7], $0x5FFFF;
	_ =	strace $0x90000049  }
0x2a: {  	s29 =	simm.s32 $0x9;
	_ =	strace $0x8000004B  }
0x2b: {  	_ =	swait.ge [sflag:s29], $0x1  }
0x2c: {  	[sflag:s29] =	ssyncadd.s32 $0xFFFFFFFF  }
0x2d: {  	_ =	strace $0x9000004B  }
0x2e: {  	_ =	sfence  }
0x2f: {  	s30 =	sld [smem:$0x0];
	_ =	sdelay $0x2  }
0x30: {  	s31 =	sshll.u32 s1, $0xD;
	s1 =	sshrl.u32 s1, $0x2  }
0x31: {  	s3 =	sand.u32 $0x4000, s31;
	s1 =	sadd.s32 s1, s30  }
0x32: {  	s0 =	sor.u32 s3, s0;
	s1 =	sshll.u32 s1, $0x11  }
0x33: {  	s0 =	sor.u32 s1, s0  }
0x34: {  	s0 =	sadd.s32 $0x8F2B, s0  }
0x35: {  	[sflag:s0] =	ssyncadd.remote.s32 $0x1  }
0x36: {  	_ =	sfence.sel $0xFFFF  }
0x37: {  	[dreg:$0x0] =	wrdreg $0xFFFFFFFF;
	(pc) =	sbr.abs _section_cstart, $3  }
0x38: {  	[dreg:$0x1] =	wrdreg $0xFFFFFFFF  }
0x39: {  	_ =	task.clear_ibuf [dreg:s7], $0x2FFFF;
	_ =	strace $0x9FFFFFFF  }
0x3a: {  	(tm) =	ssettm $0x7FFFFFFF  }
0x3b: {  	_ =	shalt  }
tec
execute0_lowered:
.L_overlay_start_1:
0x0: {  	(tag) =	ssettag $0x1  }
0x1: {  	s0 =	srdreg.scid  }
0x2: {  	s1 =	sshll.u32 s0, $0x4  }
0x3: {  	s0 =	stileid.u32;
	s1 =	sand.u32 $0x10, s1  }
0x4: {  	s1 =	sor.u32 s0, s1  }
0x5: {  	s6 =	rddreg [dreg:$0x0];
	s4 =	simm.s32 $0x1;
	s2 =	sshll.u32 s1, $0x7  }
0x6: {  	s7 =	simm.s32 $0x2;
	s12 =	simm.s32 $0x0;
	s1 =	ssub.s32 $0x4000, s2  }
0x7: {  	s8 =	simm.s32 $0x20000;
	s13 =	simm.s32 $0x0;
	s3 =	sand.u32 $0xF80, s1  }
0x8: {  	s9 =	simm.s32 $0x0;
	s5 =	sshrl.u32 s1, $0xC;
	p0 =	sne.s32 s3, $0x0  }
.Ltmp0:
0x9: {  	s1 =	rddreg [dreg:$0x2];
	s4 =	simm.s32 @!p0 $0x0;
	(pc) =	sbr.rel .LBB1_1-.Ltmp0, $4  }
0xa: {  	s11 =	simm.s32 $0x0;
	s3 =	rddreg [dreg:$0x1];
	s5 =	sadd.s32 s4, s5  }
0xb: {  	_ =	strace $0x8000004A;
	s4 =	simm.s32 $0x1;
	s5 =	smul.u32 $0x32, s5  }
0xc: {  	s6 =	sadd.s32 $0xA00, s6;
	s10 =	smov.u32 s2;
	[sflag:s4] =	ssyncpa.u1 $0x0  }
0xd: {  	p0 =	por $0x0, $0x0;
	[sflag:s7] =	ssyncpa.u1 $0x0;
	s7 =	sor.u32 $0x1, s5  }
.LBB1_4:
0xe: {  	s16 =	sshll.u32 s13, $0x3;
	s17 =	sand.u32 $0x78, s13  }
0xf: {  	s30 =	sand.u32 $0xF800, s13;
	s12 =	sshll.u32 s12, $0x10;
	s16 =	sand.u32 $0x3C00, s16  }
0x10: {  	s31 =	sand.u32 $0x7, s13;
	s16 =	sor.u32 s17, s16;
	s17 =	sadd.s32 s3, s30  }
0x11: {  	s13 =	sshll.u32 s31, $0x12;
	s16 =	sshrl.u32 s16, $0x3;
	s12 =	sadd.s32 s12, s17  }
0x12: {  	[tilespmem:s15+$0x0 ss:$0x81] =	vst.msk $0xffff, v0;
	s13 =	sor.u32 $0x400, s13;
	s12 =	sadd.s32 s16, s12  }
0x13: {  	[hbm4b:s12+s13] =	stream.strided.scatter [tilespmem:s14], [sflag:$0x2], $0x1000, s8, s13, $0x20;
	[tilespmem:$0x4040] =	vst v63  }
.LBB1_5:
0x14: {  	s14 =	sadd.s32 $0x1, s9  }
0x15: {  	s12 =	sadd.s32 $0x1000, s10;
	s16 =	smov.u32 s10;
	p2 =	sgt.s32 s14, $0x31  }
0x16: {  	s16 =	smov.u32 @p2 s12  }
0x17: {  	s14 =	simm.s32 @p2 $0x0;
	p2 =	sgt.s32 s16, $0x3FFF  }
0x18: {  	s16 =	smov.u32 @p2 s2;
	p2 =	sne.s32 s11, s7  }
.Ltmp1:
0x19: {  	p1 =	slt.u32 s11, $0x2;
	(pc) =	sbr.rel @!p2 .LBB1_6-.Ltmp1, $4  }
0x1a: {  	s15 =	simm.s32 @!p1 $0x2  }
0x1b: {  	s13 =	smov.u32 s10;
	p0 =	por !p0, !p0;
	_ =	swait.ge @!p1 [sflag:s15], $0x1000  }
0x1c: {  	s12 =	smov.u32 s9;
	[sflag:s15] =	ssyncset.done @!p1 $0x0;
	s9 =	smov.u32 s14  }
0x1d: {  	s11 =	sadd.s32 $0x1, s11;
	[sflag:s15] =	ssyncadd.s32 @!p1 $0xFFFFF000;
	s10 =	smov.u32 s16  }
.LBB1_1:
0x1e: {  	p1 =	sge.u32 s11, s5  }
0x1f: {  	s14 =	sand.u32 @!p1 $0x1FFFFFF, s9  }
0x20: {  	s15 =	smulhi.u32 @!p1 $0x4924925, s14;
	_ =	sdelay $0x1  }
0x21: {  	s15 =	smul.u32 @!p1 $0x38, s15  }
0x22: {  	s16 =	sxor.u32 @!p1 $0xFFFFFFFF, s11;
	s17 =	smul.u32 @!p1 $0x380, s10  }
0x23: {  	s31 =	sadd.s32 $0xFFFFFFFF, s11;
	s16 =	sshll.u32 @!p1 s16, $0xC;
	s14 =	ssub.s32 @!p1 s14, s15  }
0x24: {  	s15 =	sand.u32 @!p1 $0x1000, s16;
	s16 =	sadd.s32 @!p1 s6, s17;
	s14 =	sshll.u32 @!p1 s14, $0x4  }
0x25: {  	s17 =	simm.s32 @!p1 $0x1C00;
	s14 =	sadd.s32 @!p1 s14, s16;
	s16 =	simm.s32 @!p1 $0x20  }
0x26: {  	[tilespmem:s15], [sflag:$0x1] =	stream.strided.gather @!p1 [hbm4b:s14+s16], $0x1000, s17, s16, $0x38;
	[tilespmem:$0x4040] =	vst v63  }
0x27: {  	p1 =	sge.u32 s31, s5  }
.Ltmp2:
0x28: {  	_ = 	snop;
	(pc) =	sbr.rel @p1 .LBB1_5-.Ltmp2, $1  }
0x29: {  	_ =	sdelay $0x3  }
0x2a: {  	s14 =	simm.s32 $0x1  }
0x2b: {  	_ =	swait.ge [sflag:s4], $0x1000;
	s14 =	simm.s32 @!p0 $0x0  }
0x2c: {  	[sflag:s4] =	ssyncset.done $0x0;
	s15 =	sshll.u32 s14, $0xC  }
0x2d: {  	[sflag:s4] =	ssyncadd.s32 $0xFFFFF000;
	s18 =	sor.u32 $0x10, s15  }
0x2e: {  	s14 =	smul.u32 $0x4080, s14;
	v1 =	vld [tilespmem:s18+$0x0]  }
0x2f: {  	s30 =	sand.u32 $0x1, s11;
	v0 =	vld [tilespmem:s18+$0xFFFFFFF0]  }
0x30: {  	s15 =	smul.u32 $0x4080, s30;
	s14 =	sshrl.u32 s14, $0x2  }
0x31: {  	s16 =	sor.u32 $0x2000, s14  }
0x32: {  	s31 =	sshrl.u32 s15, $0x2;
	s15 =	sadd.s32 $0x0, s16  }
0x33: {  	s17 =	simm.s32 $0x4;
	s18 =	sadd.s32 $0x20, s18;
	s14 =	sor.u32 $0x2000, s31;
	[tilespmem:s15+$0x810 ss:$0x81] =	vst.msk $0xffff, v1  }
.LBB1_3:
0x34: {  	v1 =	vld [tilespmem:s18+$0x0];
	p1 =	sne.s32 s17, $0x1FC;
	[tilespmem:s15+$0x0 ss:$0x81] =	vst.msk $0xffff, v0;
	s15 =	smov.u32 s17;
	s17 =	sadd.s32 $0x4, s17  }
.Ltmp3:
0x35: {  	v0 =	vld [tilespmem:s18+$0xFFFFFFF0];
	(pc) =	sbr.rel @p1 .LBB1_3-.Ltmp3, $4  }
0x36: {  	_ = 	snop  }
0x37: {  	s15 =	sshra.s32 s15, $0x2  }
0x38: {  	s15 =	sadd.s32 s15, s16  }
0x39: {  	s18 =	sadd.s32 $0x20, s18;
	[tilespmem:s15+$0x810 ss:$0x81] =	vst.msk $0xffff, v1  }
.Ltmp4:
0x3a: {  	_ = 	snop;
	(pc) =	sbr.rel .LBB1_4-.Ltmp4, $1  }
0x3b: {  	_ =	sdelay $0x3  }
.LBB1_6:
0x3c: {  	_ =	sfence.sel $0x180000  }
0x3d: {  	s2 =	simm.s32 $0x1;
	[bflag:$0x0] =	sbarrier.arrive $0xFFFF  }
0x3e: {  	s31 =	simm.s32 $0x2;
	[sflag:s2] =	ssyncpa.u1 $0x1  }
0x3f: {  	[sflag:s31] =	ssyncpa.u1 $0x1  }
0x40: {  	p0 =	sne.s32 s0, $0x0;
	_ =	strace $0x9000004A  }
0x41: {  	s0 =	sadd.s32 @!p0 $0x100000, s1;
	[bflag:$0x2] =	sbarrier.arrive $0xFFFF  }
0x42: {  	[sflag:s0] =	ssyncadd.tile.s32 @!p0 $0x1;
	_ =	shalt  }
.Lfunc_end1:
_tile_overlayer_lowered:
.L_overlay_start_2:
0x43: {  	(tag) =	ssettag $0x2  }
0x44: {  	s0 =	rddreg [dreg:$0x0];
	s2 =	stileid.u32  }
0x45: {  	s1 =	rddreg [dreg:$0x1];
	p0 =	sne.s32 s2, $0x0  }
0x46: {  	s3 =	rddreg [dreg:$0x2];
	[bflag:$0x3] =	sbarrier.arrive $0xFFFF;
	s2 =	simm.s32 @!p0 $0x1C01  }
0x47: {  	[timem:s3], [sflag:s2] =	dma.local @!p0 [hbm:s0], s1  }
0x48: {  	s0 =	simm.s32 @!p0 $0x1  }
0x49: {  	_ =	swait.ge @!p0 [sflag:s0], s1  }
0x4a: {  	s1 =	ssub.s32 @!p0 $0x0, s1;
	[sflag:s0] =	ssyncset.done @!p0 $0x0  }
0x4b: {  	[sflag:s0] =	ssyncadd.s32 @!p0 s1  }
0x4c: {  	[bflag:$0x3] =	sbarrier.arrive $0xFFFF  }
0x4d: {  	_ =	shalt  }

</sc_bundles>
